<compile_context>
chip_gen: v7x
topology: tpu7x:2x2x1
jax: 0.10.2.dev20260603
libtpu: 0.0.44.dev20260713+nightly
codegen_flags: <defaults>
</compile_context>

<pallas_src>
import functools

import jax
import jax.numpy as jnp
from jax import lax
from jax.experimental import pallas as pl
from jax.experimental.pallas import tpu as pltpu



def _l1_kernel(x_ref, s_ref, g_ref, b_ref, o_ref):
    x = x_ref[...]
    acc = jnp.zeros((64, 86 * 32), jnp.float32) + b_ref[...]
    for di in range(4):
        t = jnp.dot(s_ref[di], x, preferred_element_type=jnp.float32)
        acc = acc + jnp.dot(t, g_ref[di], preferred_element_type=jnp.float32)
    o_ref[...] = jnp.maximum(acc, 0.0)


def _l1_conv(x_pad, s, g, b):
    bsz = x_pad.shape[0]
    return pl.pallas_call(
        _l1_kernel,
        grid=(bsz,),
        in_specs=[
            pl.BlockSpec((None, 130, 174), lambda i: (i, 0, 0)),
            pl.BlockSpec((4, 64, 130), lambda i: (0, 0, 0)),
            pl.BlockSpec((4, 174, 86 * 32), lambda i: (0, 0, 0)),
            pl.BlockSpec((1, 86 * 32), lambda i: (0, 0)),
        ],
        out_specs=pl.BlockSpec((None, 64, 86 * 32), lambda i: (i, 0, 0)),
        out_shape=jax.ShapeDtypeStruct((bsz, 64, 86 * 32), jnp.float32),
    )(x_pad, s, g, b)


def _l1_weights(enc_w1, enc_b1):
    cols = lax.broadcasted_iota(jnp.int32, (174, 86), 0)
    xs = lax.broadcasted_iota(jnp.int32, (174, 86), 1)
    w = enc_w1[:, 0, :, :]
    g = jnp.zeros((4, 174, 86, 32), jnp.float32)
    for dj in range(4):
        m = (cols == 2 * xs + dj).astype(jnp.float32)
        g = g + m[None, :, :, None] * w[:, :, dj].T[:, None, None, :]
    rows = lax.broadcasted_iota(jnp.int32, (4, 64, 130), 1)
    rsel = lax.broadcasted_iota(jnp.int32, (4, 64, 130), 2)
    dis = lax.broadcasted_iota(jnp.int32, (4, 64, 130), 0)
    s = (rsel == 2 * rows + dis).astype(jnp.float32)
    return s, g.reshape(4, 174, 86 * 32), jnp.tile(enc_b1, (86,))[None, :]



def _conv_s2_kernel(a_ref, w_ref, b_ref, o_ref, *, ho, wo, c):
    taps = []
    for di in range(4):
        for dj in range(4):
            v = a_ref[di:di + 2 * ho - 1:2, dj:dj + 2 * wo - 1:2, :]
            taps.append(v.reshape(ho * wo, c))
    patch = jnp.concatenate(taps, axis=1)
    acc = jnp.dot(patch, w_ref[...], preferred_element_type=jnp.float32)
    o_ref[...] = jnp.maximum(acc + b_ref[...], 0.0)


def _conv_s2(x_pad, w, b, ho, wo):
    bsz, hp, wp, c = x_pad.shape
    n = w.shape[1]
    return pl.pallas_call(
        functools.partial(_conv_s2_kernel, ho=ho, wo=wo, c=c),
        grid=(bsz,),
        in_specs=[
            pl.BlockSpec((None, hp, wp, c), lambda i: (i, 0, 0, 0)),
            pl.BlockSpec((16 * c, n), lambda i: (0, 0)),
            pl.BlockSpec((1, n), lambda i: (0, 0)),
        ],
        out_specs=pl.BlockSpec((None, ho * wo, n), lambda i: (i, 0, 0)),
        out_shape=jax.ShapeDtypeStruct((bsz, ho * wo, n), jnp.float32),
    )(x_pad, w, b)


def _conv_3x3_kernel(a_ref, w_ref, b_ref, o_ref, *, h, wd, c):
    taps = []
    for da in range(3):
        for db in range(3):
            v = a_ref[da:da + h, db:db + wd, :]
            taps.append(v.reshape(h * wd, c))
    patch = jnp.concatenate(taps, axis=1)
    acc = jnp.dot(patch, w_ref[...], preferred_element_type=jnp.float32)
    o_ref[...] = jnp.maximum(acc + b_ref[...], 0.0)


def _conv_3x3(x_pad, w, b, h, wd):
    bsz, hp, wp, c = x_pad.shape
    n = w.shape[1]
    return pl.pallas_call(
        functools.partial(_conv_3x3_kernel, h=h, wd=wd, c=c),
        grid=(bsz,),
        in_specs=[
            pl.BlockSpec((None, hp, wp, c), lambda i: (i, 0, 0, 0)),
            pl.BlockSpec((9 * c, n), lambda i: (0, 0)),
            pl.BlockSpec((1, n), lambda i: (0, 0)),
        ],
        out_specs=pl.BlockSpec((None, h * wd, n), lambda i: (i, 0, 0)),
        out_shape=jax.ShapeDtypeStruct((bsz, h * wd, n), jnp.float32),
    )(x_pad, w, b)



def _vq_kernel(z_ref, emb_ref, zq_ref, codes_ref, ssq_ref):
    z = z_ref[...]
    emb = emb_ref[...]
    score = jnp.sum(z * z, axis=1)[:, None] + jnp.sum(emb * emb, axis=1)[None, :]
    score = score - 2.0 * jnp.dot(z, emb.T, preferred_element_type=jnp.float32)
    codes = jnp.argmin(score, axis=1).astype(jnp.int32)
    onehot = (lax.broadcasted_iota(jnp.int32, score.shape, 1)
              == codes[:, None]).astype(jnp.float32)
    zq = jnp.dot(onehot, emb, preferred_element_type=jnp.float32)
    zq_ref[...] = zq
    codes_ref[...] = codes[:, None]
    diff = zq - z
    part = jnp.sum(diff * diff, keepdims=True)

    @pl.when(pl.program_id(0) == 0)
    def _init():
        ssq_ref[...] = jnp.zeros_like(ssq_ref)

    ssq_ref[...] += part


def _vq(z_flat, emb):
    m = z_flat.shape[0]
    bm = 1344
    zq, codes, ssq = pl.pallas_call(
        _vq_kernel,
        grid=(m // bm,),
        in_specs=[
            pl.BlockSpec((bm, 128), lambda i: (i, 0)),
            pl.BlockSpec((512, 128), lambda i: (0, 0)),
        ],
        out_specs=[
            pl.BlockSpec((bm, 128), lambda i: (i, 0)),
            pl.BlockSpec((bm, 1), lambda i: (i, 0)),
            pl.BlockSpec((1, 1), lambda i: (0, 0)),
        ],
        out_shape=[
            jax.ShapeDtypeStruct((m, 128), jnp.float32),
            jax.ShapeDtypeStruct((m, 1), jnp.int32),
            jax.ShapeDtypeStruct((1, 1), jnp.float32),
        ],
    )(z_flat, emb)
    return zq, codes[:, 0], ssq[0, 0]



def _final_kernel(d_ref, w_ref, b_ref, o_ref):
    w = w_ref[...]
    acc = jnp.zeros((128, 168), jnp.float32) + b_ref[0, 0]
    for c in range(16):
        for dy in range(3):
            for dx in range(3):
                acc = acc + d_ref[c, dy:dy + 128, dx:dx + 168] * w[c, dy, dx]
    o_ref[...] = 1.0 / (1.0 + jnp.exp(-acc))


def _final_conv(d_nchw_pad, w, b):
    bsz = d_nchw_pad.shape[0]
    return pl.pallas_call(
        _final_kernel,
        grid=(bsz,),
        in_specs=[
            pl.BlockSpec((None, 16, 130, 170), lambda i: (i, 0, 0, 0)),
            pl.BlockSpec((16, 3, 3), lambda i: (0, 0, 0)),
            pl.BlockSpec((1, 1), lambda i: (0, 0)),
        ],
        out_specs=pl.BlockSpec((None, 128, 168), lambda i: (i, 0, 0)),
        out_shape=jax.ShapeDtypeStruct((bsz, 128, 168), jnp.float32),
    )(d_nchw_pad, w, b)



def _pad_hw(x):
    return jnp.pad(x, ((0, 0), (1, 1), (1, 1), (0, 0)))


def _enc_weight(w):
    return w.transpose(2, 3, 1, 0).reshape(-1, w.shape[0])


def _dec_weight9(w):
    ci, co = w.shape[0], w.shape[1]
    w9 = jnp.zeros((3, 3, ci, 2, 2, co), jnp.float32)
    ytaps = [(0, 0, 3), (0, 1, 1), (1, 1, 2), (1, 2, 0)]
    for ey, a, ky in ytaps:
        for ex, b, kx in ytaps:
            w9 = w9.at[a, b, :, ey, ex, :].set(w[:, :, ky, kx])
    return w9.reshape(9 * ci, 4 * co)


def _dec_layer(x_nhwc, w, bias, h, wd):
    bsz, _, _, ci = x_nhwc.shape
    co = w.shape[1]
    out = _conv_3x3(_pad_hw(x_nhwc), _dec_weight9(w),
                    jnp.tile(bias, (1, 4)), h, wd)
    out = out.reshape(bsz, h, wd, 2, 2, co).transpose(0, 1, 3, 2, 4, 5)
    return out.reshape(bsz, 2 * h, 2 * wd, co)



def kernel(x, enc_w1, enc_b1, enc_w2, enc_b2, enc_w3, enc_b3, emb,
           dec_w1, dec_b1, dec_w2, dec_b2, dec_w3, dec_b3, dec_w4, dec_b4):
    beta = 0.25
    bsz = x.shape[0]

    x_pad = jnp.pad(x[:, 0], ((0, 0), (1, 1), (1, 1)))
    s1, g1, b1 = _l1_weights(enc_w1, enc_b1)
    h1 = _l1_conv(x_pad, s1, g1, b1).reshape(bsz, 64, 86, 32)

    h2 = _conv_s2(_pad_hw(h1), _enc_weight(enc_w2), enc_b2[None, :], 32, 43)
    h2 = h2.reshape(bsz, 32, 43, 64)
    z3 = _conv_s2(_pad_hw(h2), _enc_weight(enc_w3), enc_b3[None, :], 16, 21)
    z_flat = z3.reshape(bsz * 16 * 21, 128)

    zq_flat, codes, ssq = _vq(z_flat, emb)
    vq_loss = (1.0 + beta) * ssq / jnp.float32(z_flat.size)

    zq = zq_flat.reshape(bsz, 16, 21, 128)
    d1 = _dec_layer(zq, dec_w1, dec_b1[None, :], 16, 21)
    d2 = _dec_layer(d1, dec_w2, dec_b2[None, :], 32, 42)
    d3 = _dec_layer(d2, dec_w3, dec_b3[None, :], 64, 84)

    d3p = jnp.pad(d3.transpose(0, 3, 1, 2),
                  ((0, 0), (0, 0), (1, 1), (1, 1)))
    xh = _final_conv(d3p, dec_w4[0], dec_b4[None, :])
    x_hat = xh[:, None, :, :]

    return (x_hat, vq_loss, codes.reshape(bsz, 16, 21))

# --- scband reference (transcript-rebuilt; emitter-appended) ---
"""Pipeline reference for scband-vqvae-85203561218635 (READ-ONLY COPY).

The authoritative reference and input builder live on the scoring server;
editing this copy changes nothing except your own understanding.
"""

import jax, jax.numpy as jnp
import numpy as np
from jax import lax

def conv2d(x, w, b, stride, pad):
    out = lax.conv_general_dilated(x, w, (stride, stride), [(pad, pad), (pad, pad)], dimension_numbers=('NCHW', 'OIHW', 'NCHW'))
    return out + b[None, :, None, None]

def conv_transpose2d(x, w, b, stride, pad, k):
    w2 = jnp.flip(w, (2, 3)).transpose(1, 0, 2, 3)
    p = k - 1 - pad
    out = lax.conv_general_dilated(x, w2, (1, 1), [(p, p), (p, p)], lhs_dilation=(stride, stride), dimension_numbers=('NCHW', 'OIHW', 'NCHW'))
    return out + b[None, :, None, None]

def setup_inputs(seed: int = 0):
    key = jax.random.key(seed)
    ks = jax.random.split(key, 16)
    s = 0.05
    inp = {}
    inp['x'] = jax.random.uniform(ks[0], (32, 1, 128, 172), jnp.float32)
    inp['enc_w1'] = jax.random.normal(ks[1], (32, 1, 4, 4), jnp.float32) * s
    inp['enc_b1'] = jnp.zeros((32,), jnp.float32)
    inp['enc_w2'] = jax.random.normal(ks[2], (64, 32, 4, 4), jnp.float32) * s
    inp['enc_b2'] = jnp.zeros((64,), jnp.float32)
    inp['enc_w3'] = jax.random.normal(ks[3], (128, 64, 4, 4), jnp.float32) * s
    inp['enc_b3'] = jnp.zeros((128,), jnp.float32)
    inp['emb'] = jax.random.uniform(ks[4], (512, 128), jnp.float32, -1.0 / 512, 1.0 / 512)
    inp['dec_w1'] = jax.random.normal(ks[5], (128, 64, 4, 4), jnp.float32) * s
    inp['dec_b1'] = jnp.zeros((64,), jnp.float32)
    inp['dec_w2'] = jax.random.normal(ks[6], (64, 32, 4, 4), jnp.float32) * s
    inp['dec_b2'] = jnp.zeros((32,), jnp.float32)
    inp['dec_w3'] = jax.random.normal(ks[7], (32, 16, 4, 4), jnp.float32) * s
    inp['dec_b3'] = jnp.zeros((16,), jnp.float32)
    inp['dec_w4'] = jax.random.normal(ks[8], (1, 16, 3, 3), jnp.float32) * s
    inp['dec_b4'] = jnp.zeros((1,), jnp.float32)
    return inp

def reference(x, enc_w1, enc_b1, enc_w2, enc_b2, enc_w3, enc_b3, emb, dec_w1, dec_b1, dec_w2, dec_b2, dec_w3, dec_b3, dec_w4, dec_b4):
    beta = 0.25
    h = jax.nn.relu(conv2d(x, enc_w1, enc_b1, 2, 1))
    h = jax.nn.relu(conv2d(h, enc_w2, enc_b2, 2, 1))
    z_e = jax.nn.relu(conv2d(h, enc_w3, enc_b3, 2, 1))
    B, C, H, W = z_e.shape
    z_flat = z_e.transpose(0, 2, 3, 1).reshape(-1, C)
    dist = (z_flat ** 2).sum(1, keepdims=True) + (emb ** 2).sum(1) - 2.0 * (z_flat @ emb.T)
    codes = jnp.argmin(dist, axis=1)
    z_q = jnp.take(emb, codes, axis=0).reshape(B, H, W, C).transpose(0, 3, 1, 2)
    codebook_loss = jnp.mean((lax.stop_gradient(z_q) - z_e) ** 2)
    commitment_loss = jnp.mean((z_q - lax.stop_gradient(z_e)) ** 2)
    vq_loss = codebook_loss + beta * commitment_loss
    z_q_st = z_e + lax.stop_gradient(z_q - z_e)
    d = jax.nn.relu(conv_transpose2d(z_q_st, dec_w1, dec_b1, 2, 1, 4))
    d = jax.nn.relu(conv_transpose2d(d, dec_w2, dec_b2, 2, 1, 4))
    d = jax.nn.relu(conv_transpose2d(d, dec_w3, dec_b3, 2, 1, 4))
    x_hat = jax.nn.sigmoid(conv2d(d, dec_w4, dec_b4, 1, 1))
    x_hat = x_hat[:, :, :, :172]
    return (x_hat, vq_loss, codes.reshape(B, H, W))

if __name__ == "__main__":
    import jax
    _d = setup_inputs()
    print(jax.jit(kernel)(*tuple(_d.values())))

</pallas_src>

<mosaic_0001>
module attributes {stable_mosaic.version = 14 : i64} {
  func.func @_l1_kernel(%arg0: i32, %arg1: memref<1x130x174xf32, #tpu.memory_space<vmem>>, %arg2: memref<4x64x130xf32, #tpu.memory_space<vmem>>, %arg3: memref<4x174x2752xf32, #tpu.memory_space<vmem>>, %arg4: memref<1x2752xf32, #tpu.memory_space<vmem>>, %arg5: memref<1x64x2752xf32, #tpu.memory_space<vmem>>) attributes {dimension_semantics = [#tpu.dimension_semantics<arbitrary>], iteration_bounds = array<i64: 32>, scalar_prefetch = 0 : i64, scratch_operands = 0 : i64, tpu.core_type = #tpu.core_type<tc>, window_params = [{transform_indices = @transform_0, window_bounds = array<i64: 1, 130, 174>}, {pipeline_mode = #tpu.pipeline_mode<synchronous>, transform_indices = @transform_1, window_bounds = array<i64: 4, 64, 130>}, {pipeline_mode = #tpu.pipeline_mode<synchronous>, transform_indices = @transform_2, window_bounds = array<i64: 4, 174, 2752>}, {pipeline_mode = #tpu.pipeline_mode<synchronous>, transform_indices = @transform_3, window_bounds = array<i64: 1, 2752>}, {transform_indices = @transform_4, window_bounds = array<i64: 1, 64, 2752>}]} {
    %get3A = arith.constant 0 : index
    %get3A_0 = arith.constant 0 : index
    %get3A_1 = arith.constant 0 : index
    %get3A_2 = vector.load %arg1[%get3A, %get3A_0, %get3A_1] : memref<1x130x174xf32, #tpu.memory_space<vmem>>, vector<1x130x174xf32>
    %get3A_3 = vector.shape_cast %get3A_2 : vector<1x130x174xf32> to vector<130x174xf32>
    %broadcast_in_dim3A = arith.constant 0.000000e+00 : f32
    %broadcast_in_dim3A_4 = vector.broadcast %broadcast_in_dim3A : f32 to vector<64x2752xf32>
    %get3A_5 = arith.constant 0 : index
    %get3A_6 = arith.constant 0 : index
    %get3A_7 = vector.load %arg4[%get3A_5, %get3A_6] : memref<1x2752xf32, #tpu.memory_space<vmem>>, vector<1x2752xf32>
    %add3A = vector.broadcast %get3A_7 : vector<1x2752xf32> to vector<64x2752xf32>
    %add3A_8 = arith.addf %broadcast_in_dim3A_4, %add3A : vector<64x2752xf32>
    %get3A_9 = arith.constant 0 : index
    %get3A_10 = arith.constant 0 : index
    %get3A_11 = arith.constant 0 : index
    %get3A_12 = vector.load %arg2[%get3A_9, %get3A_10, %get3A_11] : memref<4x64x130xf32, #tpu.memory_space<vmem>>, vector<1x64x130xf32>
    %get3A_13 = vector.shape_cast %get3A_12 : vector<1x64x130xf32> to vector<64x130xf32>
    %dot_general3A = arith.constant dense<0.000000e+00> : vector<64x174xf32>
    %dot_general3A_14 = tpu.matmul %get3A_13, %get3A_3, %dot_general3A {dimension_numbers = #tpu.dot_dimension_numbers<[1], [0], [0], [1], [0, 0, 1, 1], [], []>, transpose_lhs_hint = false} : vector<64x130xf32>, vector<130x174xf32>, vector<64x174xf32> -> vector<64x174xf32>
    %get3A_15 = arith.constant 0 : index
    %get3A_16 = arith.constant 0 : index
    %get3A_17 = arith.constant 0 : index
    %get3A_18 = vector.load %arg3[%get3A_15, %get3A_16, %get3A_17] : memref<4x174x2752xf32, #tpu.memory_space<vmem>>, vector<1x174x2752xf32>
    %get3A_19 = vector.shape_cast %get3A_18 : vector<1x174x2752xf32> to vector<174x2752xf32>
    %dot_general3A_20 = arith.constant dense<0.000000e+00> : vector<64x2752xf32>
    %dot_general3A_21 = tpu.matmul %dot_general3A_14, %get3A_19, %dot_general3A_20 {dimension_numbers = #tpu.dot_dimension_numbers<[1], [0], [0], [1], [0, 0, 1, 1], [], []>, transpose_lhs_hint = false} : vector<64x174xf32>, vector<174x2752xf32>, vector<64x2752xf32> -> vector<64x2752xf32>
    %add3A_22 = arith.addf %add3A_8, %dot_general3A_21 : vector<64x2752xf32>
    %get3A_23 = arith.constant 1 : index
    %get3A_24 = arith.constant 0 : index
    %get3A_25 = arith.constant 0 : index
    %get3A_26 = vector.load %arg2[%get3A_23, %get3A_24, %get3A_25] : memref<4x64x130xf32, #tpu.memory_space<vmem>>, vector<1x64x130xf32>
    %get3A_27 = vector.shape_cast %get3A_26 : vector<1x64x130xf32> to vector<64x130xf32>
    %dot_general3A_28 = arith.constant dense<0.000000e+00> : vector<64x174xf32>
    %dot_general3A_29 = tpu.matmul %get3A_27, %get3A_3, %dot_general3A_28 {dimension_numbers = #tpu.dot_dimension_numbers<[1], [0], [0], [1], [0, 0, 1, 1], [], []>, transpose_lhs_hint = false} : vector<64x130xf32>, vector<130x174xf32>, vector<64x174xf32> -> vector<64x174xf32>
    %get3A_30 = arith.constant 1 : index
    %get3A_31 = arith.constant 0 : index
    %get3A_32 = arith.constant 0 : index
    %get3A_33 = vector.load %arg3[%get3A_30, %get3A_31, %get3A_32] : memref<4x174x2752xf32, #tpu.memory_space<vmem>>, vector<1x174x2752xf32>
    %get3A_34 = vector.shape_cast %get3A_33 : vector<1x174x2752xf32> to vector<174x2752xf32>
    %dot_general3A_35 = arith.constant dense<0.000000e+00> : vector<64x2752xf32>
    %dot_general3A_36 = tpu.matmul %dot_general3A_29, %get3A_34, %dot_general3A_35 {dimension_numbers = #tpu.dot_dimension_numbers<[1], [0], [0], [1], [0, 0, 1, 1], [], []>, transpose_lhs_hint = false} : vector<64x174xf32>, vector<174x2752xf32>, vector<64x2752xf32> -> vector<64x2752xf32>
    %add3A_37 = arith.addf %add3A_22, %dot_general3A_36 : vector<64x2752xf32>
    %get3A_38 = arith.constant 2 : index
    %get3A_39 = arith.constant 0 : index
    %get3A_40 = arith.constant 0 : index
    %get3A_41 = vector.load %arg2[%get3A_38, %get3A_39, %get3A_40] : memref<4x64x130xf32, #tpu.memory_space<vmem>>, vector<1x64x130xf32>
    %get3A_42 = vector.shape_cast %get3A_41 : vector<1x64x130xf32> to vector<64x130xf32>
    %dot_general3A_43 = arith.constant dense<0.000000e+00> : vector<64x174xf32>
    %dot_general3A_44 = tpu.matmul %get3A_42, %get3A_3, %dot_general3A_43 {dimension_numbers = #tpu.dot_dimension_numbers<[1], [0], [0], [1], [0, 0, 1, 1], [], []>, transpose_lhs_hint = false} : vector<64x130xf32>, vector<130x174xf32>, vector<64x174xf32> -> vector<64x174xf32>
    %get3A_45 = arith.constant 2 : index
    %get3A_46 = arith.constant 0 : index
    %get3A_47 = arith.constant 0 : index
    %get3A_48 = vector.load %arg3[%get3A_45, %get3A_46, %get3A_47] : memref<4x174x2752xf32, #tpu.memory_space<vmem>>, vector<1x174x2752xf32>
    %get3A_49 = vector.shape_cast %get3A_48 : vector<1x174x2752xf32> to vector<174x2752xf32>
    %dot_general3A_50 = arith.constant dense<0.000000e+00> : vector<64x2752xf32>
    %dot_general3A_51 = tpu.matmul %dot_general3A_44, %get3A_49, %dot_general3A_50 {dimension_numbers = #tpu.dot_dimension_numbers<[1], [0], [0], [1], [0, 0, 1, 1], [], []>, transpose_lhs_hint = false} : vector<64x174xf32>, vector<174x2752xf32>, vector<64x2752xf32> -> vector<64x2752xf32>
    %add3A_52 = arith.addf %add3A_37, %dot_general3A_51 : vector<64x2752xf32>
    %get3A_53 = arith.constant 3 : index
    %get3A_54 = arith.constant 0 : index
    %get3A_55 = arith.constant 0 : index
    %get3A_56 = vector.load %arg2[%get3A_53, %get3A_54, %get3A_55] : memref<4x64x130xf32, #tpu.memory_space<vmem>>, vector<1x64x130xf32>
    %get3A_57 = vector.shape_cast %get3A_56 : vector<1x64x130xf32> to vector<64x130xf32>
    %dot_general3A_58 = arith.constant dense<0.000000e+00> : vector<64x174xf32>
    %dot_general3A_59 = tpu.matmul %get3A_57, %get3A_3, %dot_general3A_58 {dimension_numbers = #tpu.dot_dimension_numbers<[1], [0], [0], [1], [0, 0, 1, 1], [], []>, transpose_lhs_hint = false} : vector<64x130xf32>, vector<130x174xf32>, vector<64x174xf32> -> vector<64x174xf32>
    %get3A_60 = arith.constant 3 : index
    %get3A_61 = arith.constant 0 : index
    %get3A_62 = arith.constant 0 : index
    %get3A_63 = vector.load %arg3[%get3A_60, %get3A_61, %get3A_62] : memref<4x174x2752xf32, #tpu.memory_space<vmem>>, vector<1x174x2752xf32>
    %get3A_64 = vector.shape_cast %get3A_63 : vector<1x174x2752xf32> to vector<174x2752xf32>
    %dot_general3A_65 = arith.constant dense<0.000000e+00> : vector<64x2752xf32>
    %dot_general3A_66 = tpu.matmul %dot_general3A_59, %get3A_64, %dot_general3A_65 {dimension_numbers = #tpu.dot_dimension_numbers<[1], [0], [0], [1], [0, 0, 1, 1], [], []>, transpose_lhs_hint = false} : vector<64x174xf32>, vector<174x2752xf32>, vector<64x2752xf32> -> vector<64x2752xf32>
    %add3A_67 = arith.addf %add3A_52, %dot_general3A_66 : vector<64x2752xf32>
    %max3A = arith.constant 0.000000e+00 : f32
    %max3A_68 = vector.broadcast %max3A : f32 to vector<64x2752xf32>
    %max3A_69 = arith.maximumf %add3A_67, %max3A_68 : vector<64x2752xf32>
    %swap3A = arith.constant 0 : index
    %swap3A_70 = arith.constant 0 : index
    %swap3A_71 = arith.constant 0 : index
    %swap3A_72 = vector.load %arg5[%swap3A, %swap3A_70, %swap3A_71] : memref<1x64x2752xf32, #tpu.memory_space<vmem>>, vector<1x64x2752xf32>
    %swap3A_73 = vector.shape_cast %swap3A_72 : vector<1x64x2752xf32> to vector<64x2752xf32>
    %swap3A_74 = vector.shape_cast %max3A_69 : vector<64x2752xf32> to vector<1x64x2752xf32>
    tpu.vector_store %arg5[%swap3A, %swap3A_70, %swap3A_71], %swap3A_74 {strides = array<i32>} : memref<1x64x2752xf32, #tpu.memory_space<vmem>>, vector<1x64x2752xf32>,
    return
  }
  func.func @transform_0(%arg0: i32) -> (i32, i32, i32) {
    %c0_i32 = arith.constant 0 : i32
    %c0_i32_0 = arith.constant 0 : i32
    %c0_i32_1 = arith.constant 0 : i32
    return %arg0, %c0_i32, %c0_i32_0 : i32, i32, i32
  }
  func.func @transform_1(%arg0: i32) -> (i32, i32, i32) {
    %c0_i32 = arith.constant 0 : i32
    %c0_i32_0 = arith.constant 0 : i32
    %c0_i32_1 = arith.constant 0 : i32
    %c0_i32_2 = arith.constant 0 : i32
    return %c0_i32, %c0_i32_0, %c0_i32_1 : i32, i32, i32
  }
  func.func @transform_2(%arg0: i32) -> (i32, i32, i32) {
    %c0_i32 = arith.constant 0 : i32
    %c0_i32_0 = arith.constant 0 : i32
    %c0_i32_1 = arith.constant 0 : i32
    %c0_i32_2 = arith.constant 0 : i32
    return %c0_i32, %c0_i32_0, %c0_i32_1 : i32, i32, i32
  }
  func.func @transform_3(%arg0: i32) -> (i32, i32) {
    %c0_i32 = arith.constant 0 : i32
    %c0_i32_0 = arith.constant 0 : i32
    %c0_i32_1 = arith.constant 0 : i32
    return %c0_i32, %c0_i32_0 : i32, i32
  }
  func.func @transform_4(%arg0: i32) -> (i32, i32, i32) {
    %c0_i32 = arith.constant 0 : i32
    %c0_i32_0 = arith.constant 0 : i32
    %c0_i32_1 = arith.constant 0 : i32
    return %arg0, %c0_i32, %c0_i32_0 : i32, i32, i32
  }
}

module attributes {stable_mosaic.version = 14 : i64} {
  func.func @_conv_s2_kernel(%arg0: i32, %arg1: memref<1x66x88x32xf32, #tpu.memory_space<vmem>>, %arg2: memref<512x64xf32, #tpu.memory_space<vmem>>, %arg3: memref<1x64xf32, #tpu.memory_space<vmem>>, %arg4: memref<1x1376x64xf32, #tpu.memory_space<vmem>>) attributes {dimension_semantics = [#tpu.dimension_semantics<arbitrary>], iteration_bounds = array<i64: 32>, scalar_prefetch = 0 : i64, scratch_operands = 0 : i64, tpu.core_type = #tpu.core_type<tc>, window_params = [{transform_indices = @transform_0, window_bounds = array<i64: 1, 66, 88, 32>}, {pipeline_mode = #tpu.pipeline_mode<synchronous>, transform_indices = @transform_1, window_bounds = array<i64: 512, 64>}, {pipeline_mode = #tpu.pipeline_mode<synchronous>, transform_indices = @transform_2, window_bounds = array<i64: 1, 64>}, {transform_indices = @transform_3, window_bounds = array<i64: 1, 1376, 64>}]} {
    %get3A = arith.constant 0 : index
    %get3A_0 = arith.constant 0 : index
    %get3A_1 = arith.constant 0 : index
    %get3A_2 = arith.constant 0 : index
    %get3A_3 = tpu.strided_load %arg1[%get3A, %get3A_0, %get3A_1, %get3A_2] {strides = array<i32: 1, 2, 2, 1>} : memref<1x66x88x32xf32, #tpu.memory_space<vmem>>, vector<1x32x43x32xf32>
    %get3A_4 = vector.shape_cast %get3A_3 : vector<1x32x43x32xf32> to vector<32x43x32xf32>
    %reshape3A = vector.shape_cast %get3A_4 : vector<32x43x32xf32> to vector<1376x32xf32>
    %get3A_5 = arith.constant 0 : index
    %get3A_6 = arith.constant 0 : index
    %get3A_7 = arith.constant 1 : index
    %get3A_8 = arith.constant 0 : index
    %get3A_9 = tpu.strided_load %arg1[%get3A_5, %get3A_6, %get3A_7, %get3A_8] {strides = array<i32: 1, 2, 2, 1>} : memref<1x66x88x32xf32, #tpu.memory_space<vmem>>, vector<1x32x43x32xf32>
    %get3A_10 = vector.shape_cast %get3A_9 : vector<1x32x43x32xf32> to vector<32x43x32xf32>
    %reshape3A_11 = vector.shape_cast %get3A_10 : vector<32x43x32xf32> to vector<1376x32xf32>
    %get3A_12 = arith.constant 0 : index
    %get3A_13 = arith.constant 0 : index
    %get3A_14 = arith.constant 2 : index
    %get3A_15 = arith.constant 0 : index
    %get3A_16 = tpu.strided_load %arg1[%get3A_12, %get3A_13, %get3A_14, %get3A_15] {strides = array<i32: 1, 2, 2, 1>} : memref<1x66x88x32xf32, #tpu.memory_space<vmem>>, vector<1x32x43x32xf32>
    %get3A_17 = vector.shape_cast %get3A_16 : vector<1x32x43x32xf32> to vector<32x43x32xf32>
    %reshape3A_18 = vector.shape_cast %get3A_17 : vector<32x43x32xf32> to vector<1376x32xf32>
    %get3A_19 = arith.constant 0 : index
    %get3A_20 = arith.constant 0 : index
    %get3A_21 = arith.constant 3 : index
    %get3A_22 = arith.constant 0 : index
    %get3A_23 = tpu.strided_load %arg1[%get3A_19, %get3A_20, %get3A_21, %get3A_22] {strides = array<i32: 1, 2, 2, 1>} : memref<1x66x88x32xf32, #tpu.memory_space<vmem>>, vector<1x32x43x32xf32>
    %get3A_24 = vector.shape_cast %get3A_23 : vector<1x32x43x32xf32> to vector<32x43x32xf32>
    %reshape3A_25 = vector.shape_cast %get3A_24 : vector<32x43x32xf32> to vector<1376x32xf32>
    %get3A_26 = arith.constant 0 : index
    %get3A_27 = arith.constant 1 : index
    %get3A_28 = arith.constant 0 : index
    %get3A_29 = arith.constant 0 : index
    %get3A_30 = tpu.strided_load %arg1[%get3A_26, %get3A_27, %get3A_28, %get3A_29] {strides = array<i32: 1, 2, 2, 1>} : memref<1x66x88x32xf32, #tpu.memory_space<vmem>>, vector<1x32x43x32xf32>
    %get3A_31 = vector.shape_cast %get3A_30 : vector<1x32x43x32xf32> to vector<32x43x32xf32>
    %reshape3A_32 = vector.shape_cast %get3A_31 : vector<32x43x32xf32> to vector<1376x32xf32>
    %get3A_33 = arith.constant 0 : index
    %get3A_34 = arith.constant 1 : index
    %get3A_35 = arith.constant 1 : index
    %get3A_36 = arith.constant 0 : index
    %get3A_37 = tpu.strided_load %arg1[%get3A_33, %get3A_34, %get3A_35, %get3A_36] {strides = array<i32: 1, 2, 2, 1>} : memref<1x66x88x32xf32, #tpu.memory_space<vmem>>, vector<1x32x43x32xf32>
    %get3A_38 = vector.shape_cast %get3A_37 : vector<1x32x43x32xf32> to vector<32x43x32xf32>
    %reshape3A_39 = vector.shape_cast %get3A_38 : vector<32x43x32xf32> to vector<1376x32xf32>
    %get3A_40 = arith.constant 0 : index
    %get3A_41 = arith.constant 1 : index
    %get3A_42 = arith.constant 2 : index
    %get3A_43 = arith.constant 0 : index
    %get3A_44 = tpu.strided_load %arg1[%get3A_40, %get3A_41, %get3A_42, %get3A_43] {strides = array<i32: 1, 2, 2, 1>} : memref<1x66x88x32xf32, #tpu.memory_space<vmem>>, vector<1x32x43x32xf32>
    %get3A_45 = vector.shape_cast %get3A_44 : vector<1x32x43x32xf32> to vector<32x43x32xf32>
    %reshape3A_46 = vector.shape_cast %get3A_45 : vector<32x43x32xf32> to vector<1376x32xf32>
    %get3A_47 = arith.constant 0 : index
    %get3A_48 = arith.constant 1 : index
    %get3A_49 = arith.constant 3 : index
    %get3A_50 = arith.constant 0 : index
    %get3A_51 = tpu.strided_load %arg1[%get3A_47, %get3A_48, %get3A_49, %get3A_50] {strides = array<i32: 1, 2, 2, 1>} : memref<1x66x88x32xf32, #tpu.memory_space<vmem>>, vector<1x32x43x32xf32>
    %get3A_52 = vector.shape_cast %get3A_51 : vector<1x32x43x32xf32> to vector<32x43x32xf32>
    %reshape3A_53 = vector.shape_cast %get3A_52 : vector<32x43x32xf32> to vector<1376x32xf32>
    %get3A_54 = arith.constant 0 : index
    %get3A_55 = arith.constant 2 : index
    %get3A_56 = arith.constant 0 : index
    %get3A_57 = arith.constant 0 : index
    %get3A_58 = tpu.strided_load %arg1[%get3A_54, %get3A_55, %get3A_56, %get3A_57] {strides = array<i32: 1, 2, 2, 1>} : memref<1x66x88x32xf32, #tpu.memory_space<vmem>>, vector<1x32x43x32xf32>
    %get3A_59 = vector.shape_cast %get3A_58 : vector<1x32x43x32xf32> to vector<32x43x32xf32>
    %reshape3A_60 = vector.shape_cast %get3A_59 : vector<32x43x32xf32> to vector<1376x32xf32>
    %get3A_61 = arith.constant 0 : index
    %get3A_62 = arith.constant 2 : index
    %get3A_63 = arith.constant 1 : index
    %get3A_64 = arith.constant 0 : index
    %get3A_65 = tpu.strided_load %arg1[%get3A_61, %get3A_62, %get3A_63, %get3A_64] {strides = array<i32: 1, 2, 2, 1>} : memref<1x66x88x32xf32, #tpu.memory_space<vmem>>, vector<1x32x43x32xf32>
    %get3A_66 = vector.shape_cast %get3A_65 : vector<1x32x43x32xf32> to vector<32x43x32xf32>
    %reshape3A_67 = vector.shape_cast %get3A_66 : vector<32x43x32xf32> to vector<1376x32xf32>
    %get3A_68 = arith.constant 0 : index
    %get3A_69 = arith.constant 2 : index
    %get3A_70 = arith.constant 2 : index
    %get3A_71 = arith.constant 0 : index
    %get3A_72 = tpu.strided_load %arg1[%get3A_68, %get3A_69, %get3A_70, %get3A_71] {strides = array<i32: 1, 2, 2, 1>} : memref<1x66x88x32xf32, #tpu.memory_space<vmem>>, vector<1x32x43x32xf32>
    %get3A_73 = vector.shape_cast %get3A_72 : vector<1x32x43x32xf32> to vector<32x43x32xf32>
    %reshape3A_74 = vector.shape_cast %get3A_73 : vector<32x43x32xf32> to vector<1376x32xf32>
    %get3A_75 = arith.constant 0 : index
    %get3A_76 = arith.constant 2 : index
    %get3A_77 = arith.constant 3 : index
    %get3A_78 = arith.constant 0 : index
    %get3A_79 = tpu.strided_load %arg1[%get3A_75, %get3A_76, %get3A_77, %get3A_78] {strides = array<i32: 1, 2, 2, 1>} : memref<1x66x88x32xf32, #tpu.memory_space<vmem>>, vector<1x32x43x32xf32>
    %get3A_80 = vector.shape_cast %get3A_79 : vector<1x32x43x32xf32> to vector<32x43x32xf32>
    %reshape3A_81 = vector.shape_cast %get3A_80 : vector<32x43x32xf32> to vector<1376x32xf32>
    %get3A_82 = arith.constant 0 : index
    %get3A_83 = arith.constant 3 : index
    %get3A_84 = arith.constant 0 : index
    %get3A_85 = arith.constant 0 : index
    %get3A_86 = tpu.strided_load %arg1[%get3A_82, %get3A_83, %get3A_84, %get3A_85] {strides = array<i32: 1, 2, 2, 1>} : memref<1x66x88x32xf32, #tpu.memory_space<vmem>>, vector<1x32x43x32xf32>
    %get3A_87 = vector.shape_cast %get3A_86 : vector<1x32x43x32xf32> to vector<32x43x32xf32>
    %reshape3A_88 = vector.shape_cast %get3A_87 : vector<32x43x32xf32> to vector<1376x32xf32>
    %get3A_89 = arith.constant 0 : index
    %get3A_90 = arith.constant 3 : index
    %get3A_91 = arith.constant 1 : index
    %get3A_92 = arith.constant 0 : index
    %get3A_93 = tpu.strided_load %arg1[%get3A_89, %get3A_90, %get3A_91, %get3A_92] {strides = array<i32: 1, 2, 2, 1>} : memref<1x66x88x32xf32, #tpu.memory_space<vmem>>, vector<1x32x43x32xf32>
    %get3A_94 = vector.shape_cast %get3A_93 : vector<1x32x43x32xf32> to vector<32x43x32xf32>
    %reshape3A_95 = vector.shape_cast %get3A_94 : vector<32x43x32xf32> to vector<1376x32xf32>
    %get3A_96 = arith.constant 0 : index
    %get3A_97 = arith.constant 3 : index
    %get3A_98 = arith.constant 2 : index
    %get3A_99 = arith.constant 0 : index
    %get3A_100 = tpu.strided_load %arg1[%get3A_96, %get3A_97, %get3A_98, %get3A_99] {strides = array<i32: 1, 2, 2, 1>} : memref<1x66x88x32xf32, #tpu.memory_space<vmem>>, vector<1x32x43x32xf32>
    %get3A_101 = vector.shape_cast %get3A_100 : vector<1x32x43x32xf32> to vector<32x43x32xf32>
    %reshape3A_102 = vector.shape_cast %get3A_101 : vector<32x43x32xf32> to vector<1376x32xf32>
    %get3A_103 = arith.constant 0 : index
    %get3A_104 = arith.constant 3 : index
    %get3A_105 = arith.constant 3 : index
    %get3A_106 = arith.constant 0 : index
    %get3A_107 = tpu.strided_load %arg1[%get3A_103, %get3A_104, %get3A_105, %get3A_106] {strides = array<i32: 1, 2, 2, 1>} : memref<1x66x88x32xf32, #tpu.memory_space<vmem>>, vector<1x32x43x32xf32>
    %get3A_108 = vector.shape_cast %get3A_107 : vector<1x32x43x32xf32> to vector<32x43x32xf32>
    %reshape3A_109 = vector.shape_cast %get3A_108 : vector<32x43x32xf32> to vector<1376x32xf32>
    %concatenate3A = tpu.concatenate %reshape3A, %reshape3A_11, %reshape3A_18, %reshape3A_25, %reshape3A_32, %reshape3A_39, %reshape3A_46, %reshape3A_53, %reshape3A_60, %reshape3A_67, %reshape3A_74, %reshape3A_81, %reshape3A_88, %reshape3A_95, %reshape3A_102, %reshape3A_109 in 1 : vector<1376x32xf32>, vector<1376x32xf32>, vector<1376x32xf32>, vector<1376x32xf32>, vector<1376x32xf32>, vector<1376x32xf32>, vector<1376x32xf32>, vector<1376x32xf32>, vector<1376x32xf32>, vector<1376x32xf32>, vector<1376x32xf32>, vector<1376x32xf32>, vector<1376x32xf32>, vector<1376x32xf32>, vector<1376x32xf32>, vector<1376x32xf32> -> vector<1376x512xf32>
    %get3A_110 = arith.constant 0 : index
    %get3A_111 = arith.constant 0 : index
    %get3A_112 = vector.load %arg2[%get3A_110, %get3A_111] : memref<512x64xf32, #tpu.memory_space<vmem>>, vector<512x64xf32>
    %dot_general3A = arith.constant dense<0.000000e+00> : vector<1376x64xf32>
    %dot_general3A_113 = tpu.matmul %concatenate3A, %get3A_112, %dot_general3A {dimension_numbers = #tpu.dot_dimension_numbers<[1], [0], [0], [1], [0, 0, 1, 1], [], []>, transpose_lhs_hint = false} : vector<1376x512xf32>, vector<512x64xf32>, vector<1376x64xf32> -> vector<1376x64xf32>
    %get3A_114 = arith.constant 0 : index
    %get3A_115 = arith.constant 0 : index
    %get3A_116 = vector.load %arg3[%get3A_114, %get3A_115] : memref<1x64xf32, #tpu.memory_space<vmem>>, vector<1x64xf32>
    %add3A = vector.broadcast %get3A_116 : vector<1x64xf32> to vector<1376x64xf32>
    %add3A_117 = arith.addf %dot_general3A_113, %add3A : vector<1376x64xf32>
    %max3A = arith.constant 0.000000e+00 : f32
    %max3A_118 = vector.broadcast %max3A : f32 to vector<1376x64xf32>
    %max3A_119 = arith.maximumf %add3A_117, %max3A_118 : vector<1376x64xf32>
    %swap3A = arith.constant 0 : index
    %swap3A_120 = arith.constant 0 : index
    %swap3A_121 = arith.constant 0 : index
    %swap3A_122 = vector.load %arg4[%swap3A, %swap3A_120, %swap3A_121] : memref<1x1376x64xf32, #tpu.memory_space<vmem>>, vector<1x1376x64xf32>
    %swap3A_123 = vector.shape_cast %swap3A_122 : vector<1x1376x64xf32> to vector<1376x64xf32>
    %swap3A_124 = vector.shape_cast %max3A_119 : vector<1376x64xf32> to vector<1x1376x64xf32>
    tpu.vector_store %arg4[%swap3A, %swap3A_120, %swap3A_121], %swap3A_124 {strides = array<i32>} : memref<1x1376x64xf32, #tpu.memory_space<vmem>>, vector<1x1376x64xf32>,
    return
  }
  func.func @transform_0(%arg0: i32) -> (i32, i32, i32, i32) {
    %c0_i32 = arith.constant 0 : i32
    %c0_i32_0 = arith.constant 0 : i32
    %c0_i32_1 = arith.constant 0 : i32
    %c0_i32_2 = arith.constant 0 : i32
    return %arg0, %c0_i32, %c0_i32_0, %c0_i32_1 : i32, i32, i32, i32
  }
  func.func @transform_1(%arg0: i32) -> (i32, i32) {
    %c0_i32 = arith.constant 0 : i32
    %c0_i32_0 = arith.constant 0 : i32
    %c0_i32_1 = arith.constant 0 : i32
    return %c0_i32, %c0_i32_0 : i32, i32
  }
  func.func @transform_2(%arg0: i32) -> (i32, i32) {
    %c0_i32 = arith.constant 0 : i32
    %c0_i32_0 = arith.constant 0 : i32
    %c0_i32_1 = arith.constant 0 : i32
    return %c0_i32, %c0_i32_0 : i32, i32
  }
  func.func @transform_3(%arg0: i32) -> (i32, i32, i32) {
    %c0_i32 = arith.constant 0 : i32
    %c0_i32_0 = arith.constant 0 : i32
    %c0_i32_1 = arith.constant 0 : i32
    return %arg0, %c0_i32, %c0_i32_0 : i32, i32, i32
  }
}

module attributes {stable_mosaic.version = 14 : i64} {
  func.func @_conv_s2_kernel(%arg0: i32, %arg1: memref<1x34x45x64xf32, #tpu.memory_space<vmem>>, %arg2: memref<1024x128xf32, #tpu.memory_space<vmem>>, %arg3: memref<1x128xf32, #tpu.memory_space<vmem>>, %arg4: memref<1x336x128xf32, #tpu.memory_space<vmem>>) attributes {dimension_semantics = [#tpu.dimension_semantics<arbitrary>], iteration_bounds = array<i64: 32>, scalar_prefetch = 0 : i64, scratch_operands = 0 : i64, tpu.core_type = #tpu.core_type<tc>, window_params = [{transform_indices = @transform_0, window_bounds = array<i64: 1, 34, 45, 64>}, {pipeline_mode = #tpu.pipeline_mode<synchronous>, transform_indices = @transform_1, window_bounds = array<i64: 1024, 128>}, {pipeline_mode = #tpu.pipeline_mode<synchronous>, transform_indices = @transform_2, window_bounds = array<i64: 1, 128>}, {transform_indices = @transform_3, window_bounds = array<i64: 1, 336, 128>}]} {
    %get3A = arith.constant 0 : index
    %get3A_0 = arith.constant 0 : index
    %get3A_1 = arith.constant 0 : index
    %get3A_2 = arith.constant 0 : index
    %get3A_3 = tpu.strided_load %arg1[%get3A, %get3A_0, %get3A_1, %get3A_2] {strides = array<i32: 1, 2, 2, 1>} : memref<1x34x45x64xf32, #tpu.memory_space<vmem>>, vector<1x16x21x64xf32>
    %get3A_4 = vector.shape_cast %get3A_3 : vector<1x16x21x64xf32> to vector<16x21x64xf32>
    %reshape3A = vector.shape_cast %get3A_4 : vector<16x21x64xf32> to vector<336x64xf32>
    %get3A_5 = arith.constant 0 : index
    %get3A_6 = arith.constant 0 : index
    %get3A_7 = arith.constant 1 : index
    %get3A_8 = arith.constant 0 : index
    %get3A_9 = tpu.strided_load %arg1[%get3A_5, %get3A_6, %get3A_7, %get3A_8] {strides = array<i32: 1, 2, 2, 1>} : memref<1x34x45x64xf32, #tpu.memory_space<vmem>>, vector<1x16x21x64xf32>
    %get3A_10 = vector.shape_cast %get3A_9 : vector<1x16x21x64xf32> to vector<16x21x64xf32>
    %reshape3A_11 = vector.shape_cast %get3A_10 : vector<16x21x64xf32> to vector<336x64xf32>
    %get3A_12 = arith.constant 0 : index
    %get3A_13 = arith.constant 0 : index
    %get3A_14 = arith.constant 2 : index
    %get3A_15 = arith.constant 0 : index
    %get3A_16 = tpu.strided_load %arg1[%get3A_12, %get3A_13, %get3A_14, %get3A_15] {strides = array<i32: 1, 2, 2, 1>} : memref<1x34x45x64xf32, #tpu.memory_space<vmem>>, vector<1x16x21x64xf32>
    %get3A_17 = vector.shape_cast %get3A_16 : vector<1x16x21x64xf32> to vector<16x21x64xf32>
    %reshape3A_18 = vector.shape_cast %get3A_17 : vector<16x21x64xf32> to vector<336x64xf32>
    %get3A_19 = arith.constant 0 : index
    %get3A_20 = arith.constant 0 : index
    %get3A_21 = arith.constant 3 : index
    %get3A_22 = arith.constant 0 : index
    %get3A_23 = tpu.strided_load %arg1[%get3A_19, %get3A_20, %get3A_21, %get3A_22] {strides = array<i32: 1, 2, 2, 1>} : memref<1x34x45x64xf32, #tpu.memory_space<vmem>>, vector<1x16x21x64xf32>
    %get3A_24 = vector.shape_cast %get3A_23 : vector<1x16x21x64xf32> to vector<16x21x64xf32>
    %reshape3A_25 = vector.shape_cast %get3A_24 : vector<16x21x64xf32> to vector<336x64xf32>
    %get3A_26 = arith.constant 0 : index
    %get3A_27 = arith.constant 1 : index
    %get3A_28 = arith.constant 0 : index
    %get3A_29 = arith.constant 0 : index
    %get3A_30 = tpu.strided_load %arg1[%get3A_26, %get3A_27, %get3A_28, %get3A_29] {strides = array<i32: 1, 2, 2, 1>} : memref<1x34x45x64xf32, #tpu.memory_space<vmem>>, vector<1x16x21x64xf32>
    %get3A_31 = vector.shape_cast %get3A_30 : vector<1x16x21x64xf32> to vector<16x21x64xf32>
    %reshape3A_32 = vector.shape_cast %get3A_31 : vector<16x21x64xf32> to vector<336x64xf32>
    %get3A_33 = arith.constant 0 : index
    %get3A_34 = arith.constant 1 : index
    %get3A_35 = arith.constant 1 : index
    %get3A_36 = arith.constant 0 : index
    %get3A_37 = tpu.strided_load %arg1[%get3A_33, %get3A_34, %get3A_35, %get3A_36] {strides = array<i32: 1, 2, 2, 1>} : memref<1x34x45x64xf32, #tpu.memory_space<vmem>>, vector<1x16x21x64xf32>
    %get3A_38 = vector.shape_cast %get3A_37 : vector<1x16x21x64xf32> to vector<16x21x64xf32>
    %reshape3A_39 = vector.shape_cast %get3A_38 : vector<16x21x64xf32> to vector<336x64xf32>
    %get3A_40 = arith.constant 0 : index
    %get3A_41 = arith.constant 1 : index
    %get3A_42 = arith.constant 2 : index
    %get3A_43 = arith.constant 0 : index
    %get3A_44 = tpu.strided_load %arg1[%get3A_40, %get3A_41, %get3A_42, %get3A_43] {strides = array<i32: 1, 2, 2, 1>} : memref<1x34x45x64xf32, #tpu.memory_space<vmem>>, vector<1x16x21x64xf32>
    %get3A_45 = vector.shape_cast %get3A_44 : vector<1x16x21x64xf32> to vector<16x21x64xf32>
    %reshape3A_46 = vector.shape_cast %get3A_45 : vector<16x21x64xf32> to vector<336x64xf32>
    %get3A_47 = arith.constant 0 : index
    %get3A_48 = arith.constant 1 : index
    %get3A_49 = arith.constant 3 : index
    %get3A_50 = arith.constant 0 : index
    %get3A_51 = tpu.strided_load %arg1[%get3A_47, %get3A_48, %get3A_49, %get3A_50] {strides = array<i32: 1, 2, 2, 1>} : memref<1x34x45x64xf32, #tpu.memory_space<vmem>>, vector<1x16x21x64xf32>
    %get3A_52 = vector.shape_cast %get3A_51 : vector<1x16x21x64xf32> to vector<16x21x64xf32>
    %reshape3A_53 = vector.shape_cast %get3A_52 : vector<16x21x64xf32> to vector<336x64xf32>
    %get3A_54 = arith.constant 0 : index
    %get3A_55 = arith.constant 2 : index
    %get3A_56 = arith.constant 0 : index
    %get3A_57 = arith.constant 0 : index
    %get3A_58 = tpu.strided_load %arg1[%get3A_54, %get3A_55, %get3A_56, %get3A_57] {strides = array<i32: 1, 2, 2, 1>} : memref<1x34x45x64xf32, #tpu.memory_space<vmem>>, vector<1x16x21x64xf32>
    %get3A_59 = vector.shape_cast %get3A_58 : vector<1x16x21x64xf32> to vector<16x21x64xf32>
    %reshape3A_60 = vector.shape_cast %get3A_59 : vector<16x21x64xf32> to vector<336x64xf32>
    %get3A_61 = arith.constant 0 : index
    %get3A_62 = arith.constant 2 : index
    %get3A_63 = arith.constant 1 : index
    %get3A_64 = arith.constant 0 : index
    %get3A_65 = tpu.strided_load %arg1[%get3A_61, %get3A_62, %get3A_63, %get3A_64] {strides = array<i32: 1, 2, 2, 1>} : memref<1x34x45x64xf32, #tpu.memory_space<vmem>>, vector<1x16x21x64xf32>
    %get3A_66 = vector.shape_cast %get3A_65 : vector<1x16x21x64xf32> to vector<16x21x64xf32>
    %reshape3A_67 = vector.shape_cast %get3A_66 : vector<16x21x64xf32> to vector<336x64xf32>
    %get3A_68 = arith.constant 0 : index
    %get3A_69 = arith.constant 2 : index
    %get3A_70 = arith.constant 2 : index
    %get3A_71 = arith.constant 0 : index
    %get3A_72 = tpu.strided_load %arg1[%get3A_68, %get3A_69, %get3A_70, %get3A_71] {strides = array<i32: 1, 2, 2, 1>} : memref<1x34x45x64xf32, #tpu.memory_space<vmem>>, vector<1x16x21x64xf32>
    %get3A_73 = vector.shape_cast %get3A_72 : vector<1x16x21x64xf32> to vector<16x21x64xf32>
    %reshape3A_74 = vector.shape_cast %get3A_73 : vector<16x21x64xf32> to vector<336x64xf32>
    %get3A_75 = arith.constant 0 : index
    %get3A_76 = arith.constant 2 : index
    %get3A_77 = arith.constant 3 : index
    %get3A_78 = arith.constant 0 : index
    %get3A_79 = tpu.strided_load %arg1[%get3A_75, %get3A_76, %get3A_77, %get3A_78] {strides = array<i32: 1, 2, 2, 1>} : memref<1x34x45x64xf32, #tpu.memory_space<vmem>>, vector<1x16x21x64xf32>
    %get3A_80 = vector.shape_cast %get3A_79 : vector<1x16x21x64xf32> to vector<16x21x64xf32>
    %reshape3A_81 = vector.shape_cast %get3A_80 : vector<16x21x64xf32> to vector<336x64xf32>
    %get3A_82 = arith.constant 0 : index
    %get3A_83 = arith.constant 3 : index
    %get3A_84 = arith.constant 0 : index
    %get3A_85 = arith.constant 0 : index
    %get3A_86 = tpu.strided_load %arg1[%get3A_82, %get3A_83, %get3A_84, %get3A_85] {strides = array<i32: 1, 2, 2, 1>} : memref<1x34x45x64xf32, #tpu.memory_space<vmem>>, vector<1x16x21x64xf32>
    %get3A_87 = vector.shape_cast %get3A_86 : vector<1x16x21x64xf32> to vector<16x21x64xf32>
    %reshape3A_88 = vector.shape_cast %get3A_87 : vector<16x21x64xf32> to vector<336x64xf32>
    %get3A_89 = arith.constant 0 : index
    %get3A_90 = arith.constant 3 : index
    %get3A_91 = arith.constant 1 : index
    %get3A_92 = arith.constant 0 : index
    %get3A_93 = tpu.strided_load %arg1[%get3A_89, %get3A_90, %get3A_91, %get3A_92] {strides = array<i32: 1, 2, 2, 1>} : memref<1x34x45x64xf32, #tpu.memory_space<vmem>>, vector<1x16x21x64xf32>
    %get3A_94 = vector.shape_cast %get3A_93 : vector<1x16x21x64xf32> to vector<16x21x64xf32>
    %reshape3A_95 = vector.shape_cast %get3A_94 : vector<16x21x64xf32> to vector<336x64xf32>
    %get3A_96 = arith.constant 0 : index
    %get3A_97 = arith.constant 3 : index
    %get3A_98 = arith.constant 2 : index
    %get3A_99 = arith.constant 0 : index
    %get3A_100 = tpu.strided_load %arg1[%get3A_96, %get3A_97, %get3A_98, %get3A_99] {strides = array<i32: 1, 2, 2, 1>} : memref<1x34x45x64xf32, #tpu.memory_space<vmem>>, vector<1x16x21x64xf32>
    %get3A_101 = vector.shape_cast %get3A_100 : vector<1x16x21x64xf32> to vector<16x21x64xf32>
    %reshape3A_102 = vector.shape_cast %get3A_101 : vector<16x21x64xf32> to vector<336x64xf32>
    %get3A_103 = arith.constant 0 : index
    %get3A_104 = arith.constant 3 : index
    %get3A_105 = arith.constant 3 : index
    %get3A_106 = arith.constant 0 : index
    %get3A_107 = tpu.strided_load %arg1[%get3A_103, %get3A_104, %get3A_105, %get3A_106] {strides = array<i32: 1, 2, 2, 1>} : memref<1x34x45x64xf32, #tpu.memory_space<vmem>>, vector<1x16x21x64xf32>
    %get3A_108 = vector.shape_cast %get3A_107 : vector<1x16x21x64xf32> to vector<16x21x64xf32>
    %reshape3A_109 = vector.shape_cast %get3A_108 : vector<16x21x64xf32> to vector<336x64xf32>
    %concatenate3A = tpu.concatenate %reshape3A, %reshape3A_11, %reshape3A_18, %reshape3A_25, %reshape3A_32, %reshape3A_39, %reshape3A_46, %reshape3A_53, %reshape3A_60, %reshape3A_67, %reshape3A_74, %reshape3A_81, %reshape3A_88, %reshape3A_95, %reshape3A_102, %reshape3A_109 in 1 : vector<336x64xf32>, vector<336x64xf32>, vector<336x64xf32>, vector<336x64xf32>, vector<336x64xf32>, vector<336x64xf32>, vector<336x64xf32>, vector<336x64xf32>, vector<336x64xf32>, vector<336x64xf32>, vector<336x64xf32>, vector<336x64xf32>, vector<336x64xf32>, vector<336x64xf32>, vector<336x64xf32>, vector<336x64xf32> -> vector<336x1024xf32>
    %get3A_110 = arith.constant 0 : index
    %get3A_111 = arith.constant 0 : index
    %get3A_112 = vector.load %arg2[%get3A_110, %get3A_111] : memref<1024x128xf32, #tpu.memory_space<vmem>>, vector<1024x128xf32>
    %dot_general3A = arith.constant dense<0.000000e+00> : vector<336x128xf32>
    %dot_general3A_113 = tpu.matmul %concatenate3A, %get3A_112, %dot_general3A {dimension_numbers = #tpu.dot_dimension_numbers<[1], [0], [0], [1], [0, 0, 1, 1], [], []>, transpose_lhs_hint = false} : vector<336x1024xf32>, vector<1024x128xf32>, vector<336x128xf32> -> vector<336x128xf32>
    %get3A_114 = arith.constant 0 : index
    %get3A_115 = arith.constant 0 : index
    %get3A_116 = vector.load %arg3[%get3A_114, %get3A_115] : memref<1x128xf32, #tpu.memory_space<vmem>>, vector<1x128xf32>
    %add3A = vector.broadcast %get3A_116 : vector<1x128xf32> to vector<336x128xf32>
    %add3A_117 = arith.addf %dot_general3A_113, %add3A : vector<336x128xf32>
    %max3A = arith.constant 0.000000e+00 : f32
    %max3A_118 = vector.broadcast %max3A : f32 to vector<336x128xf32>
    %max3A_119 = arith.maximumf %add3A_117, %max3A_118 : vector<336x128xf32>
    %swap3A = arith.constant 0 : index
    %swap3A_120 = arith.constant 0 : index
    %swap3A_121 = arith.constant 0 : index
    %swap3A_122 = vector.load %arg4[%swap3A, %swap3A_120, %swap3A_121] : memref<1x336x128xf32, #tpu.memory_space<vmem>>, vector<1x336x128xf32>
    %swap3A_123 = vector.shape_cast %swap3A_122 : vector<1x336x128xf32> to vector<336x128xf32>
    %swap3A_124 = vector.shape_cast %max3A_119 : vector<336x128xf32> to vector<1x336x128xf32>
    tpu.vector_store %arg4[%swap3A, %swap3A_120, %swap3A_121], %swap3A_124 {strides = array<i32>} : memref<1x336x128xf32, #tpu.memory_space<vmem>>, vector<1x336x128xf32>,
    return
  }
  func.func @transform_0(%arg0: i32) -> (i32, i32, i32, i32) {
    %c0_i32 = arith.constant 0 : i32
    %c0_i32_0 = arith.constant 0 : i32
    %c0_i32_1 = arith.constant 0 : i32
    %c0_i32_2 = arith.constant 0 : i32
    return %arg0, %c0_i32, %c0_i32_0, %c0_i32_1 : i32, i32, i32, i32
  }
  func.func @transform_1(%arg0: i32) -> (i32, i32) {
    %c0_i32 = arith.constant 0 : i32
    %c0_i32_0 = arith.constant 0 : i32
    %c0_i32_1 = arith.constant 0 : i32
    return %c0_i32, %c0_i32_0 : i32, i32
  }
  func.func @transform_2(%arg0: i32) -> (i32, i32) {
    %c0_i32 = arith.constant 0 : i32
    %c0_i32_0 = arith.constant 0 : i32
    %c0_i32_1 = arith.constant 0 : i32
    return %c0_i32, %c0_i32_0 : i32, i32
  }
  func.func @transform_3(%arg0: i32) -> (i32, i32, i32) {
    %c0_i32 = arith.constant 0 : i32
    %c0_i32_0 = arith.constant 0 : i32
    %c0_i32_1 = arith.constant 0 : i32
    return %arg0, %c0_i32, %c0_i32_0 : i32, i32, i32
  }
}

module attributes {stable_mosaic.version = 14 : i64} {
  func.func @_vq_kernel(%arg0: i32, %arg1: memref<1344x128xf32, #tpu.memory_space<vmem>>, %arg2: memref<512x128xf32, #tpu.memory_space<vmem>>, %arg3: memref<1344x128xf32, #tpu.memory_space<vmem>>, %arg4: memref<1344x1xi32, #tpu.memory_space<vmem>>, %arg5: memref<1x1xf32, #tpu.memory_space<vmem>>) attributes {dimension_semantics = [#tpu.dimension_semantics<arbitrary>], iteration_bounds = array<i64: 8>, scalar_prefetch = 0 : i64, scratch_operands = 0 : i64, tpu.core_type = #tpu.core_type<tc>, window_params = [{transform_indices = @transform_0, window_bounds = array<i64: 1344, 128>}, {pipeline_mode = #tpu.pipeline_mode<synchronous>, transform_indices = @transform_1, window_bounds = array<i64: 512, 128>}, {transform_indices = @transform_2, window_bounds = array<i64: 1344, 128>}, {transform_indices = @transform_3, window_bounds = array<i64: 1344, 1>}, {pipeline_mode = #tpu.pipeline_mode<synchronous>, transform_indices = @transform_4, window_bounds = array<i64: 1, 1>}]} {
    %get3A = arith.constant 0 : index
    %get3A_0 = arith.constant 0 : index
    %get3A_1 = vector.load %arg1[%get3A, %get3A_0] : memref<1344x128xf32, #tpu.memory_space<vmem>>, vector<1344x128xf32>
    %get3A_2 = arith.constant 0 : index
    %get3A_3 = arith.constant 0 : index
    %get3A_4 = vector.load %arg2[%get3A_2, %get3A_3] : memref<512x128xf32, #tpu.memory_space<vmem>>, vector<512x128xf32>
    %mul3A = arith.mulf %get3A_1, %get3A_1 : vector<1344x128xf32>
    %reduce_sum3A = arith.constant dense<0.000000e+00> : vector<1344xf32>
    %reduce_sum3A_5 = vector.multi_reduction <add>, %mul3A, %reduce_sum3A [1] : vector<1344x128xf32> to vector<1344xf32>
    %broadcast_in_dim3A = vector.shape_cast %reduce_sum3A_5 : vector<1344xf32> to vector<1344x1xf32>
    %mul3A_6 = arith.mulf %get3A_4, %get3A_4 : vector<512x128xf32>
    %reduce_sum3A_7 = arith.constant dense<0.000000e+00> : vector<512xf32>
    %reduce_sum3A_8 = vector.multi_reduction <add>, %mul3A_6, %reduce_sum3A_7 [1] : vector<512x128xf32> to vector<512xf32>
    %broadcast_in_dim3A_9 = vector.shape_cast %reduce_sum3A_8 : vector<512xf32> to vector<1x512xf32>
    %add3A = vector.broadcast %broadcast_in_dim3A : vector<1344x1xf32> to vector<1344x512xf32>
    %add3A_10 = vector.broadcast %broadcast_in_dim3A_9 : vector<1x512xf32> to vector<1344x512xf32>
    %add3A_11 = arith.addf %add3A, %add3A_10 : vector<1344x512xf32>
    %transpose3A = tpu.transpose %get3A_4, [1, 0] : vector<512x128xf32> -> vector<128x512xf32>
    %dot_general3A = arith.constant dense<0.000000e+00> : vector<1344x512xf32>
    %dot_general3A_12 = tpu.matmul %get3A_1, %transpose3A, %dot_general3A {dimension_numbers = #tpu.dot_dimension_numbers<[1], [0], [0], [1], [0, 0, 1, 1], [], []>, transpose_lhs_hint = false} : vector<1344x128xf32>, vector<128x512xf32>, vector<1344x512xf32> -> vector<1344x512xf32>
    %mul3A_13 = arith.constant 2.000000e+00 : f32
    %mul3A_14 = vector.broadcast %mul3A_13 : f32 to vector<1344x512xf32>
    %mul3A_15 = arith.mulf %mul3A_14, %dot_general3A_12 : vector<1344x512xf32>
    %sub3A = arith.subf %add3A_11, %mul3A_15 : vector<1344x512xf32>
    %argmin3A = tpu.reduce_index %sub3A {axis = 1 : i32, kind = #tpu.reduction_kind<arg_min>} : vector<1344x512xf32> -> vector<1344xi32>
    %iota3A = tpu.iota {dimensions = array<i32: 1>} : vector<1344x512xi32>
    %broadcast_in_dim3A_16 = vector.shape_cast %argmin3A : vector<1344xi32> to vector<1344x1xi32>
    %eq3A = vector.broadcast %broadcast_in_dim3A_16 : vector<1344x1xi32> to vector<1344x512xi32>
    %eq3A_17 = arith.cmpi eq, %iota3A, %eq3A : vector<1344x512xi32>
    %convert_element_type3A = arith.extui %eq3A_17 : vector<1344x512xi1> to vector<1344x512xi32>
    %convert_element_type3A_18 = arith.sitofp %convert_element_type3A : vector<1344x512xi32> to vector<1344x512xf32>
    %dot_general3A_19 = arith.constant dense<0.000000e+00> : vector<1344x128xf32>
    %dot_general3A_20 = tpu.matmul %convert_element_type3A_18, %get3A_4, %dot_general3A_19 {dimension_numbers = #tpu.dot_dimension_numbers<[1], [0], [0], [1], [0, 0, 1, 1], [], []>, transpose_lhs_hint = false} : vector<1344x512xf32>, vector<512x128xf32>, vector<1344x128xf32> -> vector<1344x128xf32>
    %swap3A = arith.constant 0 : index
    %swap3A_21 = arith.constant 0 : index
    %swap3A_22 = vector.load %arg3[%swap3A, %swap3A_21] : memref<1344x128xf32, #tpu.memory_space<vmem>>, vector<1344x128xf32>
    tpu.vector_store %arg3[%swap3A, %swap3A_21], %dot_general3A_20 {strides = array<i32>} : memref<1344x128xf32, #tpu.memory_space<vmem>>, vector<1344x128xf32>,
    %broadcast_in_dim3A_23 = vector.shape_cast %argmin3A : vector<1344xi32> to vector<1344x1xi32>
    %swap3A_24 = arith.constant 0 : index
    %swap3A_25 = arith.constant 0 : index
    %swap3A_26 = vector.load %arg4[%swap3A_24, %swap3A_25] : memref<1344x1xi32, #tpu.memory_space<vmem>>, vector<1344x1xi32>
    tpu.vector_store %arg4[%swap3A_24, %swap3A_25], %broadcast_in_dim3A_23 {strides = array<i32>} : memref<1344x1xi32, #tpu.memory_space<vmem>>, vector<1344x1xi32>,
    %sub3A_27 = arith.subf %dot_general3A_20, %get3A_1 : vector<1344x128xf32>
    %mul3A_28 = arith.mulf %sub3A_27, %sub3A_27 : vector<1344x128xf32>
    %reduce_sum3A_29 = vector.shape_cast %mul3A_28 : vector<1344x128xf32> to vector<1x1344x128xf32>
    %reduce_sum3A_30 = arith.constant dense<0.000000e+00> : vector<1xf32>
    %reduce_sum3A_31 = vector.multi_reduction <add>, %reduce_sum3A_29, %reduce_sum3A_30 [1, 2] : vector<1x1344x128xf32> to vector<1xf32>
    %reduce_sum3A_32 = vector.shape_cast %reduce_sum3A_31 : vector<1xf32> to vector<1x1x1xf32>
    %reduce_sum3A_33 = vector.extract %reduce_sum3A_32[0, 0, 0] : f32 from vector<1x1x1xf32>
    %broadcast_in_dim3A_34 = vector.broadcast %reduce_sum3A_33 : f32 to vector<1x1xf32>
    %eq3A_35 = arith.constant 0 : i32
    %eq3A_36 = arith.cmpi eq, %arg0, %eq3A_35 : i32
    %convert_element_type3A_37 = arith.extui %eq3A_36 : i1 to i32
    %cond3A = arith.constant 0 : i32
    %cond3A_38 = arith.cmpi ne, %convert_element_type3A_37, %cond3A : i32
    scf.if %cond3A_38 {
      %broadcast_in_dim3A_46 = arith.constant 0.000000e+00 : f32
      %broadcast_in_dim3A_47 = vector.broadcast %broadcast_in_dim3A_46 : f32 to vector<1x1xf32>
      %swap3A_48 = arith.constant 0 : index
      %swap3A_49 = arith.constant 0 : index
      %swap3A_50 = vector.load %arg5[%swap3A_48, %swap3A_49] : memref<1x1xf32, #tpu.memory_space<vmem>>, vector<1x1xf32>
      tpu.vector_store %arg5[%swap3A_48, %swap3A_49], %broadcast_in_dim3A_47 {strides = array<i32>} : memref<1x1xf32, #tpu.memory_space<vmem>>, vector<1x1xf32>,
    } else {
    }
    %get3A_39 = arith.constant 0 : index
    %get3A_40 = arith.constant 0 : index
    %get3A_41 = vector.load %arg5[%get3A_39, %get3A_40] : memref<1x1xf32, #tpu.memory_space<vmem>>, vector<1x1xf32>
    %add3A_42 = arith.addf %get3A_41, %broadcast_in_dim3A_34 : vector<1x1xf32>
    %swap3A_43 = arith.constant 0 : index
    %swap3A_44 = arith.constant 0 : index
    %swap3A_45 = vector.load %arg5[%swap3A_43, %swap3A_44] : memref<1x1xf32, #tpu.memory_space<vmem>>, vector<1x1xf32>
    tpu.vector_store %arg5[%swap3A_43, %swap3A_44], %add3A_42 {strides = array<i32>} : memref<1x1xf32, #tpu.memory_space<vmem>>, vector<1x1xf32>,
    return
  }
  func.func @transform_0(%arg0: i32) -> (i32, i32) {
    %c0_i32 = arith.constant 0 : i32
    %c0_i32_0 = arith.constant 0 : i32
    return %arg0, %c0_i32 : i32, i32
  }
  func.func @transform_1(%arg0: i32) -> (i32, i32) {
    %c0_i32 = arith.constant 0 : i32
    %c0_i32_0 = arith.constant 0 : i32
    %c0_i32_1 = arith.constant 0 : i32
    return %c0_i32, %c0_i32_0 : i32, i32
  }
  func.func @transform_2(%arg0: i32) -> (i32, i32) {
    %c0_i32 = arith.constant 0 : i32
    %c0_i32_0 = arith.constant 0 : i32
    return %arg0, %c0_i32 : i32, i32
  }
  func.func @transform_3(%arg0: i32) -> (i32, i32) {
    %c0_i32 = arith.constant 0 : i32
    %c0_i32_0 = arith.constant 0 : i32
    return %arg0, %c0_i32 : i32, i32
  }
  func.func @transform_4(%arg0: i32) -> (i32, i32) {
    %c0_i32 = arith.constant 0 : i32
    %c0_i32_0 = arith.constant 0 : i32
    %c0_i32_1 = arith.constant 0 : i32
    return %c0_i32, %c0_i32_0 : i32, i32
  }
}

module attributes {stable_mosaic.version = 14 : i64} {
  func.func @_conv_3x3_kernel(%arg0: i32, %arg1: memref<1x18x23x128xf32, #tpu.memory_space<vmem>>, %arg2: memref<1152x256xf32, #tpu.memory_space<vmem>>, %arg3: memref<1x256xf32, #tpu.memory_space<vmem>>, %arg4: memref<1x336x256xf32, #tpu.memory_space<vmem>>) attributes {dimension_semantics = [#tpu.dimension_semantics<arbitrary>], iteration_bounds = array<i64: 32>, scalar_prefetch = 0 : i64, scratch_operands = 0 : i64, tpu.core_type = #tpu.core_type<tc>, window_params = [{transform_indices = @transform_0, window_bounds = array<i64: 1, 18, 23, 128>}, {pipeline_mode = #tpu.pipeline_mode<synchronous>, transform_indices = @transform_1, window_bounds = array<i64: 1152, 256>}, {pipeline_mode = #tpu.pipeline_mode<synchronous>, transform_indices = @transform_2, window_bounds = array<i64: 1, 256>}, {transform_indices = @transform_3, window_bounds = array<i64: 1, 336, 256>}]} {
    %get3A = arith.constant 0 : index
    %get3A_0 = arith.constant 0 : index
    %get3A_1 = arith.constant 0 : index
    %get3A_2 = arith.constant 0 : index
    %get3A_3 = vector.load %arg1[%get3A, %get3A_0, %get3A_1, %get3A_2] : memref<1x18x23x128xf32, #tpu.memory_space<vmem>>, vector<1x16x21x128xf32>
    %get3A_4 = vector.shape_cast %get3A_3 : vector<1x16x21x128xf32> to vector<16x21x128xf32>
    %reshape3A = vector.shape_cast %get3A_4 : vector<16x21x128xf32> to vector<336x128xf32>
    %get3A_5 = arith.constant 0 : index
    %get3A_6 = arith.constant 0 : index
    %get3A_7 = arith.constant 1 : index
    %get3A_8 = arith.constant 0 : index
    %get3A_9 = vector.load %arg1[%get3A_5, %get3A_6, %get3A_7, %get3A_8] : memref<1x18x23x128xf32, #tpu.memory_space<vmem>>, vector<1x16x21x128xf32>
    %get3A_10 = vector.shape_cast %get3A_9 : vector<1x16x21x128xf32> to vector<16x21x128xf32>
    %reshape3A_11 = vector.shape_cast %get3A_10 : vector<16x21x128xf32> to vector<336x128xf32>
    %get3A_12 = arith.constant 0 : index
    %get3A_13 = arith.constant 0 : index
    %get3A_14 = arith.constant 2 : index
    %get3A_15 = arith.constant 0 : index
    %get3A_16 = vector.load %arg1[%get3A_12, %get3A_13, %get3A_14, %get3A_15] : memref<1x18x23x128xf32, #tpu.memory_space<vmem>>, vector<1x16x21x128xf32>
    %get3A_17 = vector.shape_cast %get3A_16 : vector<1x16x21x128xf32> to vector<16x21x128xf32>
    %reshape3A_18 = vector.shape_cast %get3A_17 : vector<16x21x128xf32> to vector<336x128xf32>
    %get3A_19 = arith.constant 0 : index
    %get3A_20 = arith.constant 1 : index
    %get3A_21 = arith.constant 0 : index
    %get3A_22 = arith.constant 0 : index
    %get3A_23 = vector.load %arg1[%get3A_19, %get3A_20, %get3A_21, %get3A_22] : memref<1x18x23x128xf32, #tpu.memory_space<vmem>>, vector<1x16x21x128xf32>
    %get3A_24 = vector.shape_cast %get3A_23 : vector<1x16x21x128xf32> to vector<16x21x128xf32>
    %reshape3A_25 = vector.shape_cast %get3A_24 : vector<16x21x128xf32> to vector<336x128xf32>
    %get3A_26 = arith.constant 0 : index
    %get3A_27 = arith.constant 1 : index
    %get3A_28 = arith.constant 1 : index
    %get3A_29 = arith.constant 0 : index
    %get3A_30 = vector.load %arg1[%get3A_26, %get3A_27, %get3A_28, %get3A_29] : memref<1x18x23x128xf32, #tpu.memory_space<vmem>>, vector<1x16x21x128xf32>
    %get3A_31 = vector.shape_cast %get3A_30 : vector<1x16x21x128xf32> to vector<16x21x128xf32>
    %reshape3A_32 = vector.shape_cast %get3A_31 : vector<16x21x128xf32> to vector<336x128xf32>
    %get3A_33 = arith.constant 0 : index
    %get3A_34 = arith.constant 1 : index
    %get3A_35 = arith.constant 2 : index
    %get3A_36 = arith.constant 0 : index
    %get3A_37 = vector.load %arg1[%get3A_33, %get3A_34, %get3A_35, %get3A_36] : memref<1x18x23x128xf32, #tpu.memory_space<vmem>>, vector<1x16x21x128xf32>
    %get3A_38 = vector.shape_cast %get3A_37 : vector<1x16x21x128xf32> to vector<16x21x128xf32>
    %reshape3A_39 = vector.shape_cast %get3A_38 : vector<16x21x128xf32> to vector<336x128xf32>
    %get3A_40 = arith.constant 0 : index
    %get3A_41 = arith.constant 2 : index
    %get3A_42 = arith.constant 0 : index
    %get3A_43 = arith.constant 0 : index
    %get3A_44 = vector.load %arg1[%get3A_40, %get3A_41, %get3A_42, %get3A_43] : memref<1x18x23x128xf32, #tpu.memory_space<vmem>>, vector<1x16x21x128xf32>
    %get3A_45 = vector.shape_cast %get3A_44 : vector<1x16x21x128xf32> to vector<16x21x128xf32>
    %reshape3A_46 = vector.shape_cast %get3A_45 : vector<16x21x128xf32> to vector<336x128xf32>
    %get3A_47 = arith.constant 0 : index
    %get3A_48 = arith.constant 2 : index
    %get3A_49 = arith.constant 1 : index
    %get3A_50 = arith.constant 0 : index
    %get3A_51 = vector.load %arg1[%get3A_47, %get3A_48, %get3A_49, %get3A_50] : memref<1x18x23x128xf32, #tpu.memory_space<vmem>>, vector<1x16x21x128xf32>
    %get3A_52 = vector.shape_cast %get3A_51 : vector<1x16x21x128xf32> to vector<16x21x128xf32>
    %reshape3A_53 = vector.shape_cast %get3A_52 : vector<16x21x128xf32> to vector<336x128xf32>
    %get3A_54 = arith.constant 0 : index
    %get3A_55 = arith.constant 2 : index
    %get3A_56 = arith.constant 2 : index
    %get3A_57 = arith.constant 0 : index
    %get3A_58 = vector.load %arg1[%get3A_54, %get3A_55, %get3A_56, %get3A_57] : memref<1x18x23x128xf32, #tpu.memory_space<vmem>>, vector<1x16x21x128xf32>
    %get3A_59 = vector.shape_cast %get3A_58 : vector<1x16x21x128xf32> to vector<16x21x128xf32>
    %reshape3A_60 = vector.shape_cast %get3A_59 : vector<16x21x128xf32> to vector<336x128xf32>
    %concatenate3A = tpu.concatenate %reshape3A, %reshape3A_11, %reshape3A_18, %reshape3A_25, %reshape3A_32, %reshape3A_39, %reshape3A_46, %reshape3A_53, %reshape3A_60 in 1 : vector<336x128xf32>, vector<336x128xf32>, vector<336x128xf32>, vector<336x128xf32>, vector<336x128xf32>, vector<336x128xf32>, vector<336x128xf32>, vector<336x128xf32>, vector<336x128xf32> -> vector<336x1152xf32>
    %get3A_61 = arith.constant 0 : index
    %get3A_62 = arith.constant 0 : index
    %get3A_63 = vector.load %arg2[%get3A_61, %get3A_62] : memref<1152x256xf32, #tpu.memory_space<vmem>>, vector<1152x256xf32>
    %dot_general3A = arith.constant dense<0.000000e+00> : vector<336x256xf32>
    %dot_general3A_64 = tpu.matmul %concatenate3A, %get3A_63, %dot_general3A {dimension_numbers = #tpu.dot_dimension_numbers<[1], [0], [0], [1], [0, 0, 1, 1], [], []>, transpose_lhs_hint = false} : vector<336x1152xf32>, vector<1152x256xf32>, vector<336x256xf32> -> vector<336x256xf32>
    %get3A_65 = arith.constant 0 : index
    %get3A_66 = arith.constant 0 : index
    %get3A_67 = vector.load %arg3[%get3A_65, %get3A_66] : memref<1x256xf32, #tpu.memory_space<vmem>>, vector<1x256xf32>
    %add3A = vector.broadcast %get3A_67 : vector<1x256xf32> to vector<336x256xf32>
    %add3A_68 = arith.addf %dot_general3A_64, %add3A : vector<336x256xf32>
    %max3A = arith.constant 0.000000e+00 : f32
    %max3A_69 = vector.broadcast %max3A : f32 to vector<336x256xf32>
    %max3A_70 = arith.maximumf %add3A_68, %max3A_69 : vector<336x256xf32>
    %swap3A = arith.constant 0 : index
    %swap3A_71 = arith.constant 0 : index
    %swap3A_72 = arith.constant 0 : index
    %swap3A_73 = vector.load %arg4[%swap3A, %swap3A_71, %swap3A_72] : memref<1x336x256xf32, #tpu.memory_space<vmem>>, vector<1x336x256xf32>
    %swap3A_74 = vector.shape_cast %swap3A_73 : vector<1x336x256xf32> to vector<336x256xf32>
    %swap3A_75 = vector.shape_cast %max3A_70 : vector<336x256xf32> to vector<1x336x256xf32>
    tpu.vector_store %arg4[%swap3A, %swap3A_71, %swap3A_72], %swap3A_75 {strides = array<i32>} : memref<1x336x256xf32, #tpu.memory_space<vmem>>, vector<1x336x256xf32>,
    return
  }
  func.func @transform_0(%arg0: i32) -> (i32, i32, i32, i32) {
    %c0_i32 = arith.constant 0 : i32
    %c0_i32_0 = arith.constant 0 : i32
    %c0_i32_1 = arith.constant 0 : i32
    %c0_i32_2 = arith.constant 0 : i32
    return %arg0, %c0_i32, %c0_i32_0, %c0_i32_1 : i32, i32, i32, i32
  }
  func.func @transform_1(%arg0: i32) -> (i32, i32) {
    %c0_i32 = arith.constant 0 : i32
    %c0_i32_0 = arith.constant 0 : i32
    %c0_i32_1 = arith.constant 0 : i32
    return %c0_i32, %c0_i32_0 : i32, i32
  }
  func.func @transform_2(%arg0: i32) -> (i32, i32) {
    %c0_i32 = arith.constant 0 : i32
    %c0_i32_0 = arith.constant 0 : i32
    %c0_i32_1 = arith.constant 0 : i32
    return %c0_i32, %c0_i32_0 : i32, i32
  }
  func.func @transform_3(%arg0: i32) -> (i32, i32, i32) {
    %c0_i32 = arith.constant 0 : i32
    %c0_i32_0 = arith.constant 0 : i32
    %c0_i32_1 = arith.constant 0 : i32
    return %arg0, %c0_i32, %c0_i32_0 : i32, i32, i32
  }
}

module attributes {stable_mosaic.version = 14 : i64} {
  func.func @_conv_3x3_kernel(%arg0: i32, %arg1: memref<1x34x44x64xf32, #tpu.memory_space<vmem>>, %arg2: memref<576x128xf32, #tpu.memory_space<vmem>>, %arg3: memref<1x128xf32, #tpu.memory_space<vmem>>, %arg4: memref<1x1344x128xf32, #tpu.memory_space<vmem>>) attributes {dimension_semantics = [#tpu.dimension_semantics<arbitrary>], iteration_bounds = array<i64: 32>, scalar_prefetch = 0 : i64, scratch_operands = 0 : i64, tpu.core_type = #tpu.core_type<tc>, window_params = [{transform_indices = @transform_0, window_bounds = array<i64: 1, 34, 44, 64>}, {pipeline_mode = #tpu.pipeline_mode<synchronous>, transform_indices = @transform_1, window_bounds = array<i64: 576, 128>}, {pipeline_mode = #tpu.pipeline_mode<synchronous>, transform_indices = @transform_2, window_bounds = array<i64: 1, 128>}, {transform_indices = @transform_3, window_bounds = array<i64: 1, 1344, 128>}]} {
    %get3A = arith.constant 0 : index
    %get3A_0 = arith.constant 0 : index
    %get3A_1 = arith.constant 0 : index
    %get3A_2 = arith.constant 0 : index
    %get3A_3 = vector.load %arg1[%get3A, %get3A_0, %get3A_1, %get3A_2] : memref<1x34x44x64xf32, #tpu.memory_space<vmem>>, vector<1x32x42x64xf32>
    %get3A_4 = vector.shape_cast %get3A_3 : vector<1x32x42x64xf32> to vector<32x42x64xf32>
    %reshape3A = vector.shape_cast %get3A_4 : vector<32x42x64xf32> to vector<1344x64xf32>
    %get3A_5 = arith.constant 0 : index
    %get3A_6 = arith.constant 0 : index
    %get3A_7 = arith.constant 1 : index
    %get3A_8 = arith.constant 0 : index
    %get3A_9 = vector.load %arg1[%get3A_5, %get3A_6, %get3A_7, %get3A_8] : memref<1x34x44x64xf32, #tpu.memory_space<vmem>>, vector<1x32x42x64xf32>
    %get3A_10 = vector.shape_cast %get3A_9 : vector<1x32x42x64xf32> to vector<32x42x64xf32>
    %reshape3A_11 = vector.shape_cast %get3A_10 : vector<32x42x64xf32> to vector<1344x64xf32>
    %get3A_12 = arith.constant 0 : index
    %get3A_13 = arith.constant 0 : index
    %get3A_14 = arith.constant 2 : index
    %get3A_15 = arith.constant 0 : index
    %get3A_16 = vector.load %arg1[%get3A_12, %get3A_13, %get3A_14, %get3A_15] : memref<1x34x44x64xf32, #tpu.memory_space<vmem>>, vector<1x32x42x64xf32>
    %get3A_17 = vector.shape_cast %get3A_16 : vector<1x32x42x64xf32> to vector<32x42x64xf32>
    %reshape3A_18 = vector.shape_cast %get3A_17 : vector<32x42x64xf32> to vector<1344x64xf32>
    %get3A_19 = arith.constant 0 : index
    %get3A_20 = arith.constant 1 : index
    %get3A_21 = arith.constant 0 : index
    %get3A_22 = arith.constant 0 : index
    %get3A_23 = vector.load %arg1[%get3A_19, %get3A_20, %get3A_21, %get3A_22] : memref<1x34x44x64xf32, #tpu.memory_space<vmem>>, vector<1x32x42x64xf32>
    %get3A_24 = vector.shape_cast %get3A_23 : vector<1x32x42x64xf32> to vector<32x42x64xf32>
    %reshape3A_25 = vector.shape_cast %get3A_24 : vector<32x42x64xf32> to vector<1344x64xf32>
    %get3A_26 = arith.constant 0 : index
    %get3A_27 = arith.constant 1 : index
    %get3A_28 = arith.constant 1 : index
    %get3A_29 = arith.constant 0 : index
    %get3A_30 = vector.load %arg1[%get3A_26, %get3A_27, %get3A_28, %get3A_29] : memref<1x34x44x64xf32, #tpu.memory_space<vmem>>, vector<1x32x42x64xf32>
    %get3A_31 = vector.shape_cast %get3A_30 : vector<1x32x42x64xf32> to vector<32x42x64xf32>
    %reshape3A_32 = vector.shape_cast %get3A_31 : vector<32x42x64xf32> to vector<1344x64xf32>
    %get3A_33 = arith.constant 0 : index
    %get3A_34 = arith.constant 1 : index
    %get3A_35 = arith.constant 2 : index
    %get3A_36 = arith.constant 0 : index
    %get3A_37 = vector.load %arg1[%get3A_33, %get3A_34, %get3A_35, %get3A_36] : memref<1x34x44x64xf32, #tpu.memory_space<vmem>>, vector<1x32x42x64xf32>
    %get3A_38 = vector.shape_cast %get3A_37 : vector<1x32x42x64xf32> to vector<32x42x64xf32>
    %reshape3A_39 = vector.shape_cast %get3A_38 : vector<32x42x64xf32> to vector<1344x64xf32>
    %get3A_40 = arith.constant 0 : index
    %get3A_41 = arith.constant 2 : index
    %get3A_42 = arith.constant 0 : index
    %get3A_43 = arith.constant 0 : index
    %get3A_44 = vector.load %arg1[%get3A_40, %get3A_41, %get3A_42, %get3A_43] : memref<1x34x44x64xf32, #tpu.memory_space<vmem>>, vector<1x32x42x64xf32>
    %get3A_45 = vector.shape_cast %get3A_44 : vector<1x32x42x64xf32> to vector<32x42x64xf32>
    %reshape3A_46 = vector.shape_cast %get3A_45 : vector<32x42x64xf32> to vector<1344x64xf32>
    %get3A_47 = arith.constant 0 : index
    %get3A_48 = arith.constant 2 : index
    %get3A_49 = arith.constant 1 : index
    %get3A_50 = arith.constant 0 : index
    %get3A_51 = vector.load %arg1[%get3A_47, %get3A_48, %get3A_49, %get3A_50] : memref<1x34x44x64xf32, #tpu.memory_space<vmem>>, vector<1x32x42x64xf32>
    %get3A_52 = vector.shape_cast %get3A_51 : vector<1x32x42x64xf32> to vector<32x42x64xf32>
    %reshape3A_53 = vector.shape_cast %get3A_52 : vector<32x42x64xf32> to vector<1344x64xf32>
    %get3A_54 = arith.constant 0 : index
    %get3A_55 = arith.constant 2 : index
    %get3A_56 = arith.constant 2 : index
    %get3A_57 = arith.constant 0 : index
    %get3A_58 = vector.load %arg1[%get3A_54, %get3A_55, %get3A_56, %get3A_57] : memref<1x34x44x64xf32, #tpu.memory_space<vmem>>, vector<1x32x42x64xf32>
    %get3A_59 = vector.shape_cast %get3A_58 : vector<1x32x42x64xf32> to vector<32x42x64xf32>
    %reshape3A_60 = vector.shape_cast %get3A_59 : vector<32x42x64xf32> to vector<1344x64xf32>
    %concatenate3A = tpu.concatenate %reshape3A, %reshape3A_11, %reshape3A_18, %reshape3A_25, %reshape3A_32, %reshape3A_39, %reshape3A_46, %reshape3A_53, %reshape3A_60 in 1 : vector<1344x64xf32>, vector<1344x64xf32>, vector<1344x64xf32>, vector<1344x64xf32>, vector<1344x64xf32>, vector<1344x64xf32>, vector<1344x64xf32>, vector<1344x64xf32>, vector<1344x64xf32> -> vector<1344x576xf32>
    %get3A_61 = arith.constant 0 : index
    %get3A_62 = arith.constant 0 : index
    %get3A_63 = vector.load %arg2[%get3A_61, %get3A_62] : memref<576x128xf32, #tpu.memory_space<vmem>>, vector<576x128xf32>
    %dot_general3A = arith.constant dense<0.000000e+00> : vector<1344x128xf32>
    %dot_general3A_64 = tpu.matmul %concatenate3A, %get3A_63, %dot_general3A {dimension_numbers = #tpu.dot_dimension_numbers<[1], [0], [0], [1], [0, 0, 1, 1], [], []>, transpose_lhs_hint = false} : vector<1344x576xf32>, vector<576x128xf32>, vector<1344x128xf32> -> vector<1344x128xf32>
    %get3A_65 = arith.constant 0 : index
    %get3A_66 = arith.constant 0 : index
    %get3A_67 = vector.load %arg3[%get3A_65, %get3A_66] : memref<1x128xf32, #tpu.memory_space<vmem>>, vector<1x128xf32>
    %add3A = vector.broadcast %get3A_67 : vector<1x128xf32> to vector<1344x128xf32>
    %add3A_68 = arith.addf %dot_general3A_64, %add3A : vector<1344x128xf32>
    %max3A = arith.constant 0.000000e+00 : f32
    %max3A_69 = vector.broadcast %max3A : f32 to vector<1344x128xf32>
    %max3A_70 = arith.maximumf %add3A_68, %max3A_69 : vector<1344x128xf32>
    %swap3A = arith.constant 0 : index
    %swap3A_71 = arith.constant 0 : index
    %swap3A_72 = arith.constant 0 : index
    %swap3A_73 = vector.load %arg4[%swap3A, %swap3A_71, %swap3A_72] : memref<1x1344x128xf32, #tpu.memory_space<vmem>>, vector<1x1344x128xf32>
    %swap3A_74 = vector.shape_cast %swap3A_73 : vector<1x1344x128xf32> to vector<1344x128xf32>
    %swap3A_75 = vector.shape_cast %max3A_70 : vector<1344x128xf32> to vector<1x1344x128xf32>
    tpu.vector_store %arg4[%swap3A, %swap3A_71, %swap3A_72], %swap3A_75 {strides = array<i32>} : memref<1x1344x128xf32, #tpu.memory_space<vmem>>, vector<1x1344x128xf32>,
    return
  }
  func.func @transform_0(%arg0: i32) -> (i32, i32, i32, i32) {
    %c0_i32 = arith.constant 0 : i32
    %c0_i32_0 = arith.constant 0 : i32
    %c0_i32_1 = arith.constant 0 : i32
    %c0_i32_2 = arith.constant 0 : i32
    return %arg0, %c0_i32, %c0_i32_0, %c0_i32_1 : i32, i32, i32, i32
  }
  func.func @transform_1(%arg0: i32) -> (i32, i32) {
    %c0_i32 = arith.constant 0 : i32
    %c0_i32_0 = arith.constant 0 : i32
    %c0_i32_1 = arith.constant 0 : i32
    return %c0_i32, %c0_i32_0 : i32, i32
  }
  func.func @transform_2(%arg0: i32) -> (i32, i32) {
    %c0_i32 = arith.constant 0 : i32
    %c0_i32_0 = arith.constant 0 : i32
    %c0_i32_1 = arith.constant 0 : i32
    return %c0_i32, %c0_i32_0 : i32, i32
  }
  func.func @transform_3(%arg0: i32) -> (i32, i32, i32) {
    %c0_i32 = arith.constant 0 : i32
    %c0_i32_0 = arith.constant 0 : i32
    %c0_i32_1 = arith.constant 0 : i32
    return %arg0, %c0_i32, %c0_i32_0 : i32, i32, i32
  }
}

module attributes {stable_mosaic.version = 14 : i64} {
  func.func @_conv_3x3_kernel(%arg0: i32, %arg1: memref<1x66x86x32xf32, #tpu.memory_space<vmem>>, %arg2: memref<288x64xf32, #tpu.memory_space<vmem>>, %arg3: memref<1x64xf32, #tpu.memory_space<vmem>>, %arg4: memref<1x5376x64xf32, #tpu.memory_space<vmem>>) attributes {dimension_semantics = [#tpu.dimension_semantics<arbitrary>], iteration_bounds = array<i64: 32>, scalar_prefetch = 0 : i64, scratch_operands = 0 : i64, tpu.core_type = #tpu.core_type<tc>, window_params = [{transform_indices = @transform_0, window_bounds = array<i64: 1, 66, 86, 32>}, {pipeline_mode = #tpu.pipeline_mode<synchronous>, transform_indices = @transform_1, window_bounds = array<i64: 288, 64>}, {pipeline_mode = #tpu.pipeline_mode<synchronous>, transform_indices = @transform_2, window_bounds = array<i64: 1, 64>}, {transform_indices = @transform_3, window_bounds = array<i64: 1, 5376, 64>}]} {
    %get3A = arith.constant 0 : index
    %get3A_0 = arith.constant 0 : index
    %get3A_1 = arith.constant 0 : index
    %get3A_2 = arith.constant 0 : index
    %get3A_3 = vector.load %arg1[%get3A, %get3A_0, %get3A_1, %get3A_2] : memref<1x66x86x32xf32, #tpu.memory_space<vmem>>, vector<1x64x84x32xf32>
    %get3A_4 = vector.shape_cast %get3A_3 : vector<1x64x84x32xf32> to vector<64x84x32xf32>
    %reshape3A = vector.shape_cast %get3A_4 : vector<64x84x32xf32> to vector<5376x32xf32>
    %get3A_5 = arith.constant 0 : index
    %get3A_6 = arith.constant 0 : index
    %get3A_7 = arith.constant 1 : index
    %get3A_8 = arith.constant 0 : index
    %get3A_9 = vector.load %arg1[%get3A_5, %get3A_6, %get3A_7, %get3A_8] : memref<1x66x86x32xf32, #tpu.memory_space<vmem>>, vector<1x64x84x32xf32>
    %get3A_10 = vector.shape_cast %get3A_9 : vector<1x64x84x32xf32> to vector<64x84x32xf32>
    %reshape3A_11 = vector.shape_cast %get3A_10 : vector<64x84x32xf32> to vector<5376x32xf32>
    %get3A_12 = arith.constant 0 : index
    %get3A_13 = arith.constant 0 : index
    %get3A_14 = arith.constant 2 : index
    %get3A_15 = arith.constant 0 : index
    %get3A_16 = vector.load %arg1[%get3A_12, %get3A_13, %get3A_14, %get3A_15] : memref<1x66x86x32xf32, #tpu.memory_space<vmem>>, vector<1x64x84x32xf32>
    %get3A_17 = vector.shape_cast %get3A_16 : vector<1x64x84x32xf32> to vector<64x84x32xf32>
    %reshape3A_18 = vector.shape_cast %get3A_17 : vector<64x84x32xf32> to vector<5376x32xf32>
    %get3A_19 = arith.constant 0 : index
    %get3A_20 = arith.constant 1 : index
    %get3A_21 = arith.constant 0 : index
    %get3A_22 = arith.constant 0 : index
    %get3A_23 = vector.load %arg1[%get3A_19, %get3A_20, %get3A_21, %get3A_22] : memref<1x66x86x32xf32, #tpu.memory_space<vmem>>, vector<1x64x84x32xf32>
    %get3A_24 = vector.shape_cast %get3A_23 : vector<1x64x84x32xf32> to vector<64x84x32xf32>
    %reshape3A_25 = vector.shape_cast %get3A_24 : vector<64x84x32xf32> to vector<5376x32xf32>
    %get3A_26 = arith.constant 0 : index
    %get3A_27 = arith.constant 1 : index
    %get3A_28 = arith.constant 1 : index
    %get3A_29 = arith.constant 0 : index
    %get3A_30 = vector.load %arg1[%get3A_26, %get3A_27, %get3A_28, %get3A_29] : memref<1x66x86x32xf32, #tpu.memory_space<vmem>>, vector<1x64x84x32xf32>
    %get3A_31 = vector.shape_cast %get3A_30 : vector<1x64x84x32xf32> to vector<64x84x32xf32>
    %reshape3A_32 = vector.shape_cast %get3A_31 : vector<64x84x32xf32> to vector<5376x32xf32>
    %get3A_33 = arith.constant 0 : index
    %get3A_34 = arith.constant 1 : index
    %get3A_35 = arith.constant 2 : index
    %get3A_36 = arith.constant 0 : index
    %get3A_37 = vector.load %arg1[%get3A_33, %get3A_34, %get3A_35, %get3A_36] : memref<1x66x86x32xf32, #tpu.memory_space<vmem>>, vector<1x64x84x32xf32>
    %get3A_38 = vector.shape_cast %get3A_37 : vector<1x64x84x32xf32> to vector<64x84x32xf32>
    %reshape3A_39 = vector.shape_cast %get3A_38 : vector<64x84x32xf32> to vector<5376x32xf32>
    %get3A_40 = arith.constant 0 : index
    %get3A_41 = arith.constant 2 : index
    %get3A_42 = arith.constant 0 : index
    %get3A_43 = arith.constant 0 : index
    %get3A_44 = vector.load %arg1[%get3A_40, %get3A_41, %get3A_42, %get3A_43] : memref<1x66x86x32xf32, #tpu.memory_space<vmem>>, vector<1x64x84x32xf32>
    %get3A_45 = vector.shape_cast %get3A_44 : vector<1x64x84x32xf32> to vector<64x84x32xf32>
    %reshape3A_46 = vector.shape_cast %get3A_45 : vector<64x84x32xf32> to vector<5376x32xf32>
    %get3A_47 = arith.constant 0 : index
    %get3A_48 = arith.constant 2 : index
    %get3A_49 = arith.constant 1 : index
    %get3A_50 = arith.constant 0 : index
    %get3A_51 = vector.load %arg1[%get3A_47, %get3A_48, %get3A_49, %get3A_50] : memref<1x66x86x32xf32, #tpu.memory_space<vmem>>, vector<1x64x84x32xf32>
    %get3A_52 = vector.shape_cast %get3A_51 : vector<1x64x84x32xf32> to vector<64x84x32xf32>
    %reshape3A_53 = vector.shape_cast %get3A_52 : vector<64x84x32xf32> to vector<5376x32xf32>
    %get3A_54 = arith.constant 0 : index
    %get3A_55 = arith.constant 2 : index
    %get3A_56 = arith.constant 2 : index
    %get3A_57 = arith.constant 0 : index
    %get3A_58 = vector.load %arg1[%get3A_54, %get3A_55, %get3A_56, %get3A_57] : memref<1x66x86x32xf32, #tpu.memory_space<vmem>>, vector<1x64x84x32xf32>
    %get3A_59 = vector.shape_cast %get3A_58 : vector<1x64x84x32xf32> to vector<64x84x32xf32>
    %reshape3A_60 = vector.shape_cast %get3A_59 : vector<64x84x32xf32> to vector<5376x32xf32>
    %concatenate3A = tpu.concatenate %reshape3A, %reshape3A_11, %reshape3A_18, %reshape3A_25, %reshape3A_32, %reshape3A_39, %reshape3A_46, %reshape3A_53, %reshape3A_60 in 1 : vector<5376x32xf32>, vector<5376x32xf32>, vector<5376x32xf32>, vector<5376x32xf32>, vector<5376x32xf32>, vector<5376x32xf32>, vector<5376x32xf32>, vector<5376x32xf32>, vector<5376x32xf32> -> vector<5376x288xf32>
    %get3A_61 = arith.constant 0 : index
    %get3A_62 = arith.constant 0 : index
    %get3A_63 = vector.load %arg2[%get3A_61, %get3A_62] : memref<288x64xf32, #tpu.memory_space<vmem>>, vector<288x64xf32>
    %dot_general3A = arith.constant dense<0.000000e+00> : vector<5376x64xf32>
    %dot_general3A_64 = tpu.matmul %concatenate3A, %get3A_63, %dot_general3A {dimension_numbers = #tpu.dot_dimension_numbers<[1], [0], [0], [1], [0, 0, 1, 1], [], []>, transpose_lhs_hint = false} : vector<5376x288xf32>, vector<288x64xf32>, vector<5376x64xf32> -> vector<5376x64xf32>
    %get3A_65 = arith.constant 0 : index
    %get3A_66 = arith.constant 0 : index
    %get3A_67 = vector.load %arg3[%get3A_65, %get3A_66] : memref<1x64xf32, #tpu.memory_space<vmem>>, vector<1x64xf32>
    %add3A = vector.broadcast %get3A_67 : vector<1x64xf32> to vector<5376x64xf32>
    %add3A_68 = arith.addf %dot_general3A_64, %add3A : vector<5376x64xf32>
    %max3A = arith.constant 0.000000e+00 : f32
    %max3A_69 = vector.broadcast %max3A : f32 to vector<5376x64xf32>
    %max3A_70 = arith.maximumf %add3A_68, %max3A_69 : vector<5376x64xf32>
    %swap3A = arith.constant 0 : index
    %swap3A_71 = arith.constant 0 : index
    %swap3A_72 = arith.constant 0 : index
    %swap3A_73 = vector.load %arg4[%swap3A, %swap3A_71, %swap3A_72] : memref<1x5376x64xf32, #tpu.memory_space<vmem>>, vector<1x5376x64xf32>
    %swap3A_74 = vector.shape_cast %swap3A_73 : vector<1x5376x64xf32> to vector<5376x64xf32>
    %swap3A_75 = vector.shape_cast %max3A_70 : vector<5376x64xf32> to vector<1x5376x64xf32>
    tpu.vector_store %arg4[%swap3A, %swap3A_71, %swap3A_72], %swap3A_75 {strides = array<i32>} : memref<1x5376x64xf32, #tpu.memory_space<vmem>>, vector<1x5376x64xf32>,
    return
  }
  func.func @transform_0(%arg0: i32) -> (i32, i32, i32, i32) {
    %c0_i32 = arith.constant 0 : i32
    %c0_i32_0 = arith.constant 0 : i32
    %c0_i32_1 = arith.constant 0 : i32
    %c0_i32_2 = arith.constant 0 : i32
    return %arg0, %c0_i32, %c0_i32_0, %c0_i32_1 : i32, i32, i32, i32
  }
  func.func @transform_1(%arg0: i32) -> (i32, i32) {
    %c0_i32 = arith.constant 0 : i32
    %c0_i32_0 = arith.constant 0 : i32
    %c0_i32_1 = arith.constant 0 : i32
    return %c0_i32, %c0_i32_0 : i32, i32
  }
  func.func @transform_2(%arg0: i32) -> (i32, i32) {
    %c0_i32 = arith.constant 0 : i32
    %c0_i32_0 = arith.constant 0 : i32
    %c0_i32_1 = arith.constant 0 : i32
    return %c0_i32, %c0_i32_0 : i32, i32
  }
  func.func @transform_3(%arg0: i32) -> (i32, i32, i32) {
    %c0_i32 = arith.constant 0 : i32
    %c0_i32_0 = arith.constant 0 : i32
    %c0_i32_1 = arith.constant 0 : i32
    return %arg0, %c0_i32, %c0_i32_0 : i32, i32, i32
  }
}

module attributes {stable_mosaic.version = 14 : i64} {
  func.func @_final_kernel(%arg0: i32, %arg1: memref<1x16x130x170xf32, #tpu.memory_space<vmem>>, %arg2: memref<16x3x3xf32, #tpu.memory_space<vmem>>, %arg3: memref<1x1xf32, #tpu.memory_space<vmem>>, %arg4: memref<1x128x168xf32, #tpu.memory_space<vmem>>) attributes {dimension_semantics = [#tpu.dimension_semantics<arbitrary>], iteration_bounds = array<i64: 32>, scalar_prefetch = 0 : i64, scratch_operands = 0 : i64, tpu.core_type = #tpu.core_type<tc>, window_params = [{transform_indices = @transform_0, window_bounds = array<i64: 1, 16, 130, 170>}, {pipeline_mode = #tpu.pipeline_mode<synchronous>, transform_indices = @transform_1, window_bounds = array<i64: 16, 3, 3>}, {pipeline_mode = #tpu.pipeline_mode<synchronous>, transform_indices = @transform_2, window_bounds = array<i64: 1, 1>}, {transform_indices = @transform_3, window_bounds = array<i64: 1, 128, 168>}]} {
    %get3A = arith.constant 0 : index
    %get3A_0 = arith.constant 0 : index
    %get3A_1 = arith.constant 0 : index
    %get3A_2 = vector.load %arg2[%get3A, %get3A_0, %get3A_1] : memref<16x3x3xf32, #tpu.memory_space<vmem>>, vector<16x3x3xf32>
    %broadcast_in_dim3A = arith.constant 0.000000e+00 : f32
    %broadcast_in_dim3A_3 = vector.broadcast %broadcast_in_dim3A : f32 to vector<128x168xf32>
    %get3A_4 = arith.constant 0 : index
    %get3A_5 = arith.constant 0 : index
    %get3A_6 = vector.load %arg3[%get3A_4, %get3A_5] : memref<1x1xf32, #tpu.memory_space<vmem>>, vector<1x1xf32>
    %get3A_7 = vector.extract %get3A_6[0, 0] : f32 from vector<1x1xf32>
    %add3A = vector.broadcast %get3A_7 : f32 to vector<128x168xf32>
    %add3A_8 = arith.addf %broadcast_in_dim3A_3, %add3A : vector<128x168xf32>
    %get3A_9 = arith.constant 0 : index
    %get3A_10 = arith.constant 0 : index
    %get3A_11 = arith.constant 0 : index
    %get3A_12 = arith.constant 0 : index
    %get3A_13 = vector.load %arg1[%get3A_9, %get3A_10, %get3A_11, %get3A_12] : memref<1x16x130x170xf32, #tpu.memory_space<vmem>>, vector<1x1x128x168xf32>
    %get3A_14 = vector.shape_cast %get3A_13 : vector<1x1x128x168xf32> to vector<128x168xf32>
    %slice3A = vector.extract_strided_slice %get3A_2 {offsets = [0, 0, 0], sizes = [1, 1, 1], strides = [1, 1, 1]} : vector<16x3x3xf32> to vector<1x1x1xf32>
    %squeeze3A = vector.extract %slice3A[0, 0, 0] : f32 from vector<1x1x1xf32>
    %mul3A = vector.broadcast %squeeze3A : f32 to vector<128x168xf32>
    %mul3A_15 = arith.mulf %get3A_14, %mul3A : vector<128x168xf32>
    %add3A_16 = arith.addf %add3A_8, %mul3A_15 : vector<128x168xf32>
    %get3A_17 = arith.constant 0 : index
    %get3A_18 = arith.constant 0 : index
    %get3A_19 = arith.constant 0 : index
    %get3A_20 = arith.constant 1 : index
    %get3A_21 = vector.load %arg1[%get3A_17, %get3A_18, %get3A_19, %get3A_20] : memref<1x16x130x170xf32, #tpu.memory_space<vmem>>, vector<1x1x128x168xf32>
    %get3A_22 = vector.shape_cast %get3A_21 : vector<1x1x128x168xf32> to vector<128x168xf32>
    %slice3A_23 = vector.extract_strided_slice %get3A_2 {offsets = [0, 0, 1], sizes = [1, 1, 1], strides = [1, 1, 1]} : vector<16x3x3xf32> to vector<1x1x1xf32>
    %squeeze3A_24 = vector.extract %slice3A_23[0, 0, 0] : f32 from vector<1x1x1xf32>
    %mul3A_25 = vector.broadcast %squeeze3A_24 : f32 to vector<128x168xf32>
    %mul3A_26 = arith.mulf %get3A_22, %mul3A_25 : vector<128x168xf32>
    %add3A_27 = arith.addf %add3A_16, %mul3A_26 : vector<128x168xf32>
    %get3A_28 = arith.constant 0 : index
    %get3A_29 = arith.constant 0 : index
    %get3A_30 = arith.constant 0 : index
    %get3A_31 = arith.constant 2 : index
    %get3A_32 = vector.load %arg1[%get3A_28, %get3A_29, %get3A_30, %get3A_31] : memref<1x16x130x170xf32, #tpu.memory_space<vmem>>, vector<1x1x128x168xf32>
    %get3A_33 = vector.shape_cast %get3A_32 : vector<1x1x128x168xf32> to vector<128x168xf32>
    %slice3A_34 = vector.extract_strided_slice %get3A_2 {offsets = [0, 0, 2], sizes = [1, 1, 1], strides = [1, 1, 1]} : vector<16x3x3xf32> to vector<1x1x1xf32>
    %squeeze3A_35 = vector.extract %slice3A_34[0, 0, 0] : f32 from vector<1x1x1xf32>
    %mul3A_36 = vector.broadcast %squeeze3A_35 : f32 to vector<128x168xf32>
    %mul3A_37 = arith.mulf %get3A_33, %mul3A_36 : vector<128x168xf32>
    %add3A_38 = arith.addf %add3A_27, %mul3A_37 : vector<128x168xf32>
    %get3A_39 = arith.constant 0 : index
    %get3A_40 = arith.constant 0 : index
    %get3A_41 = arith.constant 1 : index
    %get3A_42 = arith.constant 0 : index
    %get3A_43 = vector.load %arg1[%get3A_39, %get3A_40, %get3A_41, %get3A_42] : memref<1x16x130x170xf32, #tpu.memory_space<vmem>>, vector<1x1x128x168xf32>
    %get3A_44 = vector.shape_cast %get3A_43 : vector<1x1x128x168xf32> to vector<128x168xf32>
    %slice3A_45 = vector.extract_strided_slice %get3A_2 {offsets = [0, 1, 0], sizes = [1, 1, 1], strides = [1, 1, 1]} : vector<16x3x3xf32> to vector<1x1x1xf32>
    %squeeze3A_46 = vector.extract %slice3A_45[0, 0, 0] : f32 from vector<1x1x1xf32>
    %mul3A_47 = vector.broadcast %squeeze3A_46 : f32 to vector<128x168xf32>
    %mul3A_48 = arith.mulf %get3A_44, %mul3A_47 : vector<128x168xf32>
    %add3A_49 = arith.addf %add3A_38, %mul3A_48 : vector<128x168xf32>
    %get3A_50 = arith.constant 0 : index
    %get3A_51 = arith.constant 0 : index
    %get3A_52 = arith.constant 1 : index
    %get3A_53 = arith.constant 1 : index
    %get3A_54 = vector.load %arg1[%get3A_50, %get3A_51, %get3A_52, %get3A_53] : memref<1x16x130x170xf32, #tpu.memory_space<vmem>>, vector<1x1x128x168xf32>
    %get3A_55 = vector.shape_cast %get3A_54 : vector<1x1x128x168xf32> to vector<128x168xf32>
    %slice3A_56 = vector.extract_strided_slice %get3A_2 {offsets = [0, 1, 1], sizes = [1, 1, 1], strides = [1, 1, 1]} : vector<16x3x3xf32> to vector<1x1x1xf32>
    %squeeze3A_57 = vector.extract %slice3A_56[0, 0, 0] : f32 from vector<1x1x1xf32>
    %mul3A_58 = vector.broadcast %squeeze3A_57 : f32 to vector<128x168xf32>
    %mul3A_59 = arith.mulf %get3A_55, %mul3A_58 : vector<128x168xf32>
    %add3A_60 = arith.addf %add3A_49, %mul3A_59 : vector<128x168xf32>
    %get3A_61 = arith.constant 0 : index
    %get3A_62 = arith.constant 0 : index
    %get3A_63 = arith.constant 1 : index
    %get3A_64 = arith.constant 2 : index
    %get3A_65 = vector.load %arg1[%get3A_61, %get3A_62, %get3A_63, %get3A_64] : memref<1x16x130x170xf32, #tpu.memory_space<vmem>>, vector<1x1x128x168xf32>
    %get3A_66 = vector.shape_cast %get3A_65 : vector<1x1x128x168xf32> to vector<128x168xf32>
    %slice3A_67 = vector.extract_strided_slice %get3A_2 {offsets = [0, 1, 2], sizes = [1, 1, 1], strides = [1, 1, 1]} : vector<16x3x3xf32> to vector<1x1x1xf32>
    %squeeze3A_68 = vector.extract %slice3A_67[0, 0, 0] : f32 from vector<1x1x1xf32>
    %mul3A_69 = vector.broadcast %squeeze3A_68 : f32 to vector<128x168xf32>
    %mul3A_70 = arith.mulf %get3A_66, %mul3A_69 : vector<128x168xf32>
    %add3A_71 = arith.addf %add3A_60, %mul3A_70 : vector<128x168xf32>
    %get3A_72 = arith.constant 0 : index
    %get3A_73 = arith.constant 0 : index
    %get3A_74 = arith.constant 2 : index
    %get3A_75 = arith.constant 0 : index
    %get3A_76 = vector.load %arg1[%get3A_72, %get3A_73, %get3A_74, %get3A_75] : memref<1x16x130x170xf32, #tpu.memory_space<vmem>>, vector<1x1x128x168xf32>
    %get3A_77 = vector.shape_cast %get3A_76 : vector<1x1x128x168xf32> to vector<128x168xf32>
    %slice3A_78 = vector.extract_strided_slice %get3A_2 {offsets = [0, 2, 0], sizes = [1, 1, 1], strides = [1, 1, 1]} : vector<16x3x3xf32> to vector<1x1x1xf32>
    %squeeze3A_79 = vector.extract %slice3A_78[0, 0, 0] : f32 from vector<1x1x1xf32>
    %mul3A_80 = vector.broadcast %squeeze3A_79 : f32 to vector<128x168xf32>
    %mul3A_81 = arith.mulf %get3A_77, %mul3A_80 : vector<128x168xf32>
    %add3A_82 = arith.addf %add3A_71, %mul3A_81 : vector<128x168xf32>
    %get3A_83 = arith.constant 0 : index
    %get3A_84 = arith.constant 0 : index
    %get3A_85 = arith.constant 2 : index
    %get3A_86 = arith.constant 1 : index
    %get3A_87 = vector.load %arg1[%get3A_83, %get3A_84, %get3A_85, %get3A_86] : memref<1x16x130x170xf32, #tpu.memory_space<vmem>>, vector<1x1x128x168xf32>
    %get3A_88 = vector.shape_cast %get3A_87 : vector<1x1x128x168xf32> to vector<128x168xf32>
    %slice3A_89 = vector.extract_strided_slice %get3A_2 {offsets = [0, 2, 1], sizes = [1, 1, 1], strides = [1, 1, 1]} : vector<16x3x3xf32> to vector<1x1x1xf32>
    %squeeze3A_90 = vector.extract %slice3A_89[0, 0, 0] : f32 from vector<1x1x1xf32>
    %mul3A_91 = vector.broadcast %squeeze3A_90 : f32 to vector<128x168xf32>
    %mul3A_92 = arith.mulf %get3A_88, %mul3A_91 : vector<128x168xf32>
    %add3A_93 = arith.addf %add3A_82, %mul3A_92 : vector<128x168xf32>
    %get3A_94 = arith.constant 0 : index
    %get3A_95 = arith.constant 0 : index
    %get3A_96 = arith.constant 2 : index
    %get3A_97 = arith.constant 2 : index
    %get3A_98 = vector.load %arg1[%get3A_94, %get3A_95, %get3A_96, %get3A_97] : memref<1x16x130x170xf32, #tpu.memory_space<vmem>>, vector<1x1x128x168xf32>
    %get3A_99 = vector.shape_cast %get3A_98 : vector<1x1x128x168xf32> to vector<128x168xf32>
    %slice3A_100 = vector.extract_strided_slice %get3A_2 {offsets = [0, 2, 2], sizes = [1, 1, 1], strides = [1, 1, 1]} : vector<16x3x3xf32> to vector<1x1x1xf32>
    %squeeze3A_101 = vector.extract %slice3A_100[0, 0, 0] : f32 from vector<1x1x1xf32>
    %mul3A_102 = vector.broadcast %squeeze3A_101 : f32 to vector<128x168xf32>
    %mul3A_103 = arith.mulf %get3A_99, %mul3A_102 : vector<128x168xf32>
    %add3A_104 = arith.addf %add3A_93, %mul3A_103 : vector<128x168xf32>
    %get3A_105 = arith.constant 0 : index
    %get3A_106 = arith.constant 1 : index
    %get3A_107 = arith.constant 0 : index
    %get3A_108 = arith.constant 0 : index
    %get3A_109 = vector.load %arg1[%get3A_105, %get3A_106, %get3A_107, %get3A_108] : memref<1x16x130x170xf32, #tpu.memory_space<vmem>>, vector<1x1x128x168xf32>
    %get3A_110 = vector.shape_cast %get3A_109 : vector<1x1x128x168xf32> to vector<128x168xf32>
    %slice3A_111 = vector.extract_strided_slice %get3A_2 {offsets = [1, 0, 0], sizes = [1, 1, 1], strides = [1, 1, 1]} : vector<16x3x3xf32> to vector<1x1x1xf32>
    %squeeze3A_112 = vector.extract %slice3A_111[0, 0, 0] : f32 from vector<1x1x1xf32>
    %mul3A_113 = vector.broadcast %squeeze3A_112 : f32 to vector<128x168xf32>
    %mul3A_114 = arith.mulf %get3A_110, %mul3A_113 : vector<128x168xf32>
    %add3A_115 = arith.addf %add3A_104, %mul3A_114 : vector<128x168xf32>
    %get3A_116 = arith.constant 0 : index
    %get3A_117 = arith.constant 1 : index
    %get3A_118 = arith.constant 0 : index
    %get3A_119 = arith.constant 1 : index
    %get3A_120 = vector.load %arg1[%get3A_116, %get3A_117, %get3A_118, %get3A_119] : memref<1x16x130x170xf32, #tpu.memory_space<vmem>>, vector<1x1x128x168xf32>
    %get3A_121 = vector.shape_cast %get3A_120 : vector<1x1x128x168xf32> to vector<128x168xf32>
    %slice3A_122 = vector.extract_strided_slice %get3A_2 {offsets = [1, 0, 1], sizes = [1, 1, 1], strides = [1, 1, 1]} : vector<16x3x3xf32> to vector<1x1x1xf32>
    %squeeze3A_123 = vector.extract %slice3A_122[0, 0, 0] : f32 from vector<1x1x1xf32>
    %mul3A_124 = vector.broadcast %squeeze3A_123 : f32 to vector<128x168xf32>
    %mul3A_125 = arith.mulf %get3A_121, %mul3A_124 : vector<128x168xf32>
    %add3A_126 = arith.addf %add3A_115, %mul3A_125 : vector<128x168xf32>
    %get3A_127 = arith.constant 0 : index
    %get3A_128 = arith.constant 1 : index
    %get3A_129 = arith.constant 0 : index
    %get3A_130 = arith.constant 2 : index
    %get3A_131 = vector.load %arg1[%get3A_127, %get3A_128, %get3A_129, %get3A_130] : memref<1x16x130x170xf32, #tpu.memory_space<vmem>>, vector<1x1x128x168xf32>
    %get3A_132 = vector.shape_cast %get3A_131 : vector<1x1x128x168xf32> to vector<128x168xf32>
    %slice3A_133 = vector.extract_strided_slice %get3A_2 {offsets = [1, 0, 2], sizes = [1, 1, 1], strides = [1, 1, 1]} : vector<16x3x3xf32> to vector<1x1x1xf32>
    %squeeze3A_134 = vector.extract %slice3A_133[0, 0, 0] : f32 from vector<1x1x1xf32>
    %mul3A_135 = vector.broadcast %squeeze3A_134 : f32 to vector<128x168xf32>
    %mul3A_136 = arith.mulf %get3A_132, %mul3A_135 : vector<128x168xf32>
    %add3A_137 = arith.addf %add3A_126, %mul3A_136 : vector<128x168xf32>
    %get3A_138 = arith.constant 0 : index
    %get3A_139 = arith.constant 1 : index
    %get3A_140 = arith.constant 1 : index
    %get3A_141 = arith.constant 0 : index
    %get3A_142 = vector.load %arg1[%get3A_138, %get3A_139, %get3A_140, %get3A_141] : memref<1x16x130x170xf32, #tpu.memory_space<vmem>>, vector<1x1x128x168xf32>
    %get3A_143 = vector.shape_cast %get3A_142 : vector<1x1x128x168xf32> to vector<128x168xf32>
    %slice3A_144 = vector.extract_strided_slice %get3A_2 {offsets = [1, 1, 0], sizes = [1, 1, 1], strides = [1, 1, 1]} : vector<16x3x3xf32> to vector<1x1x1xf32>
    %squeeze3A_145 = vector.extract %slice3A_144[0, 0, 0] : f32 from vector<1x1x1xf32>
    %mul3A_146 = vector.broadcast %squeeze3A_145 : f32 to vector<128x168xf32>
    %mul3A_147 = arith.mulf %get3A_143, %mul3A_146 : vector<128x168xf32>
    %add3A_148 = arith.addf %add3A_137, %mul3A_147 : vector<128x168xf32>
    %get3A_149 = arith.constant 0 : index
    %get3A_150 = arith.constant 1 : index
    %get3A_151 = arith.constant 1 : index
    %get3A_152 = arith.constant 1 : index
    %get3A_153 = vector.load %arg1[%get3A_149, %get3A_150, %get3A_151, %get3A_152] : memref<1x16x130x170xf32, #tpu.memory_space<vmem>>, vector<1x1x128x168xf32>
    %get3A_154 = vector.shape_cast %get3A_153 : vector<1x1x128x168xf32> to vector<128x168xf32>
    %slice3A_155 = vector.extract_strided_slice %get3A_2 {offsets = [1, 1, 1], sizes = [1, 1, 1], strides = [1, 1, 1]} : vector<16x3x3xf32> to vector<1x1x1xf32>
    %squeeze3A_156 = vector.extract %slice3A_155[0, 0, 0] : f32 from vector<1x1x1xf32>
    %mul3A_157 = vector.broadcast %squeeze3A_156 : f32 to vector<128x168xf32>
    %mul3A_158 = arith.mulf %get3A_154, %mul3A_157 : vector<128x168xf32>
    %add3A_159 = arith.addf %add3A_148, %mul3A_158 : vector<128x168xf32>
    %get3A_160 = arith.constant 0 : index
    %get3A_161 = arith.constant 1 : index
    %get3A_162 = arith.constant 1 : index
    %get3A_163 = arith.constant 2 : index
    %get3A_164 = vector.load %arg1[%get3A_160, %get3A_161, %get3A_162, %get3A_163] : memref<1x16x130x170xf32, #tpu.memory_space<vmem>>, vector<1x1x128x168xf32>
    %get3A_165 = vector.shape_cast %get3A_164 : vector<1x1x128x168xf32> to vector<128x168xf32>
    %slice3A_166 = vector.extract_strided_slice %get3A_2 {offsets = [1, 1, 2], sizes = [1, 1, 1], strides = [1, 1, 1]} : vector<16x3x3xf32> to vector<1x1x1xf32>
    %squeeze3A_167 = vector.extract %slice3A_166[0, 0, 0] : f32 from vector<1x1x1xf32>
    %mul3A_168 = vector.broadcast %squeeze3A_167 : f32 to vector<128x168xf32>
    %mul3A_169 = arith.mulf %get3A_165, %mul3A_168 : vector<128x168xf32>
    %add3A_170 = arith.addf %add3A_159, %mul3A_169 : vector<128x168xf32>
    %get3A_171 = arith.constant 0 : index
    %get3A_172 = arith.constant 1 : index
    %get3A_173 = arith.constant 2 : index
    %get3A_174 = arith.constant 0 : index
    %get3A_175 = vector.load %arg1[%get3A_171, %get3A_172, %get3A_173, %get3A_174] : memref<1x16x130x170xf32, #tpu.memory_space<vmem>>, vector<1x1x128x168xf32>
    %get3A_176 = vector.shape_cast %get3A_175 : vector<1x1x128x168xf32> to vector<128x168xf32>
    %slice3A_177 = vector.extract_strided_slice %get3A_2 {offsets = [1, 2, 0], sizes = [1, 1, 1], strides = [1, 1, 1]} : vector<16x3x3xf32> to vector<1x1x1xf32>
    %squeeze3A_178 = vector.extract %slice3A_177[0, 0, 0] : f32 from vector<1x1x1xf32>
    %mul3A_179 = vector.broadcast %squeeze3A_178 : f32 to vector<128x168xf32>
    %mul3A_180 = arith.mulf %get3A_176, %mul3A_179 : vector<128x168xf32>
    %add3A_181 = arith.addf %add3A_170, %mul3A_180 : vector<128x168xf32>
    %get3A_182 = arith.constant 0 : index
    %get3A_183 = arith.constant 1 : index
    %get3A_184 = arith.constant 2 : index
    %get3A_185 = arith.constant 1 : index
    %get3A_186 = vector.load %arg1[%get3A_182, %get3A_183, %get3A_184, %get3A_185] : memref<1x16x130x170xf32, #tpu.memory_space<vmem>>, vector<1x1x128x168xf32>
    %get3A_187 = vector.shape_cast %get3A_186 : vector<1x1x128x168xf32> to vector<128x168xf32>
    %slice3A_188 = vector.extract_strided_slice %get3A_2 {offsets = [1, 2, 1], sizes = [1, 1, 1], strides = [1, 1, 1]} : vector<16x3x3xf32> to vector<1x1x1xf32>
    %squeeze3A_189 = vector.extract %slice3A_188[0, 0, 0] : f32 from vector<1x1x1xf32>
    %mul3A_190 = vector.broadcast %squeeze3A_189 : f32 to vector<128x168xf32>
    %mul3A_191 = arith.mulf %get3A_187, %mul3A_190 : vector<128x168xf32>
    %add3A_192 = arith.addf %add3A_181, %mul3A_191 : vector<128x168xf32>
    %get3A_193 = arith.constant 0 : index
    %get3A_194 = arith.constant 1 : index
    %get3A_195 = arith.constant 2 : index
    %get3A_196 = arith.constant 2 : index
    %get3A_197 = vector.load %arg1[%get3A_193, %get3A_194, %get3A_195, %get3A_196] : memref<1x16x130x170xf32, #tpu.memory_space<vmem>>, vector<1x1x128x168xf32>
    %get3A_198 = vector.shape_cast %get3A_197 : vector<1x1x128x168xf32> to vector<128x168xf32>
    %slice3A_199 = vector.extract_strided_slice %get3A_2 {offsets = [1, 2, 2], sizes = [1, 1, 1], strides = [1, 1, 1]} : vector<16x3x3xf32> to vector<1x1x1xf32>
    %squeeze3A_200 = vector.extract %slice3A_199[0, 0, 0] : f32 from vector<1x1x1xf32>
    %mul3A_201 = vector.broadcast %squeeze3A_200 : f32 to vector<128x168xf32>
    %mul3A_202 = arith.mulf %get3A_198, %mul3A_201 : vector<128x168xf32>
    %add3A_203 = arith.addf %add3A_192, %mul3A_202 : vector<128x168xf32>
    %get3A_204 = arith.constant 0 : index
    %get3A_205 = arith.constant 2 : index
    %get3A_206 = arith.constant 0 : index
    %get3A_207 = arith.constant 0 : index
    %get3A_208 = vector.load %arg1[%get3A_204, %get3A_205, %get3A_206, %get3A_207] : memref<1x16x130x170xf32, #tpu.memory_space<vmem>>, vector<1x1x128x168xf32>
    %get3A_209 = vector.shape_cast %get3A_208 : vector<1x1x128x168xf32> to vector<128x168xf32>
    %slice3A_210 = vector.extract_strided_slice %get3A_2 {offsets = [2, 0, 0], sizes = [1, 1, 1], strides = [1, 1, 1]} : vector<16x3x3xf32> to vector<1x1x1xf32>
    %squeeze3A_211 = vector.extract %slice3A_210[0, 0, 0] : f32 from vector<1x1x1xf32>
    %mul3A_212 = vector.broadcast %squeeze3A_211 : f32 to vector<128x168xf32>
    %mul3A_213 = arith.mulf %get3A_209, %mul3A_212 : vector<128x168xf32>
    %add3A_214 = arith.addf %add3A_203, %mul3A_213 : vector<128x168xf32>
    %get3A_215 = arith.constant 0 : index
    %get3A_216 = arith.constant 2 : index
    %get3A_217 = arith.constant 0 : index
    %get3A_218 = arith.constant 1 : index
    %get3A_219 = vector.load %arg1[%get3A_215, %get3A_216, %get3A_217, %get3A_218] : memref<1x16x130x170xf32, #tpu.memory_space<vmem>>, vector<1x1x128x168xf32>
    %get3A_220 = vector.shape_cast %get3A_219 : vector<1x1x128x168xf32> to vector<128x168xf32>
    %slice3A_221 = vector.extract_strided_slice %get3A_2 {offsets = [2, 0, 1], sizes = [1, 1, 1], strides = [1, 1, 1]} : vector<16x3x3xf32> to vector<1x1x1xf32>
    %squeeze3A_222 = vector.extract %slice3A_221[0, 0, 0] : f32 from vector<1x1x1xf32>
    %mul3A_223 = vector.broadcast %squeeze3A_222 : f32 to vector<128x168xf32>
    %mul3A_224 = arith.mulf %get3A_220, %mul3A_223 : vector<128x168xf32>
    %add3A_225 = arith.addf %add3A_214, %mul3A_224 : vector<128x168xf32>
    %get3A_226 = arith.constant 0 : index
    %get3A_227 = arith.constant 2 : index
    %get3A_228 = arith.constant 0 : index
    %get3A_229 = arith.constant 2 : index
    %get3A_230 = vector.load %arg1[%get3A_226, %get3A_227, %get3A_228, %get3A_229] : memref<1x16x130x170xf32, #tpu.memory_space<vmem>>, vector<1x1x128x168xf32>
    %get3A_231 = vector.shape_cast %get3A_230 : vector<1x1x128x168xf32> to vector<128x168xf32>
    %slice3A_232 = vector.extract_strided_slice %get3A_2 {offsets = [2, 0, 2], sizes = [1, 1, 1], strides = [1, 1, 1]} : vector<16x3x3xf32> to vector<1x1x1xf32>
    %squeeze3A_233 = vector.extract %slice3A_232[0, 0, 0] : f32 from vector<1x1x1xf32>
    %mul3A_234 = vector.broadcast %squeeze3A_233 : f32 to vector<128x168xf32>
    %mul3A_235 = arith.mulf %get3A_231, %mul3A_234 : vector<128x168xf32>
    %add3A_236 = arith.addf %add3A_225, %mul3A_235 : vector<128x168xf32>
    %get3A_237 = arith.constant 0 : index
    %get3A_238 = arith.constant 2 : index
    %get3A_239 = arith.constant 1 : index
    %get3A_240 = arith.constant 0 : index
    %get3A_241 = vector.load %arg1[%get3A_237, %get3A_238, %get3A_239, %get3A_240] : memref<1x16x130x170xf32, #tpu.memory_space<vmem>>, vector<1x1x128x168xf32>
    %get3A_242 = vector.shape_cast %get3A_241 : vector<1x1x128x168xf32> to vector<128x168xf32>
    %slice3A_243 = vector.extract_strided_slice %get3A_2 {offsets = [2, 1, 0], sizes = [1, 1, 1], strides = [1, 1, 1]} : vector<16x3x3xf32> to vector<1x1x1xf32>
    %squeeze3A_244 = vector.extract %slice3A_243[0, 0, 0] : f32 from vector<1x1x1xf32>
    %mul3A_245 = vector.broadcast %squeeze3A_244 : f32 to vector<128x168xf32>
    %mul3A_246 = arith.mulf %get3A_242, %mul3A_245 : vector<128x168xf32>
    %add3A_247 = arith.addf %add3A_236, %mul3A_246 : vector<128x168xf32>
    %get3A_248 = arith.constant 0 : index
    %get3A_249 = arith.constant 2 : index
    %get3A_250 = arith.constant 1 : index
    %get3A_251 = arith.constant 1 : index
    %get3A_252 = vector.load %arg1[%get3A_248, %get3A_249, %get3A_250, %get3A_251] : memref<1x16x130x170xf32, #tpu.memory_space<vmem>>, vector<1x1x128x168xf32>
    %get3A_253 = vector.shape_cast %get3A_252 : vector<1x1x128x168xf32> to vector<128x168xf32>
    %slice3A_254 = vector.extract_strided_slice %get3A_2 {offsets = [2, 1, 1], sizes = [1, 1, 1], strides = [1, 1, 1]} : vector<16x3x3xf32> to vector<1x1x1xf32>
    %squeeze3A_255 = vector.extract %slice3A_254[0, 0, 0] : f32 from vector<1x1x1xf32>
    %mul3A_256 = vector.broadcast %squeeze3A_255 : f32 to vector<128x168xf32>
    %mul3A_257 = arith.mulf %get3A_253, %mul3A_256 : vector<128x168xf32>
    %add3A_258 = arith.addf %add3A_247, %mul3A_257 : vector<128x168xf32>
    %get3A_259 = arith.constant 0 : index
    %get3A_260 = arith.constant 2 : index
    %get3A_261 = arith.constant 1 : index
    %get3A_262 = arith.constant 2 : index
    %get3A_263 = vector.load %arg1[%get3A_259, %get3A_260, %get3A_261, %get3A_262] : memref<1x16x130x170xf32, #tpu.memory_space<vmem>>, vector<1x1x128x168xf32>
    %get3A_264 = vector.shape_cast %get3A_263 : vector<1x1x128x168xf32> to vector<128x168xf32>
    %slice3A_265 = vector.extract_strided_slice %get3A_2 {offsets = [2, 1, 2], sizes = [1, 1, 1], strides = [1, 1, 1]} : vector<16x3x3xf32> to vector<1x1x1xf32>
    %squeeze3A_266 = vector.extract %slice3A_265[0, 0, 0] : f32 from vector<1x1x1xf32>
    %mul3A_267 = vector.broadcast %squeeze3A_266 : f32 to vector<128x168xf32>
    %mul3A_268 = arith.mulf %get3A_264, %mul3A_267 : vector<128x168xf32>
    %add3A_269 = arith.addf %add3A_258, %mul3A_268 : vector<128x168xf32>
    %get3A_270 = arith.constant 0 : index
    %get3A_271 = arith.constant 2 : index
    %get3A_272 = arith.constant 2 : index
    %get3A_273 = arith.constant 0 : index
    %get3A_274 = vector.load %arg1[%get3A_270, %get3A_271, %get3A_272, %get3A_273] : memref<1x16x130x170xf32, #tpu.memory_space<vmem>>, vector<1x1x128x168xf32>
    %get3A_275 = vector.shape_cast %get3A_274 : vector<1x1x128x168xf32> to vector<128x168xf32>
    %slice3A_276 = vector.extract_strided_slice %get3A_2 {offsets = [2, 2, 0], sizes = [1, 1, 1], strides = [1, 1, 1]} : vector<16x3x3xf32> to vector<1x1x1xf32>
    %squeeze3A_277 = vector.extract %slice3A_276[0, 0, 0] : f32 from vector<1x1x1xf32>
    %mul3A_278 = vector.broadcast %squeeze3A_277 : f32 to vector<128x168xf32>
    %mul3A_279 = arith.mulf %get3A_275, %mul3A_278 : vector<128x168xf32>
    %add3A_280 = arith.addf %add3A_269, %mul3A_279 : vector<128x168xf32>
    %get3A_281 = arith.constant 0 : index
    %get3A_282 = arith.constant 2 : index
    %get3A_283 = arith.constant 2 : index
    %get3A_284 = arith.constant 1 : index
    %get3A_285 = vector.load %arg1[%get3A_281, %get3A_282, %get3A_283, %get3A_284] : memref<1x16x130x170xf32, #tpu.memory_space<vmem>>, vector<1x1x128x168xf32>
    %get3A_286 = vector.shape_cast %get3A_285 : vector<1x1x128x168xf32> to vector<128x168xf32>
    %slice3A_287 = vector.extract_strided_slice %get3A_2 {offsets = [2, 2, 1], sizes = [1, 1, 1], strides = [1, 1, 1]} : vector<16x3x3xf32> to vector<1x1x1xf32>
    %squeeze3A_288 = vector.extract %slice3A_287[0, 0, 0] : f32 from vector<1x1x1xf32>
    %mul3A_289 = vector.broadcast %squeeze3A_288 : f32 to vector<128x168xf32>
    %mul3A_290 = arith.mulf %get3A_286, %mul3A_289 : vector<128x168xf32>
    %add3A_291 = arith.addf %add3A_280, %mul3A_290 : vector<128x168xf32>
    %get3A_292 = arith.constant 0 : index
    %get3A_293 = arith.constant 2 : index
    %get3A_294 = arith.constant 2 : index
    %get3A_295 = arith.constant 2 : index
    %get3A_296 = vector.load %arg1[%get3A_292, %get3A_293, %get3A_294, %get3A_295] : memref<1x16x130x170xf32, #tpu.memory_space<vmem>>, vector<1x1x128x168xf32>
    %get3A_297 = vector.shape_cast %get3A_296 : vector<1x1x128x168xf32> to vector<128x168xf32>
    %slice3A_298 = vector.extract_strided_slice %get3A_2 {offsets = [2, 2, 2], sizes = [1, 1, 1], strides = [1, 1, 1]} : vector<16x3x3xf32> to vector<1x1x1xf32>
    %squeeze3A_299 = vector.extract %slice3A_298[0, 0, 0] : f32 from vector<1x1x1xf32>
    %mul3A_300 = vector.broadcast %squeeze3A_299 : f32 to vector<128x168xf32>
    %mul3A_301 = arith.mulf %get3A_297, %mul3A_300 : vector<128x168xf32>
    %add3A_302 = arith.addf %add3A_291, %mul3A_301 : vector<128x168xf32>
    %get3A_303 = arith.constant 0 : index
    %get3A_304 = arith.constant 3 : index
    %get3A_305 = arith.constant 0 : index
    %get3A_306 = arith.constant 0 : index
    %get3A_307 = vector.load %arg1[%get3A_303, %get3A_304, %get3A_305, %get3A_306] : memref<1x16x130x170xf32, #tpu.memory_space<vmem>>, vector<1x1x128x168xf32>
    %get3A_308 = vector.shape_cast %get3A_307 : vector<1x1x128x168xf32> to vector<128x168xf32>
    %slice3A_309 = vector.extract_strided_slice %get3A_2 {offsets = [3, 0, 0], sizes = [1, 1, 1], strides = [1, 1, 1]} : vector<16x3x3xf32> to vector<1x1x1xf32>
    %squeeze3A_310 = vector.extract %slice3A_309[0, 0, 0] : f32 from vector<1x1x1xf32>
    %mul3A_311 = vector.broadcast %squeeze3A_310 : f32 to vector<128x168xf32>
    %mul3A_312 = arith.mulf %get3A_308, %mul3A_311 : vector<128x168xf32>
    %add3A_313 = arith.addf %add3A_302, %mul3A_312 : vector<128x168xf32>
    %get3A_314 = arith.constant 0 : index
    %get3A_315 = arith.constant 3 : index
    %get3A_316 = arith.constant 0 : index
    %get3A_317 = arith.constant 1 : index
    %get3A_318 = vector.load %arg1[%get3A_314, %get3A_315, %get3A_316, %get3A_317] : memref<1x16x130x170xf32, #tpu.memory_space<vmem>>, vector<1x1x128x168xf32>
    %get3A_319 = vector.shape_cast %get3A_318 : vector<1x1x128x168xf32> to vector<128x168xf32>
    %slice3A_320 = vector.extract_strided_slice %get3A_2 {offsets = [3, 0, 1], sizes = [1, 1, 1], strides = [1, 1, 1]} : vector<16x3x3xf32> to vector<1x1x1xf32>
    %squeeze3A_321 = vector.extract %slice3A_320[0, 0, 0] : f32 from vector<1x1x1xf32>
    %mul3A_322 = vector.broadcast %squeeze3A_321 : f32 to vector<128x168xf32>
    %mul3A_323 = arith.mulf %get3A_319, %mul3A_322 : vector<128x168xf32>
    %add3A_324 = arith.addf %add3A_313, %mul3A_323 : vector<128x168xf32>
    %get3A_325 = arith.constant 0 : index
    %get3A_326 = arith.constant 3 : index
    %get3A_327 = arith.constant 0 : index
    %get3A_328 = arith.constant 2 : index
    %get3A_329 = vector.load %arg1[%get3A_325, %get3A_326, %get3A_327, %get3A_328] : memref<1x16x130x170xf32, #tpu.memory_space<vmem>>, vector<1x1x128x168xf32>
    %get3A_330 = vector.shape_cast %get3A_329 : vector<1x1x128x168xf32> to vector<128x168xf32>
    %slice3A_331 = vector.extract_strided_slice %get3A_2 {offsets = [3, 0, 2], sizes = [1, 1, 1], strides = [1, 1, 1]} : vector<16x3x3xf32> to vector<1x1x1xf32>
    %squeeze3A_332 = vector.extract %slice3A_331[0, 0, 0] : f32 from vector<1x1x1xf32>
    %mul3A_333 = vector.broadcast %squeeze3A_332 : f32 to vector<128x168xf32>
    %mul3A_334 = arith.mulf %get3A_330, %mul3A_333 : vector<128x168xf32>
    %add3A_335 = arith.addf %add3A_324, %mul3A_334 : vector<128x168xf32>
    %get3A_336 = arith.constant 0 : index
    %get3A_337 = arith.constant 3 : index
    %get3A_338 = arith.constant 1 : index
    %get3A_339 = arith.constant 0 : index
    %get3A_340 = vector.load %arg1[%get3A_336, %get3A_337, %get3A_338, %get3A_339] : memref<1x16x130x170xf32, #tpu.memory_space<vmem>>, vector<1x1x128x168xf32>
    %get3A_341 = vector.shape_cast %get3A_340 : vector<1x1x128x168xf32> to vector<128x168xf32>
    %slice3A_342 = vector.extract_strided_slice %get3A_2 {offsets = [3, 1, 0], sizes = [1, 1, 1], strides = [1, 1, 1]} : vector<16x3x3xf32> to vector<1x1x1xf32>
    %squeeze3A_343 = vector.extract %slice3A_342[0, 0, 0] : f32 from vector<1x1x1xf32>
    %mul3A_344 = vector.broadcast %squeeze3A_343 : f32 to vector<128x168xf32>
    %mul3A_345 = arith.mulf %get3A_341, %mul3A_344 : vector<128x168xf32>
    %add3A_346 = arith.addf %add3A_335, %mul3A_345 : vector<128x168xf32>
    %get3A_347 = arith.constant 0 : index
    %get3A_348 = arith.constant 3 : index
    %get3A_349 = arith.constant 1 : index
    %get3A_350 = arith.constant 1 : index
    %get3A_351 = vector.load %arg1[%get3A_347, %get3A_348, %get3A_349, %get3A_350] : memref<1x16x130x170xf32, #tpu.memory_space<vmem>>, vector<1x1x128x168xf32>
    %get3A_352 = vector.shape_cast %get3A_351 : vector<1x1x128x168xf32> to vector<128x168xf32>
    %slice3A_353 = vector.extract_strided_slice %get3A_2 {offsets = [3, 1, 1], sizes = [1, 1, 1], strides = [1, 1, 1]} : vector<16x3x3xf32> to vector<1x1x1xf32>
    %squeeze3A_354 = vector.extract %slice3A_353[0, 0, 0] : f32 from vector<1x1x1xf32>
    %mul3A_355 = vector.broadcast %squeeze3A_354 : f32 to vector<128x168xf32>
    %mul3A_356 = arith.mulf %get3A_352, %mul3A_355 : vector<128x168xf32>
    %add3A_357 = arith.addf %add3A_346, %mul3A_356 : vector<128x168xf32>
    %get3A_358 = arith.constant 0 : index
    %get3A_359 = arith.constant 3 : index
    %get3A_360 = arith.constant 1 : index
    %get3A_361 = arith.constant 2 : index
    %get3A_362 = vector.load %arg1[%get3A_358, %get3A_359, %get3A_360, %get3A_361] : memref<1x16x130x170xf32, #tpu.memory_space<vmem>>, vector<1x1x128x168xf32>
    %get3A_363 = vector.shape_cast %get3A_362 : vector<1x1x128x168xf32> to vector<128x168xf32>
    %slice3A_364 = vector.extract_strided_slice %get3A_2 {offsets = [3, 1, 2], sizes = [1, 1, 1], strides = [1, 1, 1]} : vector<16x3x3xf32> to vector<1x1x1xf32>
    %squeeze3A_365 = vector.extract %slice3A_364[0, 0, 0] : f32 from vector<1x1x1xf32>
    %mul3A_366 = vector.broadcast %squeeze3A_365 : f32 to vector<128x168xf32>
    %mul3A_367 = arith.mulf %get3A_363, %mul3A_366 : vector<128x168xf32>
    %add3A_368 = arith.addf %add3A_357, %mul3A_367 : vector<128x168xf32>
    %get3A_369 = arith.constant 0 : index
    %get3A_370 = arith.constant 3 : index
    %get3A_371 = arith.constant 2 : index
    %get3A_372 = arith.constant 0 : index
    %get3A_373 = vector.load %arg1[%get3A_369, %get3A_370, %get3A_371, %get3A_372] : memref<1x16x130x170xf32, #tpu.memory_space<vmem>>, vector<1x1x128x168xf32>
    %get3A_374 = vector.shape_cast %get3A_373 : vector<1x1x128x168xf32> to vector<128x168xf32>
    %slice3A_375 = vector.extract_strided_slice %get3A_2 {offsets = [3, 2, 0], sizes = [1, 1, 1], strides = [1, 1, 1]} : vector<16x3x3xf32> to vector<1x1x1xf32>
    %squeeze3A_376 = vector.extract %slice3A_375[0, 0, 0] : f32 from vector<1x1x1xf32>
    %mul3A_377 = vector.broadcast %squeeze3A_376 : f32 to vector<128x168xf32>
    %mul3A_378 = arith.mulf %get3A_374, %mul3A_377 : vector<128x168xf32>
    %add3A_379 = arith.addf %add3A_368, %mul3A_378 : vector<128x168xf32>
    %get3A_380 = arith.constant 0 : index
    %get3A_381 = arith.constant 3 : index
    %get3A_382 = arith.constant 2 : index
    %get3A_383 = arith.constant 1 : index
    %get3A_384 = vector.load %arg1[%get3A_380, %get3A_381, %get3A_382, %get3A_383] : memref<1x16x130x170xf32, #tpu.memory_space<vmem>>, vector<1x1x128x168xf32>
    %get3A_385 = vector.shape_cast %get3A_384 : vector<1x1x128x168xf32> to vector<128x168xf32>
    %slice3A_386 = vector.extract_strided_slice %get3A_2 {offsets = [3, 2, 1], sizes = [1, 1, 1], strides = [1, 1, 1]} : vector<16x3x3xf32> to vector<1x1x1xf32>
    %squeeze3A_387 = vector.extract %slice3A_386[0, 0, 0] : f32 from vector<1x1x1xf32>
    %mul3A_388 = vector.broadcast %squeeze3A_387 : f32 to vector<128x168xf32>
    %mul3A_389 = arith.mulf %get3A_385, %mul3A_388 : vector<128x168xf32>
    %add3A_390 = arith.addf %add3A_379, %mul3A_389 : vector<128x168xf32>
    %get3A_391 = arith.constant 0 : index
    %get3A_392 = arith.constant 3 : index
    %get3A_393 = arith.constant 2 : index
    %get3A_394 = arith.constant 2 : index
    %get3A_395 = vector.load %arg1[%get3A_391, %get3A_392, %get3A_393, %get3A_394] : memref<1x16x130x170xf32, #tpu.memory_space<vmem>>, vector<1x1x128x168xf32>
    %get3A_396 = vector.shape_cast %get3A_395 : vector<1x1x128x168xf32> to vector<128x168xf32>
    %slice3A_397 = vector.extract_strided_slice %get3A_2 {offsets = [3, 2, 2], sizes = [1, 1, 1], strides = [1, 1, 1]} : vector<16x3x3xf32> to vector<1x1x1xf32>
    %squeeze3A_398 = vector.extract %slice3A_397[0, 0, 0] : f32 from vector<1x1x1xf32>
    %mul3A_399 = vector.broadcast %squeeze3A_398 : f32 to vector<128x168xf32>
    %mul3A_400 = arith.mulf %get3A_396, %mul3A_399 : vector<128x168xf32>
    %add3A_401 = arith.addf %add3A_390, %mul3A_400 : vector<128x168xf32>
    %get3A_402 = arith.constant 0 : index
    %get3A_403 = arith.constant 4 : index
    %get3A_404 = arith.constant 0 : index
    %get3A_405 = arith.constant 0 : index
    %get3A_406 = vector.load %arg1[%get3A_402, %get3A_403, %get3A_404, %get3A_405] : memref<1x16x130x170xf32, #tpu.memory_space<vmem>>, vector<1x1x128x168xf32>
    %get3A_407 = vector.shape_cast %get3A_406 : vector<1x1x128x168xf32> to vector<128x168xf32>
    %slice3A_408 = vector.extract_strided_slice %get3A_2 {offsets = [4, 0, 0], sizes = [1, 1, 1], strides = [1, 1, 1]} : vector<16x3x3xf32> to vector<1x1x1xf32>
    %squeeze3A_409 = vector.extract %slice3A_408[0, 0, 0] : f32 from vector<1x1x1xf32>
    %mul3A_410 = vector.broadcast %squeeze3A_409 : f32 to vector<128x168xf32>
    %mul3A_411 = arith.mulf %get3A_407, %mul3A_410 : vector<128x168xf32>
    %add3A_412 = arith.addf %add3A_401, %mul3A_411 : vector<128x168xf32>
    %get3A_413 = arith.constant 0 : index
    %get3A_414 = arith.constant 4 : index
    %get3A_415 = arith.constant 0 : index
    %get3A_416 = arith.constant 1 : index
    %get3A_417 = vector.load %arg1[%get3A_413, %get3A_414, %get3A_415, %get3A_416] : memref<1x16x130x170xf32, #tpu.memory_space<vmem>>, vector<1x1x128x168xf32>
    %get3A_418 = vector.shape_cast %get3A_417 : vector<1x1x128x168xf32> to vector<128x168xf32>
    %slice3A_419 = vector.extract_strided_slice %get3A_2 {offsets = [4, 0, 1], sizes = [1, 1, 1], strides = [1, 1, 1]} : vector<16x3x3xf32> to vector<1x1x1xf32>
    %squeeze3A_420 = vector.extract %slice3A_419[0, 0, 0] : f32 from vector<1x1x1xf32>
    %mul3A_421 = vector.broadcast %squeeze3A_420 : f32 to vector<128x168xf32>
    %mul3A_422 = arith.mulf %get3A_418, %mul3A_421 : vector<128x168xf32>
    %add3A_423 = arith.addf %add3A_412, %mul3A_422 : vector<128x168xf32>
    %get3A_424 = arith.constant 0 : index
    %get3A_425 = arith.constant 4 : index
    %get3A_426 = arith.constant 0 : index
    %get3A_427 = arith.constant 2 : index
    %get3A_428 = vector.load %arg1[%get3A_424, %get3A_425, %get3A_426, %get3A_427] : memref<1x16x130x170xf32, #tpu.memory_space<vmem>>, vector<1x1x128x168xf32>
    %get3A_429 = vector.shape_cast %get3A_428 : vector<1x1x128x168xf32> to vector<128x168xf32>
    %slice3A_430 = vector.extract_strided_slice %get3A_2 {offsets = [4, 0, 2], sizes = [1, 1, 1], strides = [1, 1, 1]} : vector<16x3x3xf32> to vector<1x1x1xf32>
    %squeeze3A_431 = vector.extract %slice3A_430[0, 0, 0] : f32 from vector<1x1x1xf32>
    %mul3A_432 = vector.broadcast %squeeze3A_431 : f32 to vector<128x168xf32>
    %mul3A_433 = arith.mulf %get3A_429, %mul3A_432 : vector<128x168xf32>
    %add3A_434 = arith.addf %add3A_423, %mul3A_433 : vector<128x168xf32>
    %get3A_435 = arith.constant 0 : index
    %get3A_436 = arith.constant 4 : index
    %get3A_437 = arith.constant 1 : index
    %get3A_438 = arith.constant 0 : index
    %get3A_439 = vector.load %arg1[%get3A_435, %get3A_436, %get3A_437, %get3A_438] : memref<1x16x130x170xf32, #tpu.memory_space<vmem>>, vector<1x1x128x168xf32>
    %get3A_440 = vector.shape_cast %get3A_439 : vector<1x1x128x168xf32> to vector<128x168xf32>
    %slice3A_441 = vector.extract_strided_slice %get3A_2 {offsets = [4, 1, 0], sizes = [1, 1, 1], strides = [1, 1, 1]} : vector<16x3x3xf32> to vector<1x1x1xf32>
    %squeeze3A_442 = vector.extract %slice3A_441[0, 0, 0] : f32 from vector<1x1x1xf32>
    %mul3A_443 = vector.broadcast %squeeze3A_442 : f32 to vector<128x168xf32>
    %mul3A_444 = arith.mulf %get3A_440, %mul3A_443 : vector<128x168xf32>
    %add3A_445 = arith.addf %add3A_434, %mul3A_444 : vector<128x168xf32>
    %get3A_446 = arith.constant 0 : index
    %get3A_447 = arith.constant 4 : index
    %get3A_448 = arith.constant 1 : index
    %get3A_449 = arith.constant 1 : index
    %get3A_450 = vector.load %arg1[%get3A_446, %get3A_447, %get3A_448, %get3A_449] : memref<1x16x130x170xf32, #tpu.memory_space<vmem>>, vector<1x1x128x168xf32>
    %get3A_451 = vector.shape_cast %get3A_450 : vector<1x1x128x168xf32> to vector<128x168xf32>
    %slice3A_452 = vector.extract_strided_slice %get3A_2 {offsets = [4, 1, 1], sizes = [1, 1, 1], strides = [1, 1, 1]} : vector<16x3x3xf32> to vector<1x1x1xf32>
    %squeeze3A_453 = vector.extract %slice3A_452[0, 0, 0] : f32 from vector<1x1x1xf32>
    %mul3A_454 = vector.broadcast %squeeze3A_453 : f32 to vector<128x168xf32>
    %mul3A_455 = arith.mulf %get3A_451, %mul3A_454 : vector<128x168xf32>
    %add3A_456 = arith.addf %add3A_445, %mul3A_455 : vector<128x168xf32>
    %get3A_457 = arith.constant 0 : index
    %get3A_458 = arith.constant 4 : index
    %get3A_459 = arith.constant 1 : index
    %get3A_460 = arith.constant 2 : index
    %get3A_461 = vector.load %arg1[%get3A_457, %get3A_458, %get3A_459, %get3A_460] : memref<1x16x130x170xf32, #tpu.memory_space<vmem>>, vector<1x1x128x168xf32>
    %get3A_462 = vector.shape_cast %get3A_461 : vector<1x1x128x168xf32> to vector<128x168xf32>
    %slice3A_463 = vector.extract_strided_slice %get3A_2 {offsets = [4, 1, 2], sizes = [1, 1, 1], strides = [1, 1, 1]} : vector<16x3x3xf32> to vector<1x1x1xf32>
    %squeeze3A_464 = vector.extract %slice3A_463[0, 0, 0] : f32 from vector<1x1x1xf32>
    %mul3A_465 = vector.broadcast %squeeze3A_464 : f32 to vector<128x168xf32>
    %mul3A_466 = arith.mulf %get3A_462, %mul3A_465 : vector<128x168xf32>
    %add3A_467 = arith.addf %add3A_456, %mul3A_466 : vector<128x168xf32>
    %get3A_468 = arith.constant 0 : index
    %get3A_469 = arith.constant 4 : index
    %get3A_470 = arith.constant 2 : index
    %get3A_471 = arith.constant 0 : index
    %get3A_472 = vector.load %arg1[%get3A_468, %get3A_469, %get3A_470, %get3A_471] : memref<1x16x130x170xf32, #tpu.memory_space<vmem>>, vector<1x1x128x168xf32>
    %get3A_473 = vector.shape_cast %get3A_472 : vector<1x1x128x168xf32> to vector<128x168xf32>
    %slice3A_474 = vector.extract_strided_slice %get3A_2 {offsets = [4, 2, 0], sizes = [1, 1, 1], strides = [1, 1, 1]} : vector<16x3x3xf32> to vector<1x1x1xf32>
    %squeeze3A_475 = vector.extract %slice3A_474[0, 0, 0] : f32 from vector<1x1x1xf32>
    %mul3A_476 = vector.broadcast %squeeze3A_475 : f32 to vector<128x168xf32>
    %mul3A_477 = arith.mulf %get3A_473, %mul3A_476 : vector<128x168xf32>
    %add3A_478 = arith.addf %add3A_467, %mul3A_477 : vector<128x168xf32>
    %get3A_479 = arith.constant 0 : index
    %get3A_480 = arith.constant 4 : index
    %get3A_481 = arith.constant 2 : index
    %get3A_482 = arith.constant 1 : index
    %get3A_483 = vector.load %arg1[%get3A_479, %get3A_480, %get3A_481, %get3A_482] : memref<1x16x130x170xf32, #tpu.memory_space<vmem>>, vector<1x1x128x168xf32>
    %get3A_484 = vector.shape_cast %get3A_483 : vector<1x1x128x168xf32> to vector<128x168xf32>
    %slice3A_485 = vector.extract_strided_slice %get3A_2 {offsets = [4, 2, 1], sizes = [1, 1, 1], strides = [1, 1, 1]} : vector<16x3x3xf32> to vector<1x1x1xf32>
    %squeeze3A_486 = vector.extract %slice3A_485[0, 0, 0] : f32 from vector<1x1x1xf32>
    %mul3A_487 = vector.broadcast %squeeze3A_486 : f32 to vector<128x168xf32>
    %mul3A_488 = arith.mulf %get3A_484, %mul3A_487 : vector<128x168xf32>
    %add3A_489 = arith.addf %add3A_478, %mul3A_488 : vector<128x168xf32>
    %get3A_490 = arith.constant 0 : index
    %get3A_491 = arith.constant 4 : index
    %get3A_492 = arith.constant 2 : index
    %get3A_493 = arith.constant 2 : index
    %get3A_494 = vector.load %arg1[%get3A_490, %get3A_491, %get3A_492, %get3A_493] : memref<1x16x130x170xf32, #tpu.memory_space<vmem>>, vector<1x1x128x168xf32>
    %get3A_495 = vector.shape_cast %get3A_494 : vector<1x1x128x168xf32> to vector<128x168xf32>
    %slice3A_496 = vector.extract_strided_slice %get3A_2 {offsets = [4, 2, 2], sizes = [1, 1, 1], strides = [1, 1, 1]} : vector<16x3x3xf32> to vector<1x1x1xf32>
    %squeeze3A_497 = vector.extract %slice3A_496[0, 0, 0] : f32 from vector<1x1x1xf32>
    %mul3A_498 = vector.broadcast %squeeze3A_497 : f32 to vector<128x168xf32>
    %mul3A_499 = arith.mulf %get3A_495, %mul3A_498 : vector<128x168xf32>
    %add3A_500 = arith.addf %add3A_489, %mul3A_499 : vector<128x168xf32>
    %get3A_501 = arith.constant 0 : index
    %get3A_502 = arith.constant 5 : index
    %get3A_503 = arith.constant 0 : index
    %get3A_504 = arith.constant 0 : index
    %get3A_505 = vector.load %arg1[%get3A_501, %get3A_502, %get3A_503, %get3A_504] : memref<1x16x130x170xf32, #tpu.memory_space<vmem>>, vector<1x1x128x168xf32>
    %get3A_506 = vector.shape_cast %get3A_505 : vector<1x1x128x168xf32> to vector<128x168xf32>
    %slice3A_507 = vector.extract_strided_slice %get3A_2 {offsets = [5, 0, 0], sizes = [1, 1, 1], strides = [1, 1, 1]} : vector<16x3x3xf32> to vector<1x1x1xf32>
    %squeeze3A_508 = vector.extract %slice3A_507[0, 0, 0] : f32 from vector<1x1x1xf32>
    %mul3A_509 = vector.broadcast %squeeze3A_508 : f32 to vector<128x168xf32>
    %mul3A_510 = arith.mulf %get3A_506, %mul3A_509 : vector<128x168xf32>
    %add3A_511 = arith.addf %add3A_500, %mul3A_510 : vector<128x168xf32>
    %get3A_512 = arith.constant 0 : index
    %get3A_513 = arith.constant 5 : index
    %get3A_514 = arith.constant 0 : index
    %get3A_515 = arith.constant 1 : index
    %get3A_516 = vector.load %arg1[%get3A_512, %get3A_513, %get3A_514, %get3A_515] : memref<1x16x130x170xf32, #tpu.memory_space<vmem>>, vector<1x1x128x168xf32>
    %get3A_517 = vector.shape_cast %get3A_516 : vector<1x1x128x168xf32> to vector<128x168xf32>
    %slice3A_518 = vector.extract_strided_slice %get3A_2 {offsets = [5, 0, 1], sizes = [1, 1, 1], strides = [1, 1, 1]} : vector<16x3x3xf32> to vector<1x1x1xf32>
    %squeeze3A_519 = vector.extract %slice3A_518[0, 0, 0] : f32 from vector<1x1x1xf32>
    %mul3A_520 = vector.broadcast %squeeze3A_519 : f32 to vector<128x168xf32>
    %mul3A_521 = arith.mulf %get3A_517, %mul3A_520 : vector<128x168xf32>
    %add3A_522 = arith.addf %add3A_511, %mul3A_521 : vector<128x168xf32>
    %get3A_523 = arith.constant 0 : index
    %get3A_524 = arith.constant 5 : index
    %get3A_525 = arith.constant 0 : index
    %get3A_526 = arith.constant 2 : index
    %get3A_527 = vector.load %arg1[%get3A_523, %get3A_524, %get3A_525, %get3A_526] : memref<1x16x130x170xf32, #tpu.memory_space<vmem>>, vector<1x1x128x168xf32>
    %get3A_528 = vector.shape_cast %get3A_527 : vector<1x1x128x168xf32> to vector<128x168xf32>
    %slice3A_529 = vector.extract_strided_slice %get3A_2 {offsets = [5, 0, 2], sizes = [1, 1, 1], strides = [1, 1, 1]} : vector<16x3x3xf32> to vector<1x1x1xf32>
    %squeeze3A_530 = vector.extract %slice3A_529[0, 0, 0] : f32 from vector<1x1x1xf32>
    %mul3A_531 = vector.broadcast %squeeze3A_530 : f32 to vector<128x168xf32>
    %mul3A_532 = arith.mulf %get3A_528, %mul3A_531 : vector<128x168xf32>
    %add3A_533 = arith.addf %add3A_522, %mul3A_532 : vector<128x168xf32>
    %get3A_534 = arith.constant 0 : index
    %get3A_535 = arith.constant 5 : index
    %get3A_536 = arith.constant 1 : index
    %get3A_537 = arith.constant 0 : index
    %get3A_538 = vector.load %arg1[%get3A_534, %get3A_535, %get3A_536, %get3A_537] : memref<1x16x130x170xf32, #tpu.memory_space<vmem>>, vector<1x1x128x168xf32>
    %get3A_539 = vector.shape_cast %get3A_538 : vector<1x1x128x168xf32> to vector<128x168xf32>
    %slice3A_540 = vector.extract_strided_slice %get3A_2 {offsets = [5, 1, 0], sizes = [1, 1, 1], strides = [1, 1, 1]} : vector<16x3x3xf32> to vector<1x1x1xf32>
    %squeeze3A_541 = vector.extract %slice3A_540[0, 0, 0] : f32 from vector<1x1x1xf32>
    %mul3A_542 = vector.broadcast %squeeze3A_541 : f32 to vector<128x168xf32>
    %mul3A_543 = arith.mulf %get3A_539, %mul3A_542 : vector<128x168xf32>
    %add3A_544 = arith.addf %add3A_533, %mul3A_543 : vector<128x168xf32>
    %get3A_545 = arith.constant 0 : index
    %get3A_546 = arith.constant 5 : index
    %get3A_547 = arith.constant 1 : index
    %get3A_548 = arith.constant 1 : index
    %get3A_549 = vector.load %arg1[%get3A_545, %get3A_546, %get3A_547, %get3A_548] : memref<1x16x130x170xf32, #tpu.memory_space<vmem>>, vector<1x1x128x168xf32>
    %get3A_550 = vector.shape_cast %get3A_549 : vector<1x1x128x168xf32> to vector<128x168xf32>
    %slice3A_551 = vector.extract_strided_slice %get3A_2 {offsets = [5, 1, 1], sizes = [1, 1, 1], strides = [1, 1, 1]} : vector<16x3x3xf32> to vector<1x1x1xf32>
    %squeeze3A_552 = vector.extract %slice3A_551[0, 0, 0] : f32 from vector<1x1x1xf32>
    %mul3A_553 = vector.broadcast %squeeze3A_552 : f32 to vector<128x168xf32>
    %mul3A_554 = arith.mulf %get3A_550, %mul3A_553 : vector<128x168xf32>
    %add3A_555 = arith.addf %add3A_544, %mul3A_554 : vector<128x168xf32>
    %get3A_556 = arith.constant 0 : index
    %get3A_557 = arith.constant 5 : index
    %get3A_558 = arith.constant 1 : index
    %get3A_559 = arith.constant 2 : index
    %get3A_560 = vector.load %arg1[%get3A_556, %get3A_557, %get3A_558, %get3A_559] : memref<1x16x130x170xf32, #tpu.memory_space<vmem>>, vector<1x1x128x168xf32>
    %get3A_561 = vector.shape_cast %get3A_560 : vector<1x1x128x168xf32> to vector<128x168xf32>
    %slice3A_562 = vector.extract_strided_slice %get3A_2 {offsets = [5, 1, 2], sizes = [1, 1, 1], strides = [1, 1, 1]} : vector<16x3x3xf32> to vector<1x1x1xf32>
    %squeeze3A_563 = vector.extract %slice3A_562[0, 0, 0] : f32 from vector<1x1x1xf32>
    %mul3A_564 = vector.broadcast %squeeze3A_563 : f32 to vector<128x168xf32>
    %mul3A_565 = arith.mulf %get3A_561, %mul3A_564 : vector<128x168xf32>
    %add3A_566 = arith.addf %add3A_555, %mul3A_565 : vector<128x168xf32>
    %get3A_567 = arith.constant 0 : index
    %get3A_568 = arith.constant 5 : index
    %get3A_569 = arith.constant 2 : index
    %get3A_570 = arith.constant 0 : index
    %get3A_571 = vector.load %arg1[%get3A_567, %get3A_568, %get3A_569, %get3A_570] : memref<1x16x130x170xf32, #tpu.memory_space<vmem>>, vector<1x1x128x168xf32>
    %get3A_572 = vector.shape_cast %get3A_571 : vector<1x1x128x168xf32> to vector<128x168xf32>
    %slice3A_573 = vector.extract_strided_slice %get3A_2 {offsets = [5, 2, 0], sizes = [1, 1, 1], strides = [1, 1, 1]} : vector<16x3x3xf32> to vector<1x1x1xf32>
    %squeeze3A_574 = vector.extract %slice3A_573[0, 0, 0] : f32 from vector<1x1x1xf32>
    %mul3A_575 = vector.broadcast %squeeze3A_574 : f32 to vector<128x168xf32>
    %mul3A_576 = arith.mulf %get3A_572, %mul3A_575 : vector<128x168xf32>
    %add3A_577 = arith.addf %add3A_566, %mul3A_576 : vector<128x168xf32>
    %get3A_578 = arith.constant 0 : index
    %get3A_579 = arith.constant 5 : index
    %get3A_580 = arith.constant 2 : index
    %get3A_581 = arith.constant 1 : index
    %get3A_582 = vector.load %arg1[%get3A_578, %get3A_579, %get3A_580, %get3A_581] : memref<1x16x130x170xf32, #tpu.memory_space<vmem>>, vector<1x1x128x168xf32>
    %get3A_583 = vector.shape_cast %get3A_582 : vector<1x1x128x168xf32> to vector<128x168xf32>
    %slice3A_584 = vector.extract_strided_slice %get3A_2 {offsets = [5, 2, 1], sizes = [1, 1, 1], strides = [1, 1, 1]} : vector<16x3x3xf32> to vector<1x1x1xf32>
    %squeeze3A_585 = vector.extract %slice3A_584[0, 0, 0] : f32 from vector<1x1x1xf32>
    %mul3A_586 = vector.broadcast %squeeze3A_585 : f32 to vector<128x168xf32>
    %mul3A_587 = arith.mulf %get3A_583, %mul3A_586 : vector<128x168xf32>
    %add3A_588 = arith.addf %add3A_577, %mul3A_587 : vector<128x168xf32>
    %get3A_589 = arith.constant 0 : index
    %get3A_590 = arith.constant 5 : index
    %get3A_591 = arith.constant 2 : index
    %get3A_592 = arith.constant 2 : index
    %get3A_593 = vector.load %arg1[%get3A_589, %get3A_590, %get3A_591, %get3A_592] : memref<1x16x130x170xf32, #tpu.memory_space<vmem>>, vector<1x1x128x168xf32>
    %get3A_594 = vector.shape_cast %get3A_593 : vector<1x1x128x168xf32> to vector<128x168xf32>
    %slice3A_595 = vector.extract_strided_slice %get3A_2 {offsets = [5, 2, 2], sizes = [1, 1, 1], strides = [1, 1, 1]} : vector<16x3x3xf32> to vector<1x1x1xf32>
    %squeeze3A_596 = vector.extract %slice3A_595[0, 0, 0] : f32 from vector<1x1x1xf32>
    %mul3A_597 = vector.broadcast %squeeze3A_596 : f32 to vector<128x168xf32>
    %mul3A_598 = arith.mulf %get3A_594, %mul3A_597 : vector<128x168xf32>
    %add3A_599 = arith.addf %add3A_588, %mul3A_598 : vector<128x168xf32>
    %get3A_600 = arith.constant 0 : index
    %get3A_601 = arith.constant 6 : index
    %get3A_602 = arith.constant 0 : index
    %get3A_603 = arith.constant 0 : index
    %get3A_604 = vector.load %arg1[%get3A_600, %get3A_601, %get3A_602, %get3A_603] : memref<1x16x130x170xf32, #tpu.memory_space<vmem>>, vector<1x1x128x168xf32>
    %get3A_605 = vector.shape_cast %get3A_604 : vector<1x1x128x168xf32> to vector<128x168xf32>
    %slice3A_606 = vector.extract_strided_slice %get3A_2 {offsets = [6, 0, 0], sizes = [1, 1, 1], strides = [1, 1, 1]} : vector<16x3x3xf32> to vector<1x1x1xf32>
    %squeeze3A_607 = vector.extract %slice3A_606[0, 0, 0] : f32 from vector<1x1x1xf32>
    %mul3A_608 = vector.broadcast %squeeze3A_607 : f32 to vector<128x168xf32>
    %mul3A_609 = arith.mulf %get3A_605, %mul3A_608 : vector<128x168xf32>
    %add3A_610 = arith.addf %add3A_599, %mul3A_609 : vector<128x168xf32>
    %get3A_611 = arith.constant 0 : index
    %get3A_612 = arith.constant 6 : index
    %get3A_613 = arith.constant 0 : index
    %get3A_614 = arith.constant 1 : index
    %get3A_615 = vector.load %arg1[%get3A_611, %get3A_612, %get3A_613, %get3A_614] : memref<1x16x130x170xf32, #tpu.memory_space<vmem>>, vector<1x1x128x168xf32>
    %get3A_616 = vector.shape_cast %get3A_615 : vector<1x1x128x168xf32> to vector<128x168xf32>
    %slice3A_617 = vector.extract_strided_slice %get3A_2 {offsets = [6, 0, 1], sizes = [1, 1, 1], strides = [1, 1, 1]} : vector<16x3x3xf32> to vector<1x1x1xf32>
    %squeeze3A_618 = vector.extract %slice3A_617[0, 0, 0] : f32 from vector<1x1x1xf32>
    %mul3A_619 = vector.broadcast %squeeze3A_618 : f32 to vector<128x168xf32>
    %mul3A_620 = arith.mulf %get3A_616, %mul3A_619 : vector<128x168xf32>
    %add3A_621 = arith.addf %add3A_610, %mul3A_620 : vector<128x168xf32>
    %get3A_622 = arith.constant 0 : index
    %get3A_623 = arith.constant 6 : index
    %get3A_624 = arith.constant 0 : index
    %get3A_625 = arith.constant 2 : index
    %get3A_626 = vector.load %arg1[%get3A_622, %get3A_623, %get3A_624, %get3A_625] : memref<1x16x130x170xf32, #tpu.memory_space<vmem>>, vector<1x1x128x168xf32>
    %get3A_627 = vector.shape_cast %get3A_626 : vector<1x1x128x168xf32> to vector<128x168xf32>
    %slice3A_628 = vector.extract_strided_slice %get3A_2 {offsets = [6, 0, 2], sizes = [1, 1, 1], strides = [1, 1, 1]} : vector<16x3x3xf32> to vector<1x1x1xf32>
    %squeeze3A_629 = vector.extract %slice3A_628[0, 0, 0] : f32 from vector<1x1x1xf32>
    %mul3A_630 = vector.broadcast %squeeze3A_629 : f32 to vector<128x168xf32>
    %mul3A_631 = arith.mulf %get3A_627, %mul3A_630 : vector<128x168xf32>
    %add3A_632 = arith.addf %add3A_621, %mul3A_631 : vector<128x168xf32>
    %get3A_633 = arith.constant 0 : index
    %get3A_634 = arith.constant 6 : index
    %get3A_635 = arith.constant 1 : index
    %get3A_636 = arith.constant 0 : index
    %get3A_637 = vector.load %arg1[%get3A_633, %get3A_634, %get3A_635, %get3A_636] : memref<1x16x130x170xf32, #tpu.memory_space<vmem>>, vector<1x1x128x168xf32>
    %get3A_638 = vector.shape_cast %get3A_637 : vector<1x1x128x168xf32> to vector<128x168xf32>
    %slice3A_639 = vector.extract_strided_slice %get3A_2 {offsets = [6, 1, 0], sizes = [1, 1, 1], strides = [1, 1, 1]} : vector<16x3x3xf32> to vector<1x1x1xf32>
    %squeeze3A_640 = vector.extract %slice3A_639[0, 0, 0] : f32 from vector<1x1x1xf32>
    %mul3A_641 = vector.broadcast %squeeze3A_640 : f32 to vector<128x168xf32>
    %mul3A_642 = arith.mulf %get3A_638, %mul3A_641 : vector<128x168xf32>
    %add3A_643 = arith.addf %add3A_632, %mul3A_642 : vector<128x168xf32>
    %get3A_644 = arith.constant 0 : index
    %get3A_645 = arith.constant 6 : index
    %get3A_646 = arith.constant 1 : index
    %get3A_647 = arith.constant 1 : index
    %get3A_648 = vector.load %arg1[%get3A_644, %get3A_645, %get3A_646, %get3A_647] : memref<1x16x130x170xf32, #tpu.memory_space<vmem>>, vector<1x1x128x168xf32>
    %get3A_649 = vector.shape_cast %get3A_648 : vector<1x1x128x168xf32> to vector<128x168xf32>
    %slice3A_650 = vector.extract_strided_slice %get3A_2 {offsets = [6, 1, 1], sizes = [1, 1, 1], strides = [1, 1, 1]} : vector<16x3x3xf32> to vector<1x1x1xf32>
    %squeeze3A_651 = vector.extract %slice3A_650[0, 0, 0] : f32 from vector<1x1x1xf32>
    %mul3A_652 = vector.broadcast %squeeze3A_651 : f32 to vector<128x168xf32>
    %mul3A_653 = arith.mulf %get3A_649, %mul3A_652 : vector<128x168xf32>
    %add3A_654 = arith.addf %add3A_643, %mul3A_653 : vector<128x168xf32>
    %get3A_655 = arith.constant 0 : index
    %get3A_656 = arith.constant 6 : index
    %get3A_657 = arith.constant 1 : index
    %get3A_658 = arith.constant 2 : index
    %get3A_659 = vector.load %arg1[%get3A_655, %get3A_656, %get3A_657, %get3A_658] : memref<1x16x130x170xf32, #tpu.memory_space<vmem>>, vector<1x1x128x168xf32>
    %get3A_660 = vector.shape_cast %get3A_659 : vector<1x1x128x168xf32> to vector<128x168xf32>
    %slice3A_661 = vector.extract_strided_slice %get3A_2 {offsets = [6, 1, 2], sizes = [1, 1, 1], strides = [1, 1, 1]} : vector<16x3x3xf32> to vector<1x1x1xf32>
    %squeeze3A_662 = vector.extract %slice3A_661[0, 0, 0] : f32 from vector<1x1x1xf32>
    %mul3A_663 = vector.broadcast %squeeze3A_662 : f32 to vector<128x168xf32>
    %mul3A_664 = arith.mulf %get3A_660, %mul3A_663 : vector<128x168xf32>
    %add3A_665 = arith.addf %add3A_654, %mul3A_664 : vector<128x168xf32>
    %get3A_666 = arith.constant 0 : index
    %get3A_667 = arith.constant 6 : index
    %get3A_668 = arith.constant 2 : index
    %get3A_669 = arith.constant 0 : index
    %get3A_670 = vector.load %arg1[%get3A_666, %get3A_667, %get3A_668, %get3A_669] : memref<1x16x130x170xf32, #tpu.memory_space<vmem>>, vector<1x1x128x168xf32>
    %get3A_671 = vector.shape_cast %get3A_670 : vector<1x1x128x168xf32> to vector<128x168xf32>
    %slice3A_672 = vector.extract_strided_slice %get3A_2 {offsets = [6, 2, 0], sizes = [1, 1, 1], strides = [1, 1, 1]} : vector<16x3x3xf32> to vector<1x1x1xf32>
    %squeeze3A_673 = vector.extract %slice3A_672[0, 0, 0] : f32 from vector<1x1x1xf32>
    %mul3A_674 = vector.broadcast %squeeze3A_673 : f32 to vector<128x168xf32>
    %mul3A_675 = arith.mulf %get3A_671, %mul3A_674 : vector<128x168xf32>
    %add3A_676 = arith.addf %add3A_665, %mul3A_675 : vector<128x168xf32>
    %get3A_677 = arith.constant 0 : index
    %get3A_678 = arith.constant 6 : index
    %get3A_679 = arith.constant 2 : index
    %get3A_680 = arith.constant 1 : index
    %get3A_681 = vector.load %arg1[%get3A_677, %get3A_678, %get3A_679, %get3A_680] : memref<1x16x130x170xf32, #tpu.memory_space<vmem>>, vector<1x1x128x168xf32>
    %get3A_682 = vector.shape_cast %get3A_681 : vector<1x1x128x168xf32> to vector<128x168xf32>
    %slice3A_683 = vector.extract_strided_slice %get3A_2 {offsets = [6, 2, 1], sizes = [1, 1, 1], strides = [1, 1, 1]} : vector<16x3x3xf32> to vector<1x1x1xf32>
    %squeeze3A_684 = vector.extract %slice3A_683[0, 0, 0] : f32 from vector<1x1x1xf32>
    %mul3A_685 = vector.broadcast %squeeze3A_684 : f32 to vector<128x168xf32>
    %mul3A_686 = arith.mulf %get3A_682, %mul3A_685 : vector<128x168xf32>
    %add3A_687 = arith.addf %add3A_676, %mul3A_686 : vector<128x168xf32>
    %get3A_688 = arith.constant 0 : index
    %get3A_689 = arith.constant 6 : index
    %get3A_690 = arith.constant 2 : index
    %get3A_691 = arith.constant 2 : index
    %get3A_692 = vector.load %arg1[%get3A_688, %get3A_689, %get3A_690, %get3A_691] : memref<1x16x130x170xf32, #tpu.memory_space<vmem>>, vector<1x1x128x168xf32>
    %get3A_693 = vector.shape_cast %get3A_692 : vector<1x1x128x168xf32> to vector<128x168xf32>
    %slice3A_694 = vector.extract_strided_slice %get3A_2 {offsets = [6, 2, 2], sizes = [1, 1, 1], strides = [1, 1, 1]} : vector<16x3x3xf32> to vector<1x1x1xf32>
    %squeeze3A_695 = vector.extract %slice3A_694[0, 0, 0] : f32 from vector<1x1x1xf32>
    %mul3A_696 = vector.broadcast %squeeze3A_695 : f32 to vector<128x168xf32>
    %mul3A_697 = arith.mulf %get3A_693, %mul3A_696 : vector<128x168xf32>
    %add3A_698 = arith.addf %add3A_687, %mul3A_697 : vector<128x168xf32>
    %get3A_699 = arith.constant 0 : index
    %get3A_700 = arith.constant 7 : index
    %get3A_701 = arith.constant 0 : index
    %get3A_702 = arith.constant 0 : index
    %get3A_703 = vector.load %arg1[%get3A_699, %get3A_700, %get3A_701, %get3A_702] : memref<1x16x130x170xf32, #tpu.memory_space<vmem>>, vector<1x1x128x168xf32>
    %get3A_704 = vector.shape_cast %get3A_703 : vector<1x1x128x168xf32> to vector<128x168xf32>
    %slice3A_705 = vector.extract_strided_slice %get3A_2 {offsets = [7, 0, 0], sizes = [1, 1, 1], strides = [1, 1, 1]} : vector<16x3x3xf32> to vector<1x1x1xf32>
    %squeeze3A_706 = vector.extract %slice3A_705[0, 0, 0] : f32 from vector<1x1x1xf32>
    %mul3A_707 = vector.broadcast %squeeze3A_706 : f32 to vector<128x168xf32>
    %mul3A_708 = arith.mulf %get3A_704, %mul3A_707 : vector<128x168xf32>
    %add3A_709 = arith.addf %add3A_698, %mul3A_708 : vector<128x168xf32>
    %get3A_710 = arith.constant 0 : index
    %get3A_711 = arith.constant 7 : index
    %get3A_712 = arith.constant 0 : index
    %get3A_713 = arith.constant 1 : index
    %get3A_714 = vector.load %arg1[%get3A_710, %get3A_711, %get3A_712, %get3A_713] : memref<1x16x130x170xf32, #tpu.memory_space<vmem>>, vector<1x1x128x168xf32>
    %get3A_715 = vector.shape_cast %get3A_714 : vector<1x1x128x168xf32> to vector<128x168xf32>
    %slice3A_716 = vector.extract_strided_slice %get3A_2 {offsets = [7, 0, 1], sizes = [1, 1, 1], strides = [1, 1, 1]} : vector<16x3x3xf32> to vector<1x1x1xf32>
    %squeeze3A_717 = vector.extract %slice3A_716[0, 0, 0] : f32 from vector<1x1x1xf32>
    %mul3A_718 = vector.broadcast %squeeze3A_717 : f32 to vector<128x168xf32>
    %mul3A_719 = arith.mulf %get3A_715, %mul3A_718 : vector<128x168xf32>
    %add3A_720 = arith.addf %add3A_709, %mul3A_719 : vector<128x168xf32>
    %get3A_721 = arith.constant 0 : index
    %get3A_722 = arith.constant 7 : index
    %get3A_723 = arith.constant 0 : index
    %get3A_724 = arith.constant 2 : index
    %get3A_725 = vector.load %arg1[%get3A_721, %get3A_722, %get3A_723, %get3A_724] : memref<1x16x130x170xf32, #tpu.memory_space<vmem>>, vector<1x1x128x168xf32>
    %get3A_726 = vector.shape_cast %get3A_725 : vector<1x1x128x168xf32> to vector<128x168xf32>
    %slice3A_727 = vector.extract_strided_slice %get3A_2 {offsets = [7, 0, 2], sizes = [1, 1, 1], strides = [1, 1, 1]} : vector<16x3x3xf32> to vector<1x1x1xf32>
    %squeeze3A_728 = vector.extract %slice3A_727[0, 0, 0] : f32 from vector<1x1x1xf32>
    %mul3A_729 = vector.broadcast %squeeze3A_728 : f32 to vector<128x168xf32>
    %mul3A_730 = arith.mulf %get3A_726, %mul3A_729 : vector<128x168xf32>
    %add3A_731 = arith.addf %add3A_720, %mul3A_730 : vector<128x168xf32>
    %get3A_732 = arith.constant 0 : index
    %get3A_733 = arith.constant 7 : index
    %get3A_734 = arith.constant 1 : index
    %get3A_735 = arith.constant 0 : index
    %get3A_736 = vector.load %arg1[%get3A_732, %get3A_733, %get3A_734, %get3A_735] : memref<1x16x130x170xf32, #tpu.memory_space<vmem>>, vector<1x1x128x168xf32>
    %get3A_737 = vector.shape_cast %get3A_736 : vector<1x1x128x168xf32> to vector<128x168xf32>
    %slice3A_738 = vector.extract_strided_slice %get3A_2 {offsets = [7, 1, 0], sizes = [1, 1, 1], strides = [1, 1, 1]} : vector<16x3x3xf32> to vector<1x1x1xf32>
    %squeeze3A_739 = vector.extract %slice3A_738[0, 0, 0] : f32 from vector<1x1x1xf32>
    %mul3A_740 = vector.broadcast %squeeze3A_739 : f32 to vector<128x168xf32>
    %mul3A_741 = arith.mulf %get3A_737, %mul3A_740 : vector<128x168xf32>
    %add3A_742 = arith.addf %add3A_731, %mul3A_741 : vector<128x168xf32>
    %get3A_743 = arith.constant 0 : index
    %get3A_744 = arith.constant 7 : index
    %get3A_745 = arith.constant 1 : index
    %get3A_746 = arith.constant 1 : index
    %get3A_747 = vector.load %arg1[%get3A_743, %get3A_744, %get3A_745, %get3A_746] : memref<1x16x130x170xf32, #tpu.memory_space<vmem>>, vector<1x1x128x168xf32>
    %get3A_748 = vector.shape_cast %get3A_747 : vector<1x1x128x168xf32> to vector<128x168xf32>
    %slice3A_749 = vector.extract_strided_slice %get3A_2 {offsets = [7, 1, 1], sizes = [1, 1, 1], strides = [1, 1, 1]} : vector<16x3x3xf32> to vector<1x1x1xf32>
    %squeeze3A_750 = vector.extract %slice3A_749[0, 0, 0] : f32 from vector<1x1x1xf32>
    %mul3A_751 = vector.broadcast %squeeze3A_750 : f32 to vector<128x168xf32>
    %mul3A_752 = arith.mulf %get3A_748, %mul3A_751 : vector<128x168xf32>
    %add3A_753 = arith.addf %add3A_742, %mul3A_752 : vector<128x168xf32>
    %get3A_754 = arith.constant 0 : index
    %get3A_755 = arith.constant 7 : index
    %get3A_756 = arith.constant 1 : index
    %get3A_757 = arith.constant 2 : index
    %get3A_758 = vector.load %arg1[%get3A_754, %get3A_755, %get3A_756, %get3A_757] : memref<1x16x130x170xf32, #tpu.memory_space<vmem>>, vector<1x1x128x168xf32>
    %get3A_759 = vector.shape_cast %get3A_758 : vector<1x1x128x168xf32> to vector<128x168xf32>
    %slice3A_760 = vector.extract_strided_slice %get3A_2 {offsets = [7, 1, 2], sizes = [1, 1, 1], strides = [1, 1, 1]} : vector<16x3x3xf32> to vector<1x1x1xf32>
    %squeeze3A_761 = vector.extract %slice3A_760[0, 0, 0] : f32 from vector<1x1x1xf32>
    %mul3A_762 = vector.broadcast %squeeze3A_761 : f32 to vector<128x168xf32>
    %mul3A_763 = arith.mulf %get3A_759, %mul3A_762 : vector<128x168xf32>
    %add3A_764 = arith.addf %add3A_753, %mul3A_763 : vector<128x168xf32>
    %get3A_765 = arith.constant 0 : index
    %get3A_766 = arith.constant 7 : index
    %get3A_767 = arith.constant 2 : index
    %get3A_768 = arith.constant 0 : index
    %get3A_769 = vector.load %arg1[%get3A_765, %get3A_766, %get3A_767, %get3A_768] : memref<1x16x130x170xf32, #tpu.memory_space<vmem>>, vector<1x1x128x168xf32>
    %get3A_770 = vector.shape_cast %get3A_769 : vector<1x1x128x168xf32> to vector<128x168xf32>
    %slice3A_771 = vector.extract_strided_slice %get3A_2 {offsets = [7, 2, 0], sizes = [1, 1, 1], strides = [1, 1, 1]} : vector<16x3x3xf32> to vector<1x1x1xf32>
    %squeeze3A_772 = vector.extract %slice3A_771[0, 0, 0] : f32 from vector<1x1x1xf32>
    %mul3A_773 = vector.broadcast %squeeze3A_772 : f32 to vector<128x168xf32>
    %mul3A_774 = arith.mulf %get3A_770, %mul3A_773 : vector<128x168xf32>
    %add3A_775 = arith.addf %add3A_764, %mul3A_774 : vector<128x168xf32>
    %get3A_776 = arith.constant 0 : index
    %get3A_777 = arith.constant 7 : index
    %get3A_778 = arith.constant 2 : index
    %get3A_779 = arith.constant 1 : index
    %get3A_780 = vector.load %arg1[%get3A_776, %get3A_777, %get3A_778, %get3A_779] : memref<1x16x130x170xf32, #tpu.memory_space<vmem>>, vector<1x1x128x168xf32>
    %get3A_781 = vector.shape_cast %get3A_780 : vector<1x1x128x168xf32> to vector<128x168xf32>
    %slice3A_782 = vector.extract_strided_slice %get3A_2 {offsets = [7, 2, 1], sizes = [1, 1, 1], strides = [1, 1, 1]} : vector<16x3x3xf32> to vector<1x1x1xf32>
    %squeeze3A_783 = vector.extract %slice3A_782[0, 0, 0] : f32 from vector<1x1x1xf32>
    %mul3A_784 = vector.broadcast %squeeze3A_783 : f32 to vector<128x168xf32>
    %mul3A_785 = arith.mulf %get3A_781, %mul3A_784 : vector<128x168xf32>
    %add3A_786 = arith.addf %add3A_775, %mul3A_785 : vector<128x168xf32>
    %get3A_787 = arith.constant 0 : index
    %get3A_788 = arith.constant 7 : index
    %get3A_789 = arith.constant 2 : index
    %get3A_790 = arith.constant 2 : index
    %get3A_791 = vector.load %arg1[%get3A_787, %get3A_788, %get3A_789, %get3A_790] : memref<1x16x130x170xf32, #tpu.memory_space<vmem>>, vector<1x1x128x168xf32>
    %get3A_792 = vector.shape_cast %get3A_791 : vector<1x1x128x168xf32> to vector<128x168xf32>
    %slice3A_793 = vector.extract_strided_slice %get3A_2 {offsets = [7, 2, 2], sizes = [1, 1, 1], strides = [1, 1, 1]} : vector<16x3x3xf32> to vector<1x1x1xf32>
    %squeeze3A_794 = vector.extract %slice3A_793[0, 0, 0] : f32 from vector<1x1x1xf32>
    %mul3A_795 = vector.broadcast %squeeze3A_794 : f32 to vector<128x168xf32>
    %mul3A_796 = arith.mulf %get3A_792, %mul3A_795 : vector<128x168xf32>
    %add3A_797 = arith.addf %add3A_786, %mul3A_796 : vector<128x168xf32>
    %get3A_798 = arith.constant 0 : index
    %get3A_799 = arith.constant 8 : index
    %get3A_800 = arith.constant 0 : index
    %get3A_801 = arith.constant 0 : index
    %get3A_802 = vector.load %arg1[%get3A_798, %get3A_799, %get3A_800, %get3A_801] : memref<1x16x130x170xf32, #tpu.memory_space<vmem>>, vector<1x1x128x168xf32>
    %get3A_803 = vector.shape_cast %get3A_802 : vector<1x1x128x168xf32> to vector<128x168xf32>
    %slice3A_804 = vector.extract_strided_slice %get3A_2 {offsets = [8, 0, 0], sizes = [1, 1, 1], strides = [1, 1, 1]} : vector<16x3x3xf32> to vector<1x1x1xf32>
    %squeeze3A_805 = vector.extract %slice3A_804[0, 0, 0] : f32 from vector<1x1x1xf32>
    %mul3A_806 = vector.broadcast %squeeze3A_805 : f32 to vector<128x168xf32>
    %mul3A_807 = arith.mulf %get3A_803, %mul3A_806 : vector<128x168xf32>
    %add3A_808 = arith.addf %add3A_797, %mul3A_807 : vector<128x168xf32>
    %get3A_809 = arith.constant 0 : index
    %get3A_810 = arith.constant 8 : index
    %get3A_811 = arith.constant 0 : index
    %get3A_812 = arith.constant 1 : index
    %get3A_813 = vector.load %arg1[%get3A_809, %get3A_810, %get3A_811, %get3A_812] : memref<1x16x130x170xf32, #tpu.memory_space<vmem>>, vector<1x1x128x168xf32>
    %get3A_814 = vector.shape_cast %get3A_813 : vector<1x1x128x168xf32> to vector<128x168xf32>
    %slice3A_815 = vector.extract_strided_slice %get3A_2 {offsets = [8, 0, 1], sizes = [1, 1, 1], strides = [1, 1, 1]} : vector<16x3x3xf32> to vector<1x1x1xf32>
    %squeeze3A_816 = vector.extract %slice3A_815[0, 0, 0] : f32 from vector<1x1x1xf32>
    %mul3A_817 = vector.broadcast %squeeze3A_816 : f32 to vector<128x168xf32>
    %mul3A_818 = arith.mulf %get3A_814, %mul3A_817 : vector<128x168xf32>
    %add3A_819 = arith.addf %add3A_808, %mul3A_818 : vector<128x168xf32>
    %get3A_820 = arith.constant 0 : index
    %get3A_821 = arith.constant 8 : index
    %get3A_822 = arith.constant 0 : index
    %get3A_823 = arith.constant 2 : index
    %get3A_824 = vector.load %arg1[%get3A_820, %get3A_821, %get3A_822, %get3A_823] : memref<1x16x130x170xf32, #tpu.memory_space<vmem>>, vector<1x1x128x168xf32>
    %get3A_825 = vector.shape_cast %get3A_824 : vector<1x1x128x168xf32> to vector<128x168xf32>
    %slice3A_826 = vector.extract_strided_slice %get3A_2 {offsets = [8, 0, 2], sizes = [1, 1, 1], strides = [1, 1, 1]} : vector<16x3x3xf32> to vector<1x1x1xf32>
    %squeeze3A_827 = vector.extract %slice3A_826[0, 0, 0] : f32 from vector<1x1x1xf32>
    %mul3A_828 = vector.broadcast %squeeze3A_827 : f32 to vector<128x168xf32>
    %mul3A_829 = arith.mulf %get3A_825, %mul3A_828 : vector<128x168xf32>
    %add3A_830 = arith.addf %add3A_819, %mul3A_829 : vector<128x168xf32>
    %get3A_831 = arith.constant 0 : index
    %get3A_832 = arith.constant 8 : index
    %get3A_833 = arith.constant 1 : index
    %get3A_834 = arith.constant 0 : index
    %get3A_835 = vector.load %arg1[%get3A_831, %get3A_832, %get3A_833, %get3A_834] : memref<1x16x130x170xf32, #tpu.memory_space<vmem>>, vector<1x1x128x168xf32>
    %get3A_836 = vector.shape_cast %get3A_835 : vector<1x1x128x168xf32> to vector<128x168xf32>
    %slice3A_837 = vector.extract_strided_slice %get3A_2 {offsets = [8, 1, 0], sizes = [1, 1, 1], strides = [1, 1, 1]} : vector<16x3x3xf32> to vector<1x1x1xf32>
    %squeeze3A_838 = vector.extract %slice3A_837[0, 0, 0] : f32 from vector<1x1x1xf32>
    %mul3A_839 = vector.broadcast %squeeze3A_838 : f32 to vector<128x168xf32>
    %mul3A_840 = arith.mulf %get3A_836, %mul3A_839 : vector<128x168xf32>
    %add3A_841 = arith.addf %add3A_830, %mul3A_840 : vector<128x168xf32>
    %get3A_842 = arith.constant 0 : index
    %get3A_843 = arith.constant 8 : index
    %get3A_844 = arith.constant 1 : index
    %get3A_845 = arith.constant 1 : index
    %get3A_846 = vector.load %arg1[%get3A_842, %get3A_843, %get3A_844, %get3A_845] : memref<1x16x130x170xf32, #tpu.memory_space<vmem>>, vector<1x1x128x168xf32>
    %get3A_847 = vector.shape_cast %get3A_846 : vector<1x1x128x168xf32> to vector<128x168xf32>
    %slice3A_848 = vector.extract_strided_slice %get3A_2 {offsets = [8, 1, 1], sizes = [1, 1, 1], strides = [1, 1, 1]} : vector<16x3x3xf32> to vector<1x1x1xf32>
    %squeeze3A_849 = vector.extract %slice3A_848[0, 0, 0] : f32 from vector<1x1x1xf32>
    %mul3A_850 = vector.broadcast %squeeze3A_849 : f32 to vector<128x168xf32>
    %mul3A_851 = arith.mulf %get3A_847, %mul3A_850 : vector<128x168xf32>
    %add3A_852 = arith.addf %add3A_841, %mul3A_851 : vector<128x168xf32>
    %get3A_853 = arith.constant 0 : index
    %get3A_854 = arith.constant 8 : index
    %get3A_855 = arith.constant 1 : index
    %get3A_856 = arith.constant 2 : index
    %get3A_857 = vector.load %arg1[%get3A_853, %get3A_854, %get3A_855, %get3A_856] : memref<1x16x130x170xf32, #tpu.memory_space<vmem>>, vector<1x1x128x168xf32>
    %get3A_858 = vector.shape_cast %get3A_857 : vector<1x1x128x168xf32> to vector<128x168xf32>
    %slice3A_859 = vector.extract_strided_slice %get3A_2 {offsets = [8, 1, 2], sizes = [1, 1, 1], strides = [1, 1, 1]} : vector<16x3x3xf32> to vector<1x1x1xf32>
    %squeeze3A_860 = vector.extract %slice3A_859[0, 0, 0] : f32 from vector<1x1x1xf32>
    %mul3A_861 = vector.broadcast %squeeze3A_860 : f32 to vector<128x168xf32>
    %mul3A_862 = arith.mulf %get3A_858, %mul3A_861 : vector<128x168xf32>
    %add3A_863 = arith.addf %add3A_852, %mul3A_862 : vector<128x168xf32>
    %get3A_864 = arith.constant 0 : index
    %get3A_865 = arith.constant 8 : index
    %get3A_866 = arith.constant 2 : index
    %get3A_867 = arith.constant 0 : index
    %get3A_868 = vector.load %arg1[%get3A_864, %get3A_865, %get3A_866, %get3A_867] : memref<1x16x130x170xf32, #tpu.memory_space<vmem>>, vector<1x1x128x168xf32>
    %get3A_869 = vector.shape_cast %get3A_868 : vector<1x1x128x168xf32> to vector<128x168xf32>
    %slice3A_870 = vector.extract_strided_slice %get3A_2 {offsets = [8, 2, 0], sizes = [1, 1, 1], strides = [1, 1, 1]} : vector<16x3x3xf32> to vector<1x1x1xf32>
    %squeeze3A_871 = vector.extract %slice3A_870[0, 0, 0] : f32 from vector<1x1x1xf32>
    %mul3A_872 = vector.broadcast %squeeze3A_871 : f32 to vector<128x168xf32>
    %mul3A_873 = arith.mulf %get3A_869, %mul3A_872 : vector<128x168xf32>
    %add3A_874 = arith.addf %add3A_863, %mul3A_873 : vector<128x168xf32>
    %get3A_875 = arith.constant 0 : index
    %get3A_876 = arith.constant 8 : index
    %get3A_877 = arith.constant 2 : index
    %get3A_878 = arith.constant 1 : index
    %get3A_879 = vector.load %arg1[%get3A_875, %get3A_876, %get3A_877, %get3A_878] : memref<1x16x130x170xf32, #tpu.memory_space<vmem>>, vector<1x1x128x168xf32>
    %get3A_880 = vector.shape_cast %get3A_879 : vector<1x1x128x168xf32> to vector<128x168xf32>
    %slice3A_881 = vector.extract_strided_slice %get3A_2 {offsets = [8, 2, 1], sizes = [1, 1, 1], strides = [1, 1, 1]} : vector<16x3x3xf32> to vector<1x1x1xf32>
    %squeeze3A_882 = vector.extract %slice3A_881[0, 0, 0] : f32 from vector<1x1x1xf32>
    %mul3A_883 = vector.broadcast %squeeze3A_882 : f32 to vector<128x168xf32>
    %mul3A_884 = arith.mulf %get3A_880, %mul3A_883 : vector<128x168xf32>
    %add3A_885 = arith.addf %add3A_874, %mul3A_884 : vector<128x168xf32>
    %get3A_886 = arith.constant 0 : index
    %get3A_887 = arith.constant 8 : index
    %get3A_888 = arith.constant 2 : index
    %get3A_889 = arith.constant 2 : index
    %get3A_890 = vector.load %arg1[%get3A_886, %get3A_887, %get3A_888, %get3A_889] : memref<1x16x130x170xf32, #tpu.memory_space<vmem>>, vector<1x1x128x168xf32>
    %get3A_891 = vector.shape_cast %get3A_890 : vector<1x1x128x168xf32> to vector<128x168xf32>
    %slice3A_892 = vector.extract_strided_slice %get3A_2 {offsets = [8, 2, 2], sizes = [1, 1, 1], strides = [1, 1, 1]} : vector<16x3x3xf32> to vector<1x1x1xf32>
    %squeeze3A_893 = vector.extract %slice3A_892[0, 0, 0] : f32 from vector<1x1x1xf32>
    %mul3A_894 = vector.broadcast %squeeze3A_893 : f32 to vector<128x168xf32>
    %mul3A_895 = arith.mulf %get3A_891, %mul3A_894 : vector<128x168xf32>
    %add3A_896 = arith.addf %add3A_885, %mul3A_895 : vector<128x168xf32>
    %get3A_897 = arith.constant 0 : index
    %get3A_898 = arith.constant 9 : index
    %get3A_899 = arith.constant 0 : index
    %get3A_900 = arith.constant 0 : index
    %get3A_901 = vector.load %arg1[%get3A_897, %get3A_898, %get3A_899, %get3A_900] : memref<1x16x130x170xf32, #tpu.memory_space<vmem>>, vector<1x1x128x168xf32>
    %get3A_902 = vector.shape_cast %get3A_901 : vector<1x1x128x168xf32> to vector<128x168xf32>
    %slice3A_903 = vector.extract_strided_slice %get3A_2 {offsets = [9, 0, 0], sizes = [1, 1, 1], strides = [1, 1, 1]} : vector<16x3x3xf32> to vector<1x1x1xf32>
    %squeeze3A_904 = vector.extract %slice3A_903[0, 0, 0] : f32 from vector<1x1x1xf32>
    %mul3A_905 = vector.broadcast %squeeze3A_904 : f32 to vector<128x168xf32>
    %mul3A_906 = arith.mulf %get3A_902, %mul3A_905 : vector<128x168xf32>
    %add3A_907 = arith.addf %add3A_896, %mul3A_906 : vector<128x168xf32>
    %get3A_908 = arith.constant 0 : index
    %get3A_909 = arith.constant 9 : index
    %get3A_910 = arith.constant 0 : index
    %get3A_911 = arith.constant 1 : index
    %get3A_912 = vector.load %arg1[%get3A_908, %get3A_909, %get3A_910, %get3A_911] : memref<1x16x130x170xf32, #tpu.memory_space<vmem>>, vector<1x1x128x168xf32>
    %get3A_913 = vector.shape_cast %get3A_912 : vector<1x1x128x168xf32> to vector<128x168xf32>
    %slice3A_914 = vector.extract_strided_slice %get3A_2 {offsets = [9, 0, 1], sizes = [1, 1, 1], strides = [1, 1, 1]} : vector<16x3x3xf32> to vector<1x1x1xf32>
    %squeeze3A_915 = vector.extract %slice3A_914[0, 0, 0] : f32 from vector<1x1x1xf32>
    %mul3A_916 = vector.broadcast %squeeze3A_915 : f32 to vector<128x168xf32>
    %mul3A_917 = arith.mulf %get3A_913, %mul3A_916 : vector<128x168xf32>
    %add3A_918 = arith.addf %add3A_907, %mul3A_917 : vector<128x168xf32>
    %get3A_919 = arith.constant 0 : index
    %get3A_920 = arith.constant 9 : index
    %get3A_921 = arith.constant 0 : index
    %get3A_922 = arith.constant 2 : index
    %get3A_923 = vector.load %arg1[%get3A_919, %get3A_920, %get3A_921, %get3A_922] : memref<1x16x130x170xf32, #tpu.memory_space<vmem>>, vector<1x1x128x168xf32>
    %get3A_924 = vector.shape_cast %get3A_923 : vector<1x1x128x168xf32> to vector<128x168xf32>
    %slice3A_925 = vector.extract_strided_slice %get3A_2 {offsets = [9, 0, 2], sizes = [1, 1, 1], strides = [1, 1, 1]} : vector<16x3x3xf32> to vector<1x1x1xf32>
    %squeeze3A_926 = vector.extract %slice3A_925[0, 0, 0] : f32 from vector<1x1x1xf32>
    %mul3A_927 = vector.broadcast %squeeze3A_926 : f32 to vector<128x168xf32>
    %mul3A_928 = arith.mulf %get3A_924, %mul3A_927 : vector<128x168xf32>
    %add3A_929 = arith.addf %add3A_918, %mul3A_928 : vector<128x168xf32>
    %get3A_930 = arith.constant 0 : index
    %get3A_931 = arith.constant 9 : index
    %get3A_932 = arith.constant 1 : index
    %get3A_933 = arith.constant 0 : index
    %get3A_934 = vector.load %arg1[%get3A_930, %get3A_931, %get3A_932, %get3A_933] : memref<1x16x130x170xf32, #tpu.memory_space<vmem>>, vector<1x1x128x168xf32>
    %get3A_935 = vector.shape_cast %get3A_934 : vector<1x1x128x168xf32> to vector<128x168xf32>
    %slice3A_936 = vector.extract_strided_slice %get3A_2 {offsets = [9, 1, 0], sizes = [1, 1, 1], strides = [1, 1, 1]} : vector<16x3x3xf32> to vector<1x1x1xf32>
    %squeeze3A_937 = vector.extract %slice3A_936[0, 0, 0] : f32 from vector<1x1x1xf32>
    %mul3A_938 = vector.broadcast %squeeze3A_937 : f32 to vector<128x168xf32>
    %mul3A_939 = arith.mulf %get3A_935, %mul3A_938 : vector<128x168xf32>
    %add3A_940 = arith.addf %add3A_929, %mul3A_939 : vector<128x168xf32>
    %get3A_941 = arith.constant 0 : index
    %get3A_942 = arith.constant 9 : index
    %get3A_943 = arith.constant 1 : index
    %get3A_944 = arith.constant 1 : index
    %get3A_945 = vector.load %arg1[%get3A_941, %get3A_942, %get3A_943, %get3A_944] : memref<1x16x130x170xf32, #tpu.memory_space<vmem>>, vector<1x1x128x168xf32>
    %get3A_946 = vector.shape_cast %get3A_945 : vector<1x1x128x168xf32> to vector<128x168xf32>
    %slice3A_947 = vector.extract_strided_slice %get3A_2 {offsets = [9, 1, 1], sizes = [1, 1, 1], strides = [1, 1, 1]} : vector<16x3x3xf32> to vector<1x1x1xf32>
    %squeeze3A_948 = vector.extract %slice3A_947[0, 0, 0] : f32 from vector<1x1x1xf32>
    %mul3A_949 = vector.broadcast %squeeze3A_948 : f32 to vector<128x168xf32>
    %mul3A_950 = arith.mulf %get3A_946, %mul3A_949 : vector<128x168xf32>
    %add3A_951 = arith.addf %add3A_940, %mul3A_950 : vector<128x168xf32>
    %get3A_952 = arith.constant 0 : index
    %get3A_953 = arith.constant 9 : index
    %get3A_954 = arith.constant 1 : index
    %get3A_955 = arith.constant 2 : index
    %get3A_956 = vector.load %arg1[%get3A_952, %get3A_953, %get3A_954, %get3A_955] : memref<1x16x130x170xf32, #tpu.memory_space<vmem>>, vector<1x1x128x168xf32>
    %get3A_957 = vector.shape_cast %get3A_956 : vector<1x1x128x168xf32> to vector<128x168xf32>
    %slice3A_958 = vector.extract_strided_slice %get3A_2 {offsets = [9, 1, 2], sizes = [1, 1, 1], strides = [1, 1, 1]} : vector<16x3x3xf32> to vector<1x1x1xf32>
    %squeeze3A_959 = vector.extract %slice3A_958[0, 0, 0] : f32 from vector<1x1x1xf32>
    %mul3A_960 = vector.broadcast %squeeze3A_959 : f32 to vector<128x168xf32>
    %mul3A_961 = arith.mulf %get3A_957, %mul3A_960 : vector<128x168xf32>
    %add3A_962 = arith.addf %add3A_951, %mul3A_961 : vector<128x168xf32>
    %get3A_963 = arith.constant 0 : index
    %get3A_964 = arith.constant 9 : index
    %get3A_965 = arith.constant 2 : index
    %get3A_966 = arith.constant 0 : index
    %get3A_967 = vector.load %arg1[%get3A_963, %get3A_964, %get3A_965, %get3A_966] : memref<1x16x130x170xf32, #tpu.memory_space<vmem>>, vector<1x1x128x168xf32>
    %get3A_968 = vector.shape_cast %get3A_967 : vector<1x1x128x168xf32> to vector<128x168xf32>
    %slice3A_969 = vector.extract_strided_slice %get3A_2 {offsets = [9, 2, 0], sizes = [1, 1, 1], strides = [1, 1, 1]} : vector<16x3x3xf32> to vector<1x1x1xf32>
    %squeeze3A_970 = vector.extract %slice3A_969[0, 0, 0] : f32 from vector<1x1x1xf32>
    %mul3A_971 = vector.broadcast %squeeze3A_970 : f32 to vector<128x168xf32>
    %mul3A_972 = arith.mulf %get3A_968, %mul3A_971 : vector<128x168xf32>
    %add3A_973 = arith.addf %add3A_962, %mul3A_972 : vector<128x168xf32>
    %get3A_974 = arith.constant 0 : index
    %get3A_975 = arith.constant 9 : index
    %get3A_976 = arith.constant 2 : index
    %get3A_977 = arith.constant 1 : index
    %get3A_978 = vector.load %arg1[%get3A_974, %get3A_975, %get3A_976, %get3A_977] : memref<1x16x130x170xf32, #tpu.memory_space<vmem>>, vector<1x1x128x168xf32>
    %get3A_979 = vector.shape_cast %get3A_978 : vector<1x1x128x168xf32> to vector<128x168xf32>
    %slice3A_980 = vector.extract_strided_slice %get3A_2 {offsets = [9, 2, 1], sizes = [1, 1, 1], strides = [1, 1, 1]} : vector<16x3x3xf32> to vector<1x1x1xf32>
    %squeeze3A_981 = vector.extract %slice3A_980[0, 0, 0] : f32 from vector<1x1x1xf32>
    %mul3A_982 = vector.broadcast %squeeze3A_981 : f32 to vector<128x168xf32>
    %mul3A_983 = arith.mulf %get3A_979, %mul3A_982 : vector<128x168xf32>
    %add3A_984 = arith.addf %add3A_973, %mul3A_983 : vector<128x168xf32>
    %get3A_985 = arith.constant 0 : index
    %get3A_986 = arith.constant 9 : index
    %get3A_987 = arith.constant 2 : index
    %get3A_988 = arith.constant 2 : index
    %get3A_989 = vector.load %arg1[%get3A_985, %get3A_986, %get3A_987, %get3A_988] : memref<1x16x130x170xf32, #tpu.memory_space<vmem>>, vector<1x1x128x168xf32>
    %get3A_990 = vector.shape_cast %get3A_989 : vector<1x1x128x168xf32> to vector<128x168xf32>
    %slice3A_991 = vector.extract_strided_slice %get3A_2 {offsets = [9, 2, 2], sizes = [1, 1, 1], strides = [1, 1, 1]} : vector<16x3x3xf32> to vector<1x1x1xf32>
    %squeeze3A_992 = vector.extract %slice3A_991[0, 0, 0] : f32 from vector<1x1x1xf32>
    %mul3A_993 = vector.broadcast %squeeze3A_992 : f32 to vector<128x168xf32>
    %mul3A_994 = arith.mulf %get3A_990, %mul3A_993 : vector<128x168xf32>
    %add3A_995 = arith.addf %add3A_984, %mul3A_994 : vector<128x168xf32>
    %get3A_996 = arith.constant 0 : index
    %get3A_997 = arith.constant 10 : index
    %get3A_998 = arith.constant 0 : index
    %get3A_999 = arith.constant 0 : index
    %get3A_1000 = vector.load %arg1[%get3A_996, %get3A_997, %get3A_998, %get3A_999] : memref<1x16x130x170xf32, #tpu.memory_space<vmem>>, vector<1x1x128x168xf32>
    %get3A_1001 = vector.shape_cast %get3A_1000 : vector<1x1x128x168xf32> to vector<128x168xf32>
    %slice3A_1002 = vector.extract_strided_slice %get3A_2 {offsets = [10, 0, 0], sizes = [1, 1, 1], strides = [1, 1, 1]} : vector<16x3x3xf32> to vector<1x1x1xf32>
    %squeeze3A_1003 = vector.extract %slice3A_1002[0, 0, 0] : f32 from vector<1x1x1xf32>
    %mul3A_1004 = vector.broadcast %squeeze3A_1003 : f32 to vector<128x168xf32>
    %mul3A_1005 = arith.mulf %get3A_1001, %mul3A_1004 : vector<128x168xf32>
    %add3A_1006 = arith.addf %add3A_995, %mul3A_1005 : vector<128x168xf32>
    %get3A_1007 = arith.constant 0 : index
    %get3A_1008 = arith.constant 10 : index
    %get3A_1009 = arith.constant 0 : index
    %get3A_1010 = arith.constant 1 : index
    %get3A_1011 = vector.load %arg1[%get3A_1007, %get3A_1008, %get3A_1009, %get3A_1010] : memref<1x16x130x170xf32, #tpu.memory_space<vmem>>, vector<1x1x128x168xf32>
    %get3A_1012 = vector.shape_cast %get3A_1011 : vector<1x1x128x168xf32> to vector<128x168xf32>
    %slice3A_1013 = vector.extract_strided_slice %get3A_2 {offsets = [10, 0, 1], sizes = [1, 1, 1], strides = [1, 1, 1]} : vector<16x3x3xf32> to vector<1x1x1xf32>
    %squeeze3A_1014 = vector.extract %slice3A_1013[0, 0, 0] : f32 from vector<1x1x1xf32>
    %mul3A_1015 = vector.broadcast %squeeze3A_1014 : f32 to vector<128x168xf32>
    %mul3A_1016 = arith.mulf %get3A_1012, %mul3A_1015 : vector<128x168xf32>
    %add3A_1017 = arith.addf %add3A_1006, %mul3A_1016 : vector<128x168xf32>
    %get3A_1018 = arith.constant 0 : index
    %get3A_1019 = arith.constant 10 : index
    %get3A_1020 = arith.constant 0 : index
    %get3A_1021 = arith.constant 2 : index
    %get3A_1022 = vector.load %arg1[%get3A_1018, %get3A_1019, %get3A_1020, %get3A_1021] : memref<1x16x130x170xf32, #tpu.memory_space<vmem>>, vector<1x1x128x168xf32>
    %get3A_1023 = vector.shape_cast %get3A_1022 : vector<1x1x128x168xf32> to vector<128x168xf32>
    %slice3A_1024 = vector.extract_strided_slice %get3A_2 {offsets = [10, 0, 2], sizes = [1, 1, 1], strides = [1, 1, 1]} : vector<16x3x3xf32> to vector<1x1x1xf32>
    %squeeze3A_1025 = vector.extract %slice3A_1024[0, 0, 0] : f32 from vector<1x1x1xf32>
    %mul3A_1026 = vector.broadcast %squeeze3A_1025 : f32 to vector<128x168xf32>
    %mul3A_1027 = arith.mulf %get3A_1023, %mul3A_1026 : vector<128x168xf32>
    %add3A_1028 = arith.addf %add3A_1017, %mul3A_1027 : vector<128x168xf32>
    %get3A_1029 = arith.constant 0 : index
    %get3A_1030 = arith.constant 10 : index
    %get3A_1031 = arith.constant 1 : index
    %get3A_1032 = arith.constant 0 : index
    %get3A_1033 = vector.load %arg1[%get3A_1029, %get3A_1030, %get3A_1031, %get3A_1032] : memref<1x16x130x170xf32, #tpu.memory_space<vmem>>, vector<1x1x128x168xf32>
    %get3A_1034 = vector.shape_cast %get3A_1033 : vector<1x1x128x168xf32> to vector<128x168xf32>
    %slice3A_1035 = vector.extract_strided_slice %get3A_2 {offsets = [10, 1, 0], sizes = [1, 1, 1], strides = [1, 1, 1]} : vector<16x3x3xf32> to vector<1x1x1xf32>
    %squeeze3A_1036 = vector.extract %slice3A_1035[0, 0, 0] : f32 from vector<1x1x1xf32>
    %mul3A_1037 = vector.broadcast %squeeze3A_1036 : f32 to vector<128x168xf32>
    %mul3A_1038 = arith.mulf %get3A_1034, %mul3A_1037 : vector<128x168xf32>
    %add3A_1039 = arith.addf %add3A_1028, %mul3A_1038 : vector<128x168xf32>
    %get3A_1040 = arith.constant 0 : index
    %get3A_1041 = arith.constant 10 : index
    %get3A_1042 = arith.constant 1 : index
    %get3A_1043 = arith.constant 1 : index
    %get3A_1044 = vector.load %arg1[%get3A_1040, %get3A_1041, %get3A_1042, %get3A_1043] : memref<1x16x130x170xf32, #tpu.memory_space<vmem>>, vector<1x1x128x168xf32>
    %get3A_1045 = vector.shape_cast %get3A_1044 : vector<1x1x128x168xf32> to vector<128x168xf32>
    %slice3A_1046 = vector.extract_strided_slice %get3A_2 {offsets = [10, 1, 1], sizes = [1, 1, 1], strides = [1, 1, 1]} : vector<16x3x3xf32> to vector<1x1x1xf32>
    %squeeze3A_1047 = vector.extract %slice3A_1046[0, 0, 0] : f32 from vector<1x1x1xf32>
    %mul3A_1048 = vector.broadcast %squeeze3A_1047 : f32 to vector<128x168xf32>
    %mul3A_1049 = arith.mulf %get3A_1045, %mul3A_1048 : vector<128x168xf32>
    %add3A_1050 = arith.addf %add3A_1039, %mul3A_1049 : vector<128x168xf32>
    %get3A_1051 = arith.constant 0 : index
    %get3A_1052 = arith.constant 10 : index
    %get3A_1053 = arith.constant 1 : index
    %get3A_1054 = arith.constant 2 : index
    %get3A_1055 = vector.load %arg1[%get3A_1051, %get3A_1052, %get3A_1053, %get3A_1054] : memref<1x16x130x170xf32, #tpu.memory_space<vmem>>, vector<1x1x128x168xf32>
    %get3A_1056 = vector.shape_cast %get3A_1055 : vector<1x1x128x168xf32> to vector<128x168xf32>
    %slice3A_1057 = vector.extract_strided_slice %get3A_2 {offsets = [10, 1, 2], sizes = [1, 1, 1], strides = [1, 1, 1]} : vector<16x3x3xf32> to vector<1x1x1xf32>
    %squeeze3A_1058 = vector.extract %slice3A_1057[0, 0, 0] : f32 from vector<1x1x1xf32>
    %mul3A_1059 = vector.broadcast %squeeze3A_1058 : f32 to vector<128x168xf32>
    %mul3A_1060 = arith.mulf %get3A_1056, %mul3A_1059 : vector<128x168xf32>
    %add3A_1061 = arith.addf %add3A_1050, %mul3A_1060 : vector<128x168xf32>
    %get3A_1062 = arith.constant 0 : index
    %get3A_1063 = arith.constant 10 : index
    %get3A_1064 = arith.constant 2 : index
    %get3A_1065 = arith.constant 0 : index
    %get3A_1066 = vector.load %arg1[%get3A_1062, %get3A_1063, %get3A_1064, %get3A_1065] : memref<1x16x130x170xf32, #tpu.memory_space<vmem>>, vector<1x1x128x168xf32>
    %get3A_1067 = vector.shape_cast %get3A_1066 : vector<1x1x128x168xf32> to vector<128x168xf32>
    %slice3A_1068 = vector.extract_strided_slice %get3A_2 {offsets = [10, 2, 0], sizes = [1, 1, 1], strides = [1, 1, 1]} : vector<16x3x3xf32> to vector<1x1x1xf32>
    %squeeze3A_1069 = vector.extract %slice3A_1068[0, 0, 0] : f32 from vector<1x1x1xf32>
    %mul3A_1070 = vector.broadcast %squeeze3A_1069 : f32 to vector<128x168xf32>
    %mul3A_1071 = arith.mulf %get3A_1067, %mul3A_1070 : vector<128x168xf32>
    %add3A_1072 = arith.addf %add3A_1061, %mul3A_1071 : vector<128x168xf32>
    %get3A_1073 = arith.constant 0 : index
    %get3A_1074 = arith.constant 10 : index
    %get3A_1075 = arith.constant 2 : index
    %get3A_1076 = arith.constant 1 : index
    %get3A_1077 = vector.load %arg1[%get3A_1073, %get3A_1074, %get3A_1075, %get3A_1076] : memref<1x16x130x170xf32, #tpu.memory_space<vmem>>, vector<1x1x128x168xf32>
    %get3A_1078 = vector.shape_cast %get3A_1077 : vector<1x1x128x168xf32> to vector<128x168xf32>
    %slice3A_1079 = vector.extract_strided_slice %get3A_2 {offsets = [10, 2, 1], sizes = [1, 1, 1], strides = [1, 1, 1]} : vector<16x3x3xf32> to vector<1x1x1xf32>
    %squeeze3A_1080 = vector.extract %slice3A_1079[0, 0, 0] : f32 from vector<1x1x1xf32>
    %mul3A_1081 = vector.broadcast %squeeze3A_1080 : f32 to vector<128x168xf32>
    %mul3A_1082 = arith.mulf %get3A_1078, %mul3A_1081 : vector<128x168xf32>
    %add3A_1083 = arith.addf %add3A_1072, %mul3A_1082 : vector<128x168xf32>
    %get3A_1084 = arith.constant 0 : index
    %get3A_1085 = arith.constant 10 : index
    %get3A_1086 = arith.constant 2 : index
    %get3A_1087 = arith.constant 2 : index
    %get3A_1088 = vector.load %arg1[%get3A_1084, %get3A_1085, %get3A_1086, %get3A_1087] : memref<1x16x130x170xf32, #tpu.memory_space<vmem>>, vector<1x1x128x168xf32>
    %get3A_1089 = vector.shape_cast %get3A_1088 : vector<1x1x128x168xf32> to vector<128x168xf32>
    %slice3A_1090 = vector.extract_strided_slice %get3A_2 {offsets = [10, 2, 2], sizes = [1, 1, 1], strides = [1, 1, 1]} : vector<16x3x3xf32> to vector<1x1x1xf32>
    %squeeze3A_1091 = vector.extract %slice3A_1090[0, 0, 0] : f32 from vector<1x1x1xf32>
    %mul3A_1092 = vector.broadcast %squeeze3A_1091 : f32 to vector<128x168xf32>
    %mul3A_1093 = arith.mulf %get3A_1089, %mul3A_1092 : vector<128x168xf32>
    %add3A_1094 = arith.addf %add3A_1083, %mul3A_1093 : vector<128x168xf32>
    %get3A_1095 = arith.constant 0 : index
    %get3A_1096 = arith.constant 11 : index
    %get3A_1097 = arith.constant 0 : index
    %get3A_1098 = arith.constant 0 : index
    %get3A_1099 = vector.load %arg1[%get3A_1095, %get3A_1096, %get3A_1097, %get3A_1098] : memref<1x16x130x170xf32, #tpu.memory_space<vmem>>, vector<1x1x128x168xf32>
    %get3A_1100 = vector.shape_cast %get3A_1099 : vector<1x1x128x168xf32> to vector<128x168xf32>
    %slice3A_1101 = vector.extract_strided_slice %get3A_2 {offsets = [11, 0, 0], sizes = [1, 1, 1], strides = [1, 1, 1]} : vector<16x3x3xf32> to vector<1x1x1xf32>
    %squeeze3A_1102 = vector.extract %slice3A_1101[0, 0, 0] : f32 from vector<1x1x1xf32>
    %mul3A_1103 = vector.broadcast %squeeze3A_1102 : f32 to vector<128x168xf32>
    %mul3A_1104 = arith.mulf %get3A_1100, %mul3A_1103 : vector<128x168xf32>
    %add3A_1105 = arith.addf %add3A_1094, %mul3A_1104 : vector<128x168xf32>
    %get3A_1106 = arith.constant 0 : index
    %get3A_1107 = arith.constant 11 : index
    %get3A_1108 = arith.constant 0 : index
    %get3A_1109 = arith.constant 1 : index
    %get3A_1110 = vector.load %arg1[%get3A_1106, %get3A_1107, %get3A_1108, %get3A_1109] : memref<1x16x130x170xf32, #tpu.memory_space<vmem>>, vector<1x1x128x168xf32>
    %get3A_1111 = vector.shape_cast %get3A_1110 : vector<1x1x128x168xf32> to vector<128x168xf32>
    %slice3A_1112 = vector.extract_strided_slice %get3A_2 {offsets = [11, 0, 1], sizes = [1, 1, 1], strides = [1, 1, 1]} : vector<16x3x3xf32> to vector<1x1x1xf32>
    %squeeze3A_1113 = vector.extract %slice3A_1112[0, 0, 0] : f32 from vector<1x1x1xf32>
    %mul3A_1114 = vector.broadcast %squeeze3A_1113 : f32 to vector<128x168xf32>
    %mul3A_1115 = arith.mulf %get3A_1111, %mul3A_1114 : vector<128x168xf32>
    %add3A_1116 = arith.addf %add3A_1105, %mul3A_1115 : vector<128x168xf32>
    %get3A_1117 = arith.constant 0 : index
    %get3A_1118 = arith.constant 11 : index
    %get3A_1119 = arith.constant 0 : index
    %get3A_1120 = arith.constant 2 : index
    %get3A_1121 = vector.load %arg1[%get3A_1117, %get3A_1118, %get3A_1119, %get3A_1120] : memref<1x16x130x170xf32, #tpu.memory_space<vmem>>, vector<1x1x128x168xf32>
    %get3A_1122 = vector.shape_cast %get3A_1121 : vector<1x1x128x168xf32> to vector<128x168xf32>
    %slice3A_1123 = vector.extract_strided_slice %get3A_2 {offsets = [11, 0, 2], sizes = [1, 1, 1], strides = [1, 1, 1]} : vector<16x3x3xf32> to vector<1x1x1xf32>
    %squeeze3A_1124 = vector.extract %slice3A_1123[0, 0, 0] : f32 from vector<1x1x1xf32>
    %mul3A_1125 = vector.broadcast %squeeze3A_1124 : f32 to vector<128x168xf32>
    %mul3A_1126 = arith.mulf %get3A_1122, %mul3A_1125 : vector<128x168xf32>
    %add3A_1127 = arith.addf %add3A_1116, %mul3A_1126 : vector<128x168xf32>
    %get3A_1128 = arith.constant 0 : index
    %get3A_1129 = arith.constant 11 : index
    %get3A_1130 = arith.constant 1 : index
    %get3A_1131 = arith.constant 0 : index
    %get3A_1132 = vector.load %arg1[%get3A_1128, %get3A_1129, %get3A_1130, %get3A_1131] : memref<1x16x130x170xf32, #tpu.memory_space<vmem>>, vector<1x1x128x168xf32>
    %get3A_1133 = vector.shape_cast %get3A_1132 : vector<1x1x128x168xf32> to vector<128x168xf32>
    %slice3A_1134 = vector.extract_strided_slice %get3A_2 {offsets = [11, 1, 0], sizes = [1, 1, 1], strides = [1, 1, 1]} : vector<16x3x3xf32> to vector<1x1x1xf32>
    %squeeze3A_1135 = vector.extract %slice3A_1134[0, 0, 0] : f32 from vector<1x1x1xf32>
    %mul3A_1136 = vector.broadcast %squeeze3A_1135 : f32 to vector<128x168xf32>
    %mul3A_1137 = arith.mulf %get3A_1133, %mul3A_1136 : vector<128x168xf32>
    %add3A_1138 = arith.addf %add3A_1127, %mul3A_1137 : vector<128x168xf32>
    %get3A_1139 = arith.constant 0 : index
    %get3A_1140 = arith.constant 11 : index
    %get3A_1141 = arith.constant 1 : index
    %get3A_1142 = arith.constant 1 : index
    %get3A_1143 = vector.load %arg1[%get3A_1139, %get3A_1140, %get3A_1141, %get3A_1142] : memref<1x16x130x170xf32, #tpu.memory_space<vmem>>, vector<1x1x128x168xf32>
    %get3A_1144 = vector.shape_cast %get3A_1143 : vector<1x1x128x168xf32> to vector<128x168xf32>
    %slice3A_1145 = vector.extract_strided_slice %get3A_2 {offsets = [11, 1, 1], sizes = [1, 1, 1], strides = [1, 1, 1]} : vector<16x3x3xf32> to vector<1x1x1xf32>
    %squeeze3A_1146 = vector.extract %slice3A_1145[0, 0, 0] : f32 from vector<1x1x1xf32>
    %mul3A_1147 = vector.broadcast %squeeze3A_1146 : f32 to vector<128x168xf32>
    %mul3A_1148 = arith.mulf %get3A_1144, %mul3A_1147 : vector<128x168xf32>
    %add3A_1149 = arith.addf %add3A_1138, %mul3A_1148 : vector<128x168xf32>
    %get3A_1150 = arith.constant 0 : index
    %get3A_1151 = arith.constant 11 : index
    %get3A_1152 = arith.constant 1 : index
    %get3A_1153 = arith.constant 2 : index
    %get3A_1154 = vector.load %arg1[%get3A_1150, %get3A_1151, %get3A_1152, %get3A_1153] : memref<1x16x130x170xf32, #tpu.memory_space<vmem>>, vector<1x1x128x168xf32>
    %get3A_1155 = vector.shape_cast %get3A_1154 : vector<1x1x128x168xf32> to vector<128x168xf32>
    %slice3A_1156 = vector.extract_strided_slice %get3A_2 {offsets = [11, 1, 2], sizes = [1, 1, 1], strides = [1, 1, 1]} : vector<16x3x3xf32> to vector<1x1x1xf32>
    %squeeze3A_1157 = vector.extract %slice3A_1156[0, 0, 0] : f32 from vector<1x1x1xf32>
    %mul3A_1158 = vector.broadcast %squeeze3A_1157 : f32 to vector<128x168xf32>
    %mul3A_1159 = arith.mulf %get3A_1155, %mul3A_1158 : vector<128x168xf32>
    %add3A_1160 = arith.addf %add3A_1149, %mul3A_1159 : vector<128x168xf32>
    %get3A_1161 = arith.constant 0 : index
    %get3A_1162 = arith.constant 11 : index
    %get3A_1163 = arith.constant 2 : index
    %get3A_1164 = arith.constant 0 : index
    %get3A_1165 = vector.load %arg1[%get3A_1161, %get3A_1162, %get3A_1163, %get3A_1164] : memref<1x16x130x170xf32, #tpu.memory_space<vmem>>, vector<1x1x128x168xf32>
    %get3A_1166 = vector.shape_cast %get3A_1165 : vector<1x1x128x168xf32> to vector<128x168xf32>
    %slice3A_1167 = vector.extract_strided_slice %get3A_2 {offsets = [11, 2, 0], sizes = [1, 1, 1], strides = [1, 1, 1]} : vector<16x3x3xf32> to vector<1x1x1xf32>
    %squeeze3A_1168 = vector.extract %slice3A_1167[0, 0, 0] : f32 from vector<1x1x1xf32>
    %mul3A_1169 = vector.broadcast %squeeze3A_1168 : f32 to vector<128x168xf32>
    %mul3A_1170 = arith.mulf %get3A_1166, %mul3A_1169 : vector<128x168xf32>
    %add3A_1171 = arith.addf %add3A_1160, %mul3A_1170 : vector<128x168xf32>
    %get3A_1172 = arith.constant 0 : index
    %get3A_1173 = arith.constant 11 : index
    %get3A_1174 = arith.constant 2 : index
    %get3A_1175 = arith.constant 1 : index
    %get3A_1176 = vector.load %arg1[%get3A_1172, %get3A_1173, %get3A_1174, %get3A_1175] : memref<1x16x130x170xf32, #tpu.memory_space<vmem>>, vector<1x1x128x168xf32>
    %get3A_1177 = vector.shape_cast %get3A_1176 : vector<1x1x128x168xf32> to vector<128x168xf32>
    %slice3A_1178 = vector.extract_strided_slice %get3A_2 {offsets = [11, 2, 1], sizes = [1, 1, 1], strides = [1, 1, 1]} : vector<16x3x3xf32> to vector<1x1x1xf32>
    %squeeze3A_1179 = vector.extract %slice3A_1178[0, 0, 0] : f32 from vector<1x1x1xf32>
    %mul3A_1180 = vector.broadcast %squeeze3A_1179 : f32 to vector<128x168xf32>
    %mul3A_1181 = arith.mulf %get3A_1177, %mul3A_1180 : vector<128x168xf32>
    %add3A_1182 = arith.addf %add3A_1171, %mul3A_1181 : vector<128x168xf32>
    %get3A_1183 = arith.constant 0 : index
    %get3A_1184 = arith.constant 11 : index
    %get3A_1185 = arith.constant 2 : index
    %get3A_1186 = arith.constant 2 : index
    %get3A_1187 = vector.load %arg1[%get3A_1183, %get3A_1184, %get3A_1185, %get3A_1186] : memref<1x16x130x170xf32, #tpu.memory_space<vmem>>, vector<1x1x128x168xf32>
    %get3A_1188 = vector.shape_cast %get3A_1187 : vector<1x1x128x168xf32> to vector<128x168xf32>
    %slice3A_1189 = vector.extract_strided_slice %get3A_2 {offsets = [11, 2, 2], sizes = [1, 1, 1], strides = [1, 1, 1]} : vector<16x3x3xf32> to vector<1x1x1xf32>
    %squeeze3A_1190 = vector.extract %slice3A_1189[0, 0, 0] : f32 from vector<1x1x1xf32>
    %mul3A_1191 = vector.broadcast %squeeze3A_1190 : f32 to vector<128x168xf32>
    %mul3A_1192 = arith.mulf %get3A_1188, %mul3A_1191 : vector<128x168xf32>
    %add3A_1193 = arith.addf %add3A_1182, %mul3A_1192 : vector<128x168xf32>
    %get3A_1194 = arith.constant 0 : index
    %get3A_1195 = arith.constant 12 : index
    %get3A_1196 = arith.constant 0 : index
    %get3A_1197 = arith.constant 0 : index
    %get3A_1198 = vector.load %arg1[%get3A_1194, %get3A_1195, %get3A_1196, %get3A_1197] : memref<1x16x130x170xf32, #tpu.memory_space<vmem>>, vector<1x1x128x168xf32>
    %get3A_1199 = vector.shape_cast %get3A_1198 : vector<1x1x128x168xf32> to vector<128x168xf32>
    %slice3A_1200 = vector.extract_strided_slice %get3A_2 {offsets = [12, 0, 0], sizes = [1, 1, 1], strides = [1, 1, 1]} : vector<16x3x3xf32> to vector<1x1x1xf32>
    %squeeze3A_1201 = vector.extract %slice3A_1200[0, 0, 0] : f32 from vector<1x1x1xf32>
    %mul3A_1202 = vector.broadcast %squeeze3A_1201 : f32 to vector<128x168xf32>
    %mul3A_1203 = arith.mulf %get3A_1199, %mul3A_1202 : vector<128x168xf32>
    %add3A_1204 = arith.addf %add3A_1193, %mul3A_1203 : vector<128x168xf32>
    %get3A_1205 = arith.constant 0 : index
    %get3A_1206 = arith.constant 12 : index
    %get3A_1207 = arith.constant 0 : index
    %get3A_1208 = arith.constant 1 : index
    %get3A_1209 = vector.load %arg1[%get3A_1205, %get3A_1206, %get3A_1207, %get3A_1208] : memref<1x16x130x170xf32, #tpu.memory_space<vmem>>, vector<1x1x128x168xf32>
    %get3A_1210 = vector.shape_cast %get3A_1209 : vector<1x1x128x168xf32> to vector<128x168xf32>
    %slice3A_1211 = vector.extract_strided_slice %get3A_2 {offsets = [12, 0, 1], sizes = [1, 1, 1], strides = [1, 1, 1]} : vector<16x3x3xf32> to vector<1x1x1xf32>
    %squeeze3A_1212 = vector.extract %slice3A_1211[0, 0, 0] : f32 from vector<1x1x1xf32>
    %mul3A_1213 = vector.broadcast %squeeze3A_1212 : f32 to vector<128x168xf32>
    %mul3A_1214 = arith.mulf %get3A_1210, %mul3A_1213 : vector<128x168xf32>
    %add3A_1215 = arith.addf %add3A_1204, %mul3A_1214 : vector<128x168xf32>
    %get3A_1216 = arith.constant 0 : index
    %get3A_1217 = arith.constant 12 : index
    %get3A_1218 = arith.constant 0 : index
    %get3A_1219 = arith.constant 2 : index
    %get3A_1220 = vector.load %arg1[%get3A_1216, %get3A_1217, %get3A_1218, %get3A_1219] : memref<1x16x130x170xf32, #tpu.memory_space<vmem>>, vector<1x1x128x168xf32>
    %get3A_1221 = vector.shape_cast %get3A_1220 : vector<1x1x128x168xf32> to vector<128x168xf32>
    %slice3A_1222 = vector.extract_strided_slice %get3A_2 {offsets = [12, 0, 2], sizes = [1, 1, 1], strides = [1, 1, 1]} : vector<16x3x3xf32> to vector<1x1x1xf32>
    %squeeze3A_1223 = vector.extract %slice3A_1222[0, 0, 0] : f32 from vector<1x1x1xf32>
    %mul3A_1224 = vector.broadcast %squeeze3A_1223 : f32 to vector<128x168xf32>
    %mul3A_1225 = arith.mulf %get3A_1221, %mul3A_1224 : vector<128x168xf32>
    %add3A_1226 = arith.addf %add3A_1215, %mul3A_1225 : vector<128x168xf32>
    %get3A_1227 = arith.constant 0 : index
    %get3A_1228 = arith.constant 12 : index
    %get3A_1229 = arith.constant 1 : index
    %get3A_1230 = arith.constant 0 : index
    %get3A_1231 = vector.load %arg1[%get3A_1227, %get3A_1228, %get3A_1229, %get3A_1230] : memref<1x16x130x170xf32, #tpu.memory_space<vmem>>, vector<1x1x128x168xf32>
    %get3A_1232 = vector.shape_cast %get3A_1231 : vector<1x1x128x168xf32> to vector<128x168xf32>
    %slice3A_1233 = vector.extract_strided_slice %get3A_2 {offsets = [12, 1, 0], sizes = [1, 1, 1], strides = [1, 1, 1]} : vector<16x3x3xf32> to vector<1x1x1xf32>
    %squeeze3A_1234 = vector.extract %slice3A_1233[0, 0, 0] : f32 from vector<1x1x1xf32>
    %mul3A_1235 = vector.broadcast %squeeze3A_1234 : f32 to vector<128x168xf32>
    %mul3A_1236 = arith.mulf %get3A_1232, %mul3A_1235 : vector<128x168xf32>
    %add3A_1237 = arith.addf %add3A_1226, %mul3A_1236 : vector<128x168xf32>
    %get3A_1238 = arith.constant 0 : index
    %get3A_1239 = arith.constant 12 : index
    %get3A_1240 = arith.constant 1 : index
    %get3A_1241 = arith.constant 1 : index
    %get3A_1242 = vector.load %arg1[%get3A_1238, %get3A_1239, %get3A_1240, %get3A_1241] : memref<1x16x130x170xf32, #tpu.memory_space<vmem>>, vector<1x1x128x168xf32>
    %get3A_1243 = vector.shape_cast %get3A_1242 : vector<1x1x128x168xf32> to vector<128x168xf32>
    %slice3A_1244 = vector.extract_strided_slice %get3A_2 {offsets = [12, 1, 1], sizes = [1, 1, 1], strides = [1, 1, 1]} : vector<16x3x3xf32> to vector<1x1x1xf32>
    %squeeze3A_1245 = vector.extract %slice3A_1244[0, 0, 0] : f32 from vector<1x1x1xf32>
    %mul3A_1246 = vector.broadcast %squeeze3A_1245 : f32 to vector<128x168xf32>
    %mul3A_1247 = arith.mulf %get3A_1243, %mul3A_1246 : vector<128x168xf32>
    %add3A_1248 = arith.addf %add3A_1237, %mul3A_1247 : vector<128x168xf32>
    %get3A_1249 = arith.constant 0 : index
    %get3A_1250 = arith.constant 12 : index
    %get3A_1251 = arith.constant 1 : index
    %get3A_1252 = arith.constant 2 : index
    %get3A_1253 = vector.load %arg1[%get3A_1249, %get3A_1250, %get3A_1251, %get3A_1252] : memref<1x16x130x170xf32, #tpu.memory_space<vmem>>, vector<1x1x128x168xf32>
    %get3A_1254 = vector.shape_cast %get3A_1253 : vector<1x1x128x168xf32> to vector<128x168xf32>
    %slice3A_1255 = vector.extract_strided_slice %get3A_2 {offsets = [12, 1, 2], sizes = [1, 1, 1], strides = [1, 1, 1]} : vector<16x3x3xf32> to vector<1x1x1xf32>
    %squeeze3A_1256 = vector.extract %slice3A_1255[0, 0, 0] : f32 from vector<1x1x1xf32>
    %mul3A_1257 = vector.broadcast %squeeze3A_1256 : f32 to vector<128x168xf32>
    %mul3A_1258 = arith.mulf %get3A_1254, %mul3A_1257 : vector<128x168xf32>
    %add3A_1259 = arith.addf %add3A_1248, %mul3A_1258 : vector<128x168xf32>
    %get3A_1260 = arith.constant 0 : index
    %get3A_1261 = arith.constant 12 : index
    %get3A_1262 = arith.constant 2 : index
    %get3A_1263 = arith.constant 0 : index
    %get3A_1264 = vector.load %arg1[%get3A_1260, %get3A_1261, %get3A_1262, %get3A_1263] : memref<1x16x130x170xf32, #tpu.memory_space<vmem>>, vector<1x1x128x168xf32>
    %get3A_1265 = vector.shape_cast %get3A_1264 : vector<1x1x128x168xf32> to vector<128x168xf32>
    %slice3A_1266 = vector.extract_strided_slice %get3A_2 {offsets = [12, 2, 0], sizes = [1, 1, 1], strides = [1, 1, 1]} : vector<16x3x3xf32> to vector<1x1x1xf32>
    %squeeze3A_1267 = vector.extract %slice3A_1266[0, 0, 0] : f32 from vector<1x1x1xf32>
    %mul3A_1268 = vector.broadcast %squeeze3A_1267 : f32 to vector<128x168xf32>
    %mul3A_1269 = arith.mulf %get3A_1265, %mul3A_1268 : vector<128x168xf32>
    %add3A_1270 = arith.addf %add3A_1259, %mul3A_1269 : vector<128x168xf32>
    %get3A_1271 = arith.constant 0 : index
    %get3A_1272 = arith.constant 12 : index
    %get3A_1273 = arith.constant 2 : index
    %get3A_1274 = arith.constant 1 : index
    %get3A_1275 = vector.load %arg1[%get3A_1271, %get3A_1272, %get3A_1273, %get3A_1274] : memref<1x16x130x170xf32, #tpu.memory_space<vmem>>, vector<1x1x128x168xf32>
    %get3A_1276 = vector.shape_cast %get3A_1275 : vector<1x1x128x168xf32> to vector<128x168xf32>
    %slice3A_1277 = vector.extract_strided_slice %get3A_2 {offsets = [12, 2, 1], sizes = [1, 1, 1], strides = [1, 1, 1]} : vector<16x3x3xf32> to vector<1x1x1xf32>
    %squeeze3A_1278 = vector.extract %slice3A_1277[0, 0, 0] : f32 from vector<1x1x1xf32>
    %mul3A_1279 = vector.broadcast %squeeze3A_1278 : f32 to vector<128x168xf32>
    %mul3A_1280 = arith.mulf %get3A_1276, %mul3A_1279 : vector<128x168xf32>
    %add3A_1281 = arith.addf %add3A_1270, %mul3A_1280 : vector<128x168xf32>
    %get3A_1282 = arith.constant 0 : index
    %get3A_1283 = arith.constant 12 : index
    %get3A_1284 = arith.constant 2 : index
    %get3A_1285 = arith.constant 2 : index
    %get3A_1286 = vector.load %arg1[%get3A_1282, %get3A_1283, %get3A_1284, %get3A_1285] : memref<1x16x130x170xf32, #tpu.memory_space<vmem>>, vector<1x1x128x168xf32>
    %get3A_1287 = vector.shape_cast %get3A_1286 : vector<1x1x128x168xf32> to vector<128x168xf32>
    %slice3A_1288 = vector.extract_strided_slice %get3A_2 {offsets = [12, 2, 2], sizes = [1, 1, 1], strides = [1, 1, 1]} : vector<16x3x3xf32> to vector<1x1x1xf32>
    %squeeze3A_1289 = vector.extract %slice3A_1288[0, 0, 0] : f32 from vector<1x1x1xf32>
    %mul3A_1290 = vector.broadcast %squeeze3A_1289 : f32 to vector<128x168xf32>
    %mul3A_1291 = arith.mulf %get3A_1287, %mul3A_1290 : vector<128x168xf32>
    %add3A_1292 = arith.addf %add3A_1281, %mul3A_1291 : vector<128x168xf32>
    %get3A_1293 = arith.constant 0 : index
    %get3A_1294 = arith.constant 13 : index
    %get3A_1295 = arith.constant 0 : index
    %get3A_1296 = arith.constant 0 : index
    %get3A_1297 = vector.load %arg1[%get3A_1293, %get3A_1294, %get3A_1295, %get3A_1296] : memref<1x16x130x170xf32, #tpu.memory_space<vmem>>, vector<1x1x128x168xf32>
    %get3A_1298 = vector.shape_cast %get3A_1297 : vector<1x1x128x168xf32> to vector<128x168xf32>
    %slice3A_1299 = vector.extract_strided_slice %get3A_2 {offsets = [13, 0, 0], sizes = [1, 1, 1], strides = [1, 1, 1]} : vector<16x3x3xf32> to vector<1x1x1xf32>
    %squeeze3A_1300 = vector.extract %slice3A_1299[0, 0, 0] : f32 from vector<1x1x1xf32>
    %mul3A_1301 = vector.broadcast %squeeze3A_1300 : f32 to vector<128x168xf32>
    %mul3A_1302 = arith.mulf %get3A_1298, %mul3A_1301 : vector<128x168xf32>
    %add3A_1303 = arith.addf %add3A_1292, %mul3A_1302 : vector<128x168xf32>
    %get3A_1304 = arith.constant 0 : index
    %get3A_1305 = arith.constant 13 : index
    %get3A_1306 = arith.constant 0 : index
    %get3A_1307 = arith.constant 1 : index
    %get3A_1308 = vector.load %arg1[%get3A_1304, %get3A_1305, %get3A_1306, %get3A_1307] : memref<1x16x130x170xf32, #tpu.memory_space<vmem>>, vector<1x1x128x168xf32>
    %get3A_1309 = vector.shape_cast %get3A_1308 : vector<1x1x128x168xf32> to vector<128x168xf32>
    %slice3A_1310 = vector.extract_strided_slice %get3A_2 {offsets = [13, 0, 1], sizes = [1, 1, 1], strides = [1, 1, 1]} : vector<16x3x3xf32> to vector<1x1x1xf32>
    %squeeze3A_1311 = vector.extract %slice3A_1310[0, 0, 0] : f32 from vector<1x1x1xf32>
    %mul3A_1312 = vector.broadcast %squeeze3A_1311 : f32 to vector<128x168xf32>
    %mul3A_1313 = arith.mulf %get3A_1309, %mul3A_1312 : vector<128x168xf32>
    %add3A_1314 = arith.addf %add3A_1303, %mul3A_1313 : vector<128x168xf32>
    %get3A_1315 = arith.constant 0 : index
    %get3A_1316 = arith.constant 13 : index
    %get3A_1317 = arith.constant 0 : index
    %get3A_1318 = arith.constant 2 : index
    %get3A_1319 = vector.load %arg1[%get3A_1315, %get3A_1316, %get3A_1317, %get3A_1318] : memref<1x16x130x170xf32, #tpu.memory_space<vmem>>, vector<1x1x128x168xf32>
    %get3A_1320 = vector.shape_cast %get3A_1319 : vector<1x1x128x168xf32> to vector<128x168xf32>
    %slice3A_1321 = vector.extract_strided_slice %get3A_2 {offsets = [13, 0, 2], sizes = [1, 1, 1], strides = [1, 1, 1]} : vector<16x3x3xf32> to vector<1x1x1xf32>
    %squeeze3A_1322 = vector.extract %slice3A_1321[0, 0, 0] : f32 from vector<1x1x1xf32>
    %mul3A_1323 = vector.broadcast %squeeze3A_1322 : f32 to vector<128x168xf32>
    %mul3A_1324 = arith.mulf %get3A_1320, %mul3A_1323 : vector<128x168xf32>
    %add3A_1325 = arith.addf %add3A_1314, %mul3A_1324 : vector<128x168xf32>
    %get3A_1326 = arith.constant 0 : index
    %get3A_1327 = arith.constant 13 : index
    %get3A_1328 = arith.constant 1 : index
    %get3A_1329 = arith.constant 0 : index
    %get3A_1330 = vector.load %arg1[%get3A_1326, %get3A_1327, %get3A_1328, %get3A_1329] : memref<1x16x130x170xf32, #tpu.memory_space<vmem>>, vector<1x1x128x168xf32>
    %get3A_1331 = vector.shape_cast %get3A_1330 : vector<1x1x128x168xf32> to vector<128x168xf32>
    %slice3A_1332 = vector.extract_strided_slice %get3A_2 {offsets = [13, 1, 0], sizes = [1, 1, 1], strides = [1, 1, 1]} : vector<16x3x3xf32> to vector<1x1x1xf32>
    %squeeze3A_1333 = vector.extract %slice3A_1332[0, 0, 0] : f32 from vector<1x1x1xf32>
    %mul3A_1334 = vector.broadcast %squeeze3A_1333 : f32 to vector<128x168xf32>
    %mul3A_1335 = arith.mulf %get3A_1331, %mul3A_1334 : vector<128x168xf32>
    %add3A_1336 = arith.addf %add3A_1325, %mul3A_1335 : vector<128x168xf32>
    %get3A_1337 = arith.constant 0 : index
    %get3A_1338 = arith.constant 13 : index
    %get3A_1339 = arith.constant 1 : index
    %get3A_1340 = arith.constant 1 : index
    %get3A_1341 = vector.load %arg1[%get3A_1337, %get3A_1338, %get3A_1339, %get3A_1340] : memref<1x16x130x170xf32, #tpu.memory_space<vmem>>, vector<1x1x128x168xf32>
    %get3A_1342 = vector.shape_cast %get3A_1341 : vector<1x1x128x168xf32> to vector<128x168xf32>
    %slice3A_1343 = vector.extract_strided_slice %get3A_2 {offsets = [13, 1, 1], sizes = [1, 1, 1], strides = [1, 1, 1]} : vector<16x3x3xf32> to vector<1x1x1xf32>
    %squeeze3A_1344 = vector.extract %slice3A_1343[0, 0, 0] : f32 from vector<1x1x1xf32>
    %mul3A_1345 = vector.broadcast %squeeze3A_1344 : f32 to vector<128x168xf32>
    %mul3A_1346 = arith.mulf %get3A_1342, %mul3A_1345 : vector<128x168xf32>
    %add3A_1347 = arith.addf %add3A_1336, %mul3A_1346 : vector<128x168xf32>
    %get3A_1348 = arith.constant 0 : index
    %get3A_1349 = arith.constant 13 : index
    %get3A_1350 = arith.constant 1 : index
    %get3A_1351 = arith.constant 2 : index
    %get3A_1352 = vector.load %arg1[%get3A_1348, %get3A_1349, %get3A_1350, %get3A_1351] : memref<1x16x130x170xf32, #tpu.memory_space<vmem>>, vector<1x1x128x168xf32>
    %get3A_1353 = vector.shape_cast %get3A_1352 : vector<1x1x128x168xf32> to vector<128x168xf32>
    %slice3A_1354 = vector.extract_strided_slice %get3A_2 {offsets = [13, 1, 2], sizes = [1, 1, 1], strides = [1, 1, 1]} : vector<16x3x3xf32> to vector<1x1x1xf32>
    %squeeze3A_1355 = vector.extract %slice3A_1354[0, 0, 0] : f32 from vector<1x1x1xf32>
    %mul3A_1356 = vector.broadcast %squeeze3A_1355 : f32 to vector<128x168xf32>
    %mul3A_1357 = arith.mulf %get3A_1353, %mul3A_1356 : vector<128x168xf32>
    %add3A_1358 = arith.addf %add3A_1347, %mul3A_1357 : vector<128x168xf32>
    %get3A_1359 = arith.constant 0 : index
    %get3A_1360 = arith.constant 13 : index
    %get3A_1361 = arith.constant 2 : index
    %get3A_1362 = arith.constant 0 : index
    %get3A_1363 = vector.load %arg1[%get3A_1359, %get3A_1360, %get3A_1361, %get3A_1362] : memref<1x16x130x170xf32, #tpu.memory_space<vmem>>, vector<1x1x128x168xf32>
    %get3A_1364 = vector.shape_cast %get3A_1363 : vector<1x1x128x168xf32> to vector<128x168xf32>
    %slice3A_1365 = vector.extract_strided_slice %get3A_2 {offsets = [13, 2, 0], sizes = [1, 1, 1], strides = [1, 1, 1]} : vector<16x3x3xf32> to vector<1x1x1xf32>
    %squeeze3A_1366 = vector.extract %slice3A_1365[0, 0, 0] : f32 from vector<1x1x1xf32>
    %mul3A_1367 = vector.broadcast %squeeze3A_1366 : f32 to vector<128x168xf32>
    %mul3A_1368 = arith.mulf %get3A_1364, %mul3A_1367 : vector<128x168xf32>
    %add3A_1369 = arith.addf %add3A_1358, %mul3A_1368 : vector<128x168xf32>
    %get3A_1370 = arith.constant 0 : index
    %get3A_1371 = arith.constant 13 : index
    %get3A_1372 = arith.constant 2 : index
    %get3A_1373 = arith.constant 1 : index
    %get3A_1374 = vector.load %arg1[%get3A_1370, %get3A_1371, %get3A_1372, %get3A_1373] : memref<1x16x130x170xf32, #tpu.memory_space<vmem>>, vector<1x1x128x168xf32>
    %get3A_1375 = vector.shape_cast %get3A_1374 : vector<1x1x128x168xf32> to vector<128x168xf32>
    %slice3A_1376 = vector.extract_strided_slice %get3A_2 {offsets = [13, 2, 1], sizes = [1, 1, 1], strides = [1, 1, 1]} : vector<16x3x3xf32> to vector<1x1x1xf32>
    %squeeze3A_1377 = vector.extract %slice3A_1376[0, 0, 0] : f32 from vector<1x1x1xf32>
    %mul3A_1378 = vector.broadcast %squeeze3A_1377 : f32 to vector<128x168xf32>
    %mul3A_1379 = arith.mulf %get3A_1375, %mul3A_1378 : vector<128x168xf32>
    %add3A_1380 = arith.addf %add3A_1369, %mul3A_1379 : vector<128x168xf32>
    %get3A_1381 = arith.constant 0 : index
    %get3A_1382 = arith.constant 13 : index
    %get3A_1383 = arith.constant 2 : index
    %get3A_1384 = arith.constant 2 : index
    %get3A_1385 = vector.load %arg1[%get3A_1381, %get3A_1382, %get3A_1383, %get3A_1384] : memref<1x16x130x170xf32, #tpu.memory_space<vmem>>, vector<1x1x128x168xf32>
    %get3A_1386 = vector.shape_cast %get3A_1385 : vector<1x1x128x168xf32> to vector<128x168xf32>
    %slice3A_1387 = vector.extract_strided_slice %get3A_2 {offsets = [13, 2, 2], sizes = [1, 1, 1], strides = [1, 1, 1]} : vector<16x3x3xf32> to vector<1x1x1xf32>
    %squeeze3A_1388 = vector.extract %slice3A_1387[0, 0, 0] : f32 from vector<1x1x1xf32>
    %mul3A_1389 = vector.broadcast %squeeze3A_1388 : f32 to vector<128x168xf32>
    %mul3A_1390 = arith.mulf %get3A_1386, %mul3A_1389 : vector<128x168xf32>
    %add3A_1391 = arith.addf %add3A_1380, %mul3A_1390 : vector<128x168xf32>
    %get3A_1392 = arith.constant 0 : index
    %get3A_1393 = arith.constant 14 : index
    %get3A_1394 = arith.constant 0 : index
    %get3A_1395 = arith.constant 0 : index
    %get3A_1396 = vector.load %arg1[%get3A_1392, %get3A_1393, %get3A_1394, %get3A_1395] : memref<1x16x130x170xf32, #tpu.memory_space<vmem>>, vector<1x1x128x168xf32>
    %get3A_1397 = vector.shape_cast %get3A_1396 : vector<1x1x128x168xf32> to vector<128x168xf32>
    %slice3A_1398 = vector.extract_strided_slice %get3A_2 {offsets = [14, 0, 0], sizes = [1, 1, 1], strides = [1, 1, 1]} : vector<16x3x3xf32> to vector<1x1x1xf32>
    %squeeze3A_1399 = vector.extract %slice3A_1398[0, 0, 0] : f32 from vector<1x1x1xf32>
    %mul3A_1400 = vector.broadcast %squeeze3A_1399 : f32 to vector<128x168xf32>
    %mul3A_1401 = arith.mulf %get3A_1397, %mul3A_1400 : vector<128x168xf32>
    %add3A_1402 = arith.addf %add3A_1391, %mul3A_1401 : vector<128x168xf32>
    %get3A_1403 = arith.constant 0 : index
    %get3A_1404 = arith.constant 14 : index
    %get3A_1405 = arith.constant 0 : index
    %get3A_1406 = arith.constant 1 : index
    %get3A_1407 = vector.load %arg1[%get3A_1403, %get3A_1404, %get3A_1405, %get3A_1406] : memref<1x16x130x170xf32, #tpu.memory_space<vmem>>, vector<1x1x128x168xf32>
    %get3A_1408 = vector.shape_cast %get3A_1407 : vector<1x1x128x168xf32> to vector<128x168xf32>
    %slice3A_1409 = vector.extract_strided_slice %get3A_2 {offsets = [14, 0, 1], sizes = [1, 1, 1], strides = [1, 1, 1]} : vector<16x3x3xf32> to vector<1x1x1xf32>
    %squeeze3A_1410 = vector.extract %slice3A_1409[0, 0, 0] : f32 from vector<1x1x1xf32>
    %mul3A_1411 = vector.broadcast %squeeze3A_1410 : f32 to vector<128x168xf32>
    %mul3A_1412 = arith.mulf %get3A_1408, %mul3A_1411 : vector<128x168xf32>
    %add3A_1413 = arith.addf %add3A_1402, %mul3A_1412 : vector<128x168xf32>
    %get3A_1414 = arith.constant 0 : index
    %get3A_1415 = arith.constant 14 : index
    %get3A_1416 = arith.constant 0 : index
    %get3A_1417 = arith.constant 2 : index
    %get3A_1418 = vector.load %arg1[%get3A_1414, %get3A_1415, %get3A_1416, %get3A_1417] : memref<1x16x130x170xf32, #tpu.memory_space<vmem>>, vector<1x1x128x168xf32>
    %get3A_1419 = vector.shape_cast %get3A_1418 : vector<1x1x128x168xf32> to vector<128x168xf32>
    %slice3A_1420 = vector.extract_strided_slice %get3A_2 {offsets = [14, 0, 2], sizes = [1, 1, 1], strides = [1, 1, 1]} : vector<16x3x3xf32> to vector<1x1x1xf32>
    %squeeze3A_1421 = vector.extract %slice3A_1420[0, 0, 0] : f32 from vector<1x1x1xf32>
    %mul3A_1422 = vector.broadcast %squeeze3A_1421 : f32 to vector<128x168xf32>
    %mul3A_1423 = arith.mulf %get3A_1419, %mul3A_1422 : vector<128x168xf32>
    %add3A_1424 = arith.addf %add3A_1413, %mul3A_1423 : vector<128x168xf32>
    %get3A_1425 = arith.constant 0 : index
    %get3A_1426 = arith.constant 14 : index
    %get3A_1427 = arith.constant 1 : index
    %get3A_1428 = arith.constant 0 : index
    %get3A_1429 = vector.load %arg1[%get3A_1425, %get3A_1426, %get3A_1427, %get3A_1428] : memref<1x16x130x170xf32, #tpu.memory_space<vmem>>, vector<1x1x128x168xf32>
    %get3A_1430 = vector.shape_cast %get3A_1429 : vector<1x1x128x168xf32> to vector<128x168xf32>
    %slice3A_1431 = vector.extract_strided_slice %get3A_2 {offsets = [14, 1, 0], sizes = [1, 1, 1], strides = [1, 1, 1]} : vector<16x3x3xf32> to vector<1x1x1xf32>
    %squeeze3A_1432 = vector.extract %slice3A_1431[0, 0, 0] : f32 from vector<1x1x1xf32>
    %mul3A_1433 = vector.broadcast %squeeze3A_1432 : f32 to vector<128x168xf32>
    %mul3A_1434 = arith.mulf %get3A_1430, %mul3A_1433 : vector<128x168xf32>
    %add3A_1435 = arith.addf %add3A_1424, %mul3A_1434 : vector<128x168xf32>
    %get3A_1436 = arith.constant 0 : index
    %get3A_1437 = arith.constant 14 : index
    %get3A_1438 = arith.constant 1 : index
    %get3A_1439 = arith.constant 1 : index
    %get3A_1440 = vector.load %arg1[%get3A_1436, %get3A_1437, %get3A_1438, %get3A_1439] : memref<1x16x130x170xf32, #tpu.memory_space<vmem>>, vector<1x1x128x168xf32>
    %get3A_1441 = vector.shape_cast %get3A_1440 : vector<1x1x128x168xf32> to vector<128x168xf32>
    %slice3A_1442 = vector.extract_strided_slice %get3A_2 {offsets = [14, 1, 1], sizes = [1, 1, 1], strides = [1, 1, 1]} : vector<16x3x3xf32> to vector<1x1x1xf32>
    %squeeze3A_1443 = vector.extract %slice3A_1442[0, 0, 0] : f32 from vector<1x1x1xf32>
    %mul3A_1444 = vector.broadcast %squeeze3A_1443 : f32 to vector<128x168xf32>
    %mul3A_1445 = arith.mulf %get3A_1441, %mul3A_1444 : vector<128x168xf32>
    %add3A_1446 = arith.addf %add3A_1435, %mul3A_1445 : vector<128x168xf32>
    %get3A_1447 = arith.constant 0 : index
    %get3A_1448 = arith.constant 14 : index
    %get3A_1449 = arith.constant 1 : index
    %get3A_1450 = arith.constant 2 : index
    %get3A_1451 = vector.load %arg1[%get3A_1447, %get3A_1448, %get3A_1449, %get3A_1450] : memref<1x16x130x170xf32, #tpu.memory_space<vmem>>, vector<1x1x128x168xf32>
    %get3A_1452 = vector.shape_cast %get3A_1451 : vector<1x1x128x168xf32> to vector<128x168xf32>
    %slice3A_1453 = vector.extract_strided_slice %get3A_2 {offsets = [14, 1, 2], sizes = [1, 1, 1], strides = [1, 1, 1]} : vector<16x3x3xf32> to vector<1x1x1xf32>
    %squeeze3A_1454 = vector.extract %slice3A_1453[0, 0, 0] : f32 from vector<1x1x1xf32>
    %mul3A_1455 = vector.broadcast %squeeze3A_1454 : f32 to vector<128x168xf32>
    %mul3A_1456 = arith.mulf %get3A_1452, %mul3A_1455 : vector<128x168xf32>
    %add3A_1457 = arith.addf %add3A_1446, %mul3A_1456 : vector<128x168xf32>
    %get3A_1458 = arith.constant 0 : index
    %get3A_1459 = arith.constant 14 : index
    %get3A_1460 = arith.constant 2 : index
    %get3A_1461 = arith.constant 0 : index
    %get3A_1462 = vector.load %arg1[%get3A_1458, %get3A_1459, %get3A_1460, %get3A_1461] : memref<1x16x130x170xf32, #tpu.memory_space<vmem>>, vector<1x1x128x168xf32>
    %get3A_1463 = vector.shape_cast %get3A_1462 : vector<1x1x128x168xf32> to vector<128x168xf32>
    %slice3A_1464 = vector.extract_strided_slice %get3A_2 {offsets = [14, 2, 0], sizes = [1, 1, 1], strides = [1, 1, 1]} : vector<16x3x3xf32> to vector<1x1x1xf32>
    %squeeze3A_1465 = vector.extract %slice3A_1464[0, 0, 0] : f32 from vector<1x1x1xf32>
    %mul3A_1466 = vector.broadcast %squeeze3A_1465 : f32 to vector<128x168xf32>
    %mul3A_1467 = arith.mulf %get3A_1463, %mul3A_1466 : vector<128x168xf32>
    %add3A_1468 = arith.addf %add3A_1457, %mul3A_1467 : vector<128x168xf32>
    %get3A_1469 = arith.constant 0 : index
    %get3A_1470 = arith.constant 14 : index
    %get3A_1471 = arith.constant 2 : index
    %get3A_1472 = arith.constant 1 : index
    %get3A_1473 = vector.load %arg1[%get3A_1469, %get3A_1470, %get3A_1471, %get3A_1472] : memref<1x16x130x170xf32, #tpu.memory_space<vmem>>, vector<1x1x128x168xf32>
    %get3A_1474 = vector.shape_cast %get3A_1473 : vector<1x1x128x168xf32> to vector<128x168xf32>
    %slice3A_1475 = vector.extract_strided_slice %get3A_2 {offsets = [14, 2, 1], sizes = [1, 1, 1], strides = [1, 1, 1]} : vector<16x3x3xf32> to vector<1x1x1xf32>
    %squeeze3A_1476 = vector.extract %slice3A_1475[0, 0, 0] : f32 from vector<1x1x1xf32>
    %mul3A_1477 = vector.broadcast %squeeze3A_1476 : f32 to vector<128x168xf32>
    %mul3A_1478 = arith.mulf %get3A_1474, %mul3A_1477 : vector<128x168xf32>
    %add3A_1479 = arith.addf %add3A_1468, %mul3A_1478 : vector<128x168xf32>
    %get3A_1480 = arith.constant 0 : index
    %get3A_1481 = arith.constant 14 : index
    %get3A_1482 = arith.constant 2 : index
    %get3A_1483 = arith.constant 2 : index
    %get3A_1484 = vector.load %arg1[%get3A_1480, %get3A_1481, %get3A_1482, %get3A_1483] : memref<1x16x130x170xf32, #tpu.memory_space<vmem>>, vector<1x1x128x168xf32>
    %get3A_1485 = vector.shape_cast %get3A_1484 : vector<1x1x128x168xf32> to vector<128x168xf32>
    %slice3A_1486 = vector.extract_strided_slice %get3A_2 {offsets = [14, 2, 2], sizes = [1, 1, 1], strides = [1, 1, 1]} : vector<16x3x3xf32> to vector<1x1x1xf32>
    %squeeze3A_1487 = vector.extract %slice3A_1486[0, 0, 0] : f32 from vector<1x1x1xf32>
    %mul3A_1488 = vector.broadcast %squeeze3A_1487 : f32 to vector<128x168xf32>
    %mul3A_1489 = arith.mulf %get3A_1485, %mul3A_1488 : vector<128x168xf32>
    %add3A_1490 = arith.addf %add3A_1479, %mul3A_1489 : vector<128x168xf32>
    %get3A_1491 = arith.constant 0 : index
    %get3A_1492 = arith.constant 15 : index
    %get3A_1493 = arith.constant 0 : index
    %get3A_1494 = arith.constant 0 : index
    %get3A_1495 = vector.load %arg1[%get3A_1491, %get3A_1492, %get3A_1493, %get3A_1494] : memref<1x16x130x170xf32, #tpu.memory_space<vmem>>, vector<1x1x128x168xf32>
    %get3A_1496 = vector.shape_cast %get3A_1495 : vector<1x1x128x168xf32> to vector<128x168xf32>
    %slice3A_1497 = vector.extract_strided_slice %get3A_2 {offsets = [15, 0, 0], sizes = [1, 1, 1], strides = [1, 1, 1]} : vector<16x3x3xf32> to vector<1x1x1xf32>
    %squeeze3A_1498 = vector.extract %slice3A_1497[0, 0, 0] : f32 from vector<1x1x1xf32>
    %mul3A_1499 = vector.broadcast %squeeze3A_1498 : f32 to vector<128x168xf32>
    %mul3A_1500 = arith.mulf %get3A_1496, %mul3A_1499 : vector<128x168xf32>
    %add3A_1501 = arith.addf %add3A_1490, %mul3A_1500 : vector<128x168xf32>
    %get3A_1502 = arith.constant 0 : index
    %get3A_1503 = arith.constant 15 : index
    %get3A_1504 = arith.constant 0 : index
    %get3A_1505 = arith.constant 1 : index
    %get3A_1506 = vector.load %arg1[%get3A_1502, %get3A_1503, %get3A_1504, %get3A_1505] : memref<1x16x130x170xf32, #tpu.memory_space<vmem>>, vector<1x1x128x168xf32>
    %get3A_1507 = vector.shape_cast %get3A_1506 : vector<1x1x128x168xf32> to vector<128x168xf32>
    %slice3A_1508 = vector.extract_strided_slice %get3A_2 {offsets = [15, 0, 1], sizes = [1, 1, 1], strides = [1, 1, 1]} : vector<16x3x3xf32> to vector<1x1x1xf32>
    %squeeze3A_1509 = vector.extract %slice3A_1508[0, 0, 0] : f32 from vector<1x1x1xf32>
    %mul3A_1510 = vector.broadcast %squeeze3A_1509 : f32 to vector<128x168xf32>
    %mul3A_1511 = arith.mulf %get3A_1507, %mul3A_1510 : vector<128x168xf32>
    %add3A_1512 = arith.addf %add3A_1501, %mul3A_1511 : vector<128x168xf32>
    %get3A_1513 = arith.constant 0 : index
    %get3A_1514 = arith.constant 15 : index
    %get3A_1515 = arith.constant 0 : index
    %get3A_1516 = arith.constant 2 : index
    %get3A_1517 = vector.load %arg1[%get3A_1513, %get3A_1514, %get3A_1515, %get3A_1516] : memref<1x16x130x170xf32, #tpu.memory_space<vmem>>, vector<1x1x128x168xf32>
    %get3A_1518 = vector.shape_cast %get3A_1517 : vector<1x1x128x168xf32> to vector<128x168xf32>
    %slice3A_1519 = vector.extract_strided_slice %get3A_2 {offsets = [15, 0, 2], sizes = [1, 1, 1], strides = [1, 1, 1]} : vector<16x3x3xf32> to vector<1x1x1xf32>
    %squeeze3A_1520 = vector.extract %slice3A_1519[0, 0, 0] : f32 from vector<1x1x1xf32>
    %mul3A_1521 = vector.broadcast %squeeze3A_1520 : f32 to vector<128x168xf32>
    %mul3A_1522 = arith.mulf %get3A_1518, %mul3A_1521 : vector<128x168xf32>
    %add3A_1523 = arith.addf %add3A_1512, %mul3A_1522 : vector<128x168xf32>
    %get3A_1524 = arith.constant 0 : index
    %get3A_1525 = arith.constant 15 : index
    %get3A_1526 = arith.constant 1 : index
    %get3A_1527 = arith.constant 0 : index
    %get3A_1528 = vector.load %arg1[%get3A_1524, %get3A_1525, %get3A_1526, %get3A_1527] : memref<1x16x130x170xf32, #tpu.memory_space<vmem>>, vector<1x1x128x168xf32>
    %get3A_1529 = vector.shape_cast %get3A_1528 : vector<1x1x128x168xf32> to vector<128x168xf32>
    %slice3A_1530 = vector.extract_strided_slice %get3A_2 {offsets = [15, 1, 0], sizes = [1, 1, 1], strides = [1, 1, 1]} : vector<16x3x3xf32> to vector<1x1x1xf32>
    %squeeze3A_1531 = vector.extract %slice3A_1530[0, 0, 0] : f32 from vector<1x1x1xf32>
    %mul3A_1532 = vector.broadcast %squeeze3A_1531 : f32 to vector<128x168xf32>
    %mul3A_1533 = arith.mulf %get3A_1529, %mul3A_1532 : vector<128x168xf32>
    %add3A_1534 = arith.addf %add3A_1523, %mul3A_1533 : vector<128x168xf32>
    %get3A_1535 = arith.constant 0 : index
    %get3A_1536 = arith.constant 15 : index
    %get3A_1537 = arith.constant 1 : index
    %get3A_1538 = arith.constant 1 : index
    %get3A_1539 = vector.load %arg1[%get3A_1535, %get3A_1536, %get3A_1537, %get3A_1538] : memref<1x16x130x170xf32, #tpu.memory_space<vmem>>, vector<1x1x128x168xf32>
    %get3A_1540 = vector.shape_cast %get3A_1539 : vector<1x1x128x168xf32> to vector<128x168xf32>
    %slice3A_1541 = vector.extract_strided_slice %get3A_2 {offsets = [15, 1, 1], sizes = [1, 1, 1], strides = [1, 1, 1]} : vector<16x3x3xf32> to vector<1x1x1xf32>
    %squeeze3A_1542 = vector.extract %slice3A_1541[0, 0, 0] : f32 from vector<1x1x1xf32>
    %mul3A_1543 = vector.broadcast %squeeze3A_1542 : f32 to vector<128x168xf32>
    %mul3A_1544 = arith.mulf %get3A_1540, %mul3A_1543 : vector<128x168xf32>
    %add3A_1545 = arith.addf %add3A_1534, %mul3A_1544 : vector<128x168xf32>
    %get3A_1546 = arith.constant 0 : index
    %get3A_1547 = arith.constant 15 : index
    %get3A_1548 = arith.constant 1 : index
    %get3A_1549 = arith.constant 2 : index
    %get3A_1550 = vector.load %arg1[%get3A_1546, %get3A_1547, %get3A_1548, %get3A_1549] : memref<1x16x130x170xf32, #tpu.memory_space<vmem>>, vector<1x1x128x168xf32>
    %get3A_1551 = vector.shape_cast %get3A_1550 : vector<1x1x128x168xf32> to vector<128x168xf32>
    %slice3A_1552 = vector.extract_strided_slice %get3A_2 {offsets = [15, 1, 2], sizes = [1, 1, 1], strides = [1, 1, 1]} : vector<16x3x3xf32> to vector<1x1x1xf32>
    %squeeze3A_1553 = vector.extract %slice3A_1552[0, 0, 0] : f32 from vector<1x1x1xf32>
    %mul3A_1554 = vector.broadcast %squeeze3A_1553 : f32 to vector<128x168xf32>
    %mul3A_1555 = arith.mulf %get3A_1551, %mul3A_1554 : vector<128x168xf32>
    %add3A_1556 = arith.addf %add3A_1545, %mul3A_1555 : vector<128x168xf32>
    %get3A_1557 = arith.constant 0 : index
    %get3A_1558 = arith.constant 15 : index
    %get3A_1559 = arith.constant 2 : index
    %get3A_1560 = arith.constant 0 : index
    %get3A_1561 = vector.load %arg1[%get3A_1557, %get3A_1558, %get3A_1559, %get3A_1560] : memref<1x16x130x170xf32, #tpu.memory_space<vmem>>, vector<1x1x128x168xf32>
    %get3A_1562 = vector.shape_cast %get3A_1561 : vector<1x1x128x168xf32> to vector<128x168xf32>
    %slice3A_1563 = vector.extract_strided_slice %get3A_2 {offsets = [15, 2, 0], sizes = [1, 1, 1], strides = [1, 1, 1]} : vector<16x3x3xf32> to vector<1x1x1xf32>
    %squeeze3A_1564 = vector.extract %slice3A_1563[0, 0, 0] : f32 from vector<1x1x1xf32>
    %mul3A_1565 = vector.broadcast %squeeze3A_1564 : f32 to vector<128x168xf32>
    %mul3A_1566 = arith.mulf %get3A_1562, %mul3A_1565 : vector<128x168xf32>
    %add3A_1567 = arith.addf %add3A_1556, %mul3A_1566 : vector<128x168xf32>
    %get3A_1568 = arith.constant 0 : index
    %get3A_1569 = arith.constant 15 : index
    %get3A_1570 = arith.constant 2 : index
    %get3A_1571 = arith.constant 1 : index
    %get3A_1572 = vector.load %arg1[%get3A_1568, %get3A_1569, %get3A_1570, %get3A_1571] : memref<1x16x130x170xf32, #tpu.memory_space<vmem>>, vector<1x1x128x168xf32>
    %get3A_1573 = vector.shape_cast %get3A_1572 : vector<1x1x128x168xf32> to vector<128x168xf32>
    %slice3A_1574 = vector.extract_strided_slice %get3A_2 {offsets = [15, 2, 1], sizes = [1, 1, 1], strides = [1, 1, 1]} : vector<16x3x3xf32> to vector<1x1x1xf32>
    %squeeze3A_1575 = vector.extract %slice3A_1574[0, 0, 0] : f32 from vector<1x1x1xf32>
    %mul3A_1576 = vector.broadcast %squeeze3A_1575 : f32 to vector<128x168xf32>
    %mul3A_1577 = arith.mulf %get3A_1573, %mul3A_1576 : vector<128x168xf32>
    %add3A_1578 = arith.addf %add3A_1567, %mul3A_1577 : vector<128x168xf32>
    %get3A_1579 = arith.constant 0 : index
    %get3A_1580 = arith.constant 15 : index
    %get3A_1581 = arith.constant 2 : index
    %get3A_1582 = arith.constant 2 : index
    %get3A_1583 = vector.load %arg1[%get3A_1579, %get3A_1580, %get3A_1581, %get3A_1582] : memref<1x16x130x170xf32, #tpu.memory_space<vmem>>, vector<1x1x128x168xf32>
    %get3A_1584 = vector.shape_cast %get3A_1583 : vector<1x1x128x168xf32> to vector<128x168xf32>
    %slice3A_1585 = vector.extract_strided_slice %get3A_2 {offsets = [15, 2, 2], sizes = [1, 1, 1], strides = [1, 1, 1]} : vector<16x3x3xf32> to vector<1x1x1xf32>
    %squeeze3A_1586 = vector.extract %slice3A_1585[0, 0, 0] : f32 from vector<1x1x1xf32>
    %mul3A_1587 = vector.broadcast %squeeze3A_1586 : f32 to vector<128x168xf32>
    %mul3A_1588 = arith.mulf %get3A_1584, %mul3A_1587 : vector<128x168xf32>
    %add3A_1589 = arith.addf %add3A_1578, %mul3A_1588 : vector<128x168xf32>
    %neg3A = arith.constant 0.000000e+00 : f32
    %neg3A_1590 = vector.broadcast %neg3A : f32 to vector<128x168xf32>
    %neg3A_1591 = arith.subf %neg3A_1590, %add3A_1589 : vector<128x168xf32>
    %exp3A = math.exp %neg3A_1591 : vector<128x168xf32>
    %add3A_1592 = arith.constant 1.000000e+00 : f32
    %add3A_1593 = vector.broadcast %add3A_1592 : f32 to vector<128x168xf32>
    %add3A_1594 = arith.addf %add3A_1593, %exp3A : vector<128x168xf32>
    %div3A = arith.constant 1.000000e+00 : f32
    %div3A_1595 = vector.broadcast %div3A : f32 to vector<128x168xf32>
    %div3A_1596 = arith.divf %div3A_1595, %add3A_1594 : vector<128x168xf32>
    %swap3A = arith.constant 0 : index
    %swap3A_1597 = arith.constant 0 : index
    %swap3A_1598 = arith.constant 0 : index
    %swap3A_1599 = vector.load %arg4[%swap3A, %swap3A_1597, %swap3A_1598] : memref<1x128x168xf32, #tpu.memory_space<vmem>>, vector<1x128x168xf32>
    %swap3A_1600 = vector.shape_cast %swap3A_1599 : vector<1x128x168xf32> to vector<128x168xf32>
    %swap3A_1601 = vector.shape_cast %div3A_1596 : vector<128x168xf32> to vector<1x128x168xf32>
    tpu.vector_store %arg4[%swap3A, %swap3A_1597, %swap3A_1598], %swap3A_1601 {strides = array<i32>} : memref<1x128x168xf32, #tpu.memory_space<vmem>>, vector<1x128x168xf32>,
    return
  }
  func.func @transform_0(%arg0: i32) -> (i32, i32, i32, i32) {
    %c0_i32 = arith.constant 0 : i32
    %c0_i32_0 = arith.constant 0 : i32
    %c0_i32_1 = arith.constant 0 : i32
    %c0_i32_2 = arith.constant 0 : i32
    return %arg0, %c0_i32, %c0_i32_0, %c0_i32_1 : i32, i32, i32, i32
  }
  func.func @transform_1(%arg0: i32) -> (i32, i32, i32) {
    %c0_i32 = arith.constant 0 : i32
    %c0_i32_0 = arith.constant 0 : i32
    %c0_i32_1 = arith.constant 0 : i32
    %c0_i32_2 = arith.constant 0 : i32
    return %c0_i32, %c0_i32_0, %c0_i32_1 : i32, i32, i32
  }
  func.func @transform_2(%arg0: i32) -> (i32, i32) {
    %c0_i32 = arith.constant 0 : i32
    %c0_i32_0 = arith.constant 0 : i32
    %c0_i32_1 = arith.constant 0 : i32
    return %c0_i32, %c0_i32_0 : i32, i32
  }
  func.func @transform_3(%arg0: i32) -> (i32, i32, i32) {
    %c0_i32 = arith.constant 0 : i32
    %c0_i32_0 = arith.constant 0 : i32
    %c0_i32_1 = arith.constant 0 : i32
    return %arg0, %c0_i32, %c0_i32_0 : i32, i32, i32
  }
}

</mosaic_0001>

<sc_bundles>
// kernel: sparse-core-data-format-call.1.cloned.1.call-start
scs
called_computation.1_lowered:
.L_overlay_start_0:
0x0: {  	s1 =	sld [smem:$0x3FD9]  }
0x1: {  	s2 =	sld [smem:$0x3FFE];
	_ =	sdelay $0x1  }
0x2: {  	s3 =	srdreg.scid  }
0x3: {  	s0 =	sand.u32 $0x1, s3  }
0x4: {  	s17 =	sshll.u32 s0, $0xA;
	s1 =	sadd.s32 s2, s1  }
0x5: {  	s1 =	sadd.s32 s1, s17  }
0x6: {  	[smem:$0x3FB8] =	sst s1  }
0x7: {  	_ = 	snop  }
0x8: {  	(tm) =	ssettm $0x1  }
0x9: {  	s18 =	sld [smem:$0x3FFB];
	_ =	sdelay $0x3  }
0xa: {  	_ =	strace s18  }
0xb: {  	s1 =	sld [smem:$0x3FFC];
	_ =	sdelay $0x3  }
0xc: {  	_ =	strace s1  }
0xd: {  	s1 =	sld [smem:$0x3FFD];
	_ =	sdelay $0x3  }
0xe: {  	_ =	strace s1  }
0xf: {  	_ =	strace $0x8FFFFFFF  }
0x10: {  	s19 =	sld [smem:$0x3FDB];
	_ =	sdelay $0x1  }
0x11: {  	s20 =	simm.s32 $_scs_section_size  }
0x12: {  	s4 =	simm.s32 $_size__tile_overlayer_lowered;
	s5 =	simm.s32 $_tile_overlayer_lowered  }
0x13: {  	s23 =	simm.s32 $0x1BFF;
	s22 =	sshll.u32 s5, $0x1;
	s1 =	sadd.s32 s20, s19  }
0x14: {  	s6 =	simm.s32 $0x0;
	s21 =	sshll.u32 s4, $0x1;
	s4 =	sadd.s32 s22, s1  }
0x15: {  	[timem:s6], [sflag:s23] =	dma.local [hbm:s4], s21  }
0x16: {  	_ =	swait.ge [sflag:s23], s21  }
0x17: {  	s2 =	ssub.s32 $0x0, s21;
	[sflag:s23] =	ssyncset.done $0x0  }
0x18: {  	[sflag:s23] =	ssyncadd.s32 s2;
	_ =	sdelay $0x1  }
0x19: {  	s24 =	simm.s32 $0x1B8B  }
0x1a: {  	_ =	swait.ge [sflag:s24], $0x1  }
0x1b: {  	[sflag:s24] =	ssyncset.done $0x0  }
0x1c: {  	s26 =	simm.s32 $0x1B8E;
	s25 =	sld [smem:$0x3FFE];
	[sflag:s24] =	ssyncadd.s32 $0xFFFFFFFF  }
0x1d: {  	s27 =	simm.s32 $execute0_lowered;
	[smem:$0x3FD2] =	sst s26  }
0x1e: {  	s4 =	sshll.u32 s27, $0x1;
	_ =	strace $0x80000046;
	[dreg:$0x1] =	wrdreg $0xFFFFFFFF  }
0x1f: {  	s28 =	simm.s32 $_size_execute0_lowered;
	s1 =	sadd.s32 s1, s4;
	[dreg:$0x0] =	wrdreg $0x0  }
0x20: {  	s4 =	sshll.u32 s28, $0x1;
	[dreg:$0x2] =	wrdreg s1  }
0x21: {  	[dreg:$0x3] =	wrdreg s4  }
0x22: {  	[dreg:$0x4] =	wrdreg $0xC0  }
0x23: {  	_ =	task [dreg:s6], $0x5FFFF  }
0x24: {  	[dreg:$0x1] =	wrdreg $0xFFFFFFFF  }
0x25: {  	[dreg:$0x0] =	wrdreg $0x60  }
0x26: {  	[dreg:$0x2] =	wrdreg s25  }
0x27: {  	[dreg:$0x3] =	wrdreg $0x9  }
0x28: {  	_ =	task.clear_ibuf [dreg:s6], $0x4FFFF;
	_ =	strace $0x90000046  }
0x29: {  	s29 =	simm.s32 $0x9;
	_ =	strace $0x80000048  }
0x2a: {  	_ =	swait.ge [sflag:s29], $0x1  }
0x2b: {  	[sflag:s29] =	ssyncadd.s32 $0xFFFFFFFF  }
0x2c: {  	_ =	strace $0x90000048  }
0x2d: {  	_ =	sfence  }
0x2e: {  	s30 =	sld [smem:$0x0];
	_ =	sdelay $0x2  }
0x2f: {  	s31 =	sshll.u32 s3, $0xD;
	s3 =	sshrl.u32 s3, $0x2  }
0x30: {  	s2 =	sand.u32 $0x4000, s31;
	s1 =	sadd.s32 s3, s30  }
0x31: {  	s0 =	sor.u32 s2, s0;
	s1 =	sshll.u32 s1, $0x11  }
0x32: {  	s0 =	sor.u32 s1, s0  }
0x33: {  	s0 =	sadd.s32 $0x8F2B, s0  }
0x34: {  	[sflag:s0] =	ssyncadd.remote.s32 $0x1  }
0x35: {  	_ =	sfence.sel $0xFFFF  }
0x36: {  	[dreg:$0x0] =	wrdreg $0xFFFFFFFF;
	(pc) =	sbr.abs _section_cstart, $3  }
0x37: {  	[dreg:$0x1] =	wrdreg $0xFFFFFFFF  }
0x38: {  	_ =	task.clear_ibuf [dreg:s6], $0x2FFFF;
	_ =	strace $0x9FFFFFFF  }
0x39: {  	(tm) =	ssettm $0x7FFFFFFF  }
tec
execute0_lowered:
.L_overlay_start_1:
0x0: {  	(tag) =	ssettag $0x1  }
0x1: {  	s0 =	rddreg [dreg:$0x0];
	s1 =	stileid.u32  }
0x2: {  	_ =	strace $0x80000047;
	s5 =	srdreg.scid;
	s30 =	simm.s32 $0x1  }
0x3: {  	s9 =	simm.s32 $0x2;
	s26 =	simm.s32 $0x0;
	p0 =	por $0x0, $0x0  }
0x4: {  	s22 =	simm.s32 $0x0;
	s24 =	simm.s32 $0x0;
	s25 =	simm.s32 $0x0  }
0x5: {  	s23 =	simm.s32 $0x0;
	s11 =	simm.s32 $0x0;
	s12 =	simm.s32 $0x0  }
0x6: {  	s13 =	simm.s32 $0x0;
	s14 =	simm.s32 $0x0;
	s20 =	simm.s32 $0x0  }
0x7: {  	s16 =	simm.s32 $0x0;
	s21 =	simm.s32 $0x0;
	s2 =	sand.u32 $0x1, s1  }
0x8: {  	s3 =	sshrl.u32 s1, $0x1;
	s5 =	sshll.u32 s5, $0x4;
	s31 =	sadd.s32 $0x183E00, s0  }
0x9: {  	s0 =	sadd.s32 $0x383E00, s0;
	s18 =	sand.u32 $0x1, s3;
	s4 =	ssub.s32 $0x2, s2  }
0xa: {  	s28 =	sand.u32 $0x10, s5;
	s6 =	sshrl.u32 s4, $0x1;
	s7 =	ssub.s32 $0x2, s18  }
0xb: {  	s4 =	sand.u32 $0x1, s4;
	s8 =	sshrl.u32 s7, $0x1;
	s7 =	sand.u32 $0x1, s7  }
.Ltmp0:
0xc: {  	s6 =	sadd.s32 s4, s6;
	s7 =	sadd.s32 s7, s8;
	(pc) =	sbr.rel .LBB1_1-.Ltmp0, $4  }
0xd: {  	[sflag:s30] =	ssyncpa.u1 $0x0;
	s29 =	sor.u32 s1, s28;
	s7 =	smul.u32 s7, s6  }
0xe: {  	[dreg:$0x2] =	wrdreg s0;
	[sflag:s9] =	ssyncpa.u1 $0x0;
	s17 =	sshrl.u32 s29, $0x2  }
0xf: {  	s19 =	smov.u32 s2;
	[dreg:$0x3] =	wrdreg s17;
	s7 =	sshll.u32 s7, $0x7  }
0x10: {  	s8 =	smov.u32 s18;
	s6 =	simm.s32 $0x0;
	s3 =	sor.u32 $0x1, s7  }
.LBB1_4:
0x11: {  	v5 =	vld [tilespmem:s28+$0xFFFFFFD0]  }
0x12: {  	v58 =	vld [tilespmem:s28+$0xFFFFFFE0]  }
0x13: {  	v59 =	vld [tilespmem:s28+$0xFFFFFFF0]  }
0x14: {  	v60 =	vld [tilespmem:s28+$0x0]  }
0x15: {  	s0 =	sshra.s32 s31, $0x2;
	s1 =	sshll.u32 s12, $0x7;
	s31 =	sshll.u32 s20, $0x3;
	v61 =	vld [tilespmem:s28+$0x10]  }
0x16: {  	p1 =	sgt.s32 s11, $0x3F;
	s5 =	sshra.s32 s14, $0x1F;
	s15 =	smov.u32 s20;
	v62 =	vld [tilespmem:s28+$0x20]  }
0x17: {  	s4 =	sshra.s32 s20, $0x1F;
	p3 =	sgt.s32 s13, $0x1;
	[tilespmem:s29+$0x840 ss:$0x21] =	vst.msk $0xffff, v4;
	v63 =	vld [tilespmem:s28+$0xFFFFFFC0];
	s28 =	sshrl.u32 s20, $0x3  }
0x18: {  	[tilespmem:s29+$0xA50 ss:$0x21] =	vst.msk $0xffff, v3;
	s30 =	sadd.s32 s0, s30;
	s10 =	sand.u32 $0x400, s1;
	s31 =	sand.u32 $0x400, s31  }
0x19: {  	[tilespmem:s29+$0xC60 ss:$0x21] =	vst.msk $0xffff, v2;
	s1 =	sand.u32 $0x380, s1;
	s5 =	sand.u32 s5, s14;
	s4 =	sand.u32 s4, s20  }
0x1a: {  	[tilespmem:s29+$0x0 ss:$0x21] =	vst.msk $0xffff, v1;
	s29 =	sand.u32 $0xF, s28;
	s0 =	sadd.s32 s31, s10;
	s31 =	smov.u32 s11  }
0x1b: {  	s10 =	sshra.s32 s11, $0x1F;
	s5 =	sxor.u32 $0xFFFFFFFF, s5;
	s31 =	simm.s32 @!p1 $0x3F  }
0x1c: {  	s10 =	sand.u32 s10, s11;
	s0 =	sor.u32 s1, s0;
	p1 =	sgt.s32 s14, $0x1  }
0x1d: {  	s1 =	ssub.s32 s31, s10;
	s10 =	smov.u32 s14;
	s0 =	sshrl.u32 s0, $0x3  }
0x1e: {  	s31 =	sadd.s32 $0xFFFFFFC1, s1;
	s10 =	simm.s32 @!p1 $0x1;
	p1 =	sgt.s32 s20, $0x60  }
0x1f: {  	s1 =	ssub.s32 $0x40, s1;
	s15 =	simm.s32 @!p1 $0x60;
	s5 =	sadd.s32 s5, s10  }
0x20: {  	s0 =	sand.u32 $0xF0, s0;
	s4 =	ssub.s32 s15, s4;
	p2 =	sgt.s32 s5, $0x0  }
0x21: {  	s5 =	ssub.s32 $0x1, s5;
	s15 =	sshra.s32 s13, $0x1F;
	s10 =	sadd.s32 $0xFFFFFFA0, s4  }
0x22: {  	s15 =	sand.u32 s15, s13;
	s4 =	ssub.s32 $0x80, s4;
	s5 =	smul.u32 $0x54, s5  }
0x23: {  	p4 =	sgt.s32 s10, $0x1F;
	s10 =	smov.u32 s13;
	s15 =	sxor.u32 $0xFFFFFFFF, s15  }
0x24: {  	[tilespmem:s30+$0xE70 ss:$0x21] =	vst.msk $0xffff, v0;
	s10 =	simm.s32 @!p3 $0x1;
	s4 =	simm.s32 @p4 $0x0;
	s5 =	simm.s32 @p2 $0x0  }
0x25: {  	[tilespmem:s30+$0x210 ss:$0x21] =	vst.msk $0xffff, v5;
	p2 =	sgt.s32 s12, $0xF;
	s10 =	sadd.s32 s15, s10;
	s15 =	smov.u32 s12  }
0x26: {  	[tilespmem:s30+$0x420 ss:$0x21] =	vst.msk $0xffff, v58;
	s4 =	smul.u32 s4, s5;
	s5 =	sshra.s32 s12, $0x1F;
	s15 =	simm.s32 @!p2 $0xF  }
0x27: {  	[tilespmem:s30+$0x630 ss:$0x21] =	vst.msk $0xffff, v59;
	p2 =	sgt.s32 s10, $0x0;
	s10 =	ssub.s32 $0x1, s10;
	s5 =	sand.u32 s5, s12  }
0x28: {  	s28 =	rddreg [dreg:$0x2];
	[tilespmem:s30+$0x840 ss:$0x21] =	vst.msk $0xffff, v60;
	s5 =	ssub.s32 s15, s5;
	s10 =	simm.s32 @p2 $0x0  }
0x29: {  	p1 =	sgt.s32 s31, $0x0;
	[tilespmem:s30+$0xA50 ss:$0x21] =	vst.msk $0xffff, v61;
	s4 =	smul.u32 s10, s4;
	s15 =	sadd.s32 $0xFFFFFFF1, s5  }
0x2a: {  	[tilespmem:s30+$0xC60 ss:$0x21] =	vst.msk $0xffff, v62;
	s5 =	ssub.s32 $0x10, s5;
	s10 =	smul.u32 $0xA800, s14;
	p2 =	sgt.s32 s15, $0x0  }
0x2b: {  	[tilespmem:s30+$0x0 ss:$0x21] =	vst.msk $0xffff, v63;
	s30 =	simm.s32 $0x1000;
	s31 =	smov.u32 s2;
	s5 =	simm.s32 @p2 $0x0  }
0x2c: {  	s1 =	simm.s32 @p1 $0x0;
	s10 =	sadd.s32 s28, s10;
	s4 =	smul.u32 s5, s4  }
0x2d: {  	s15 =	smul.u32 $0x15000, s11;
	s5 =	sadd.s32 s29, s10;
	s29 =	sshll.u32 s13, $0x8  }
0x2e: {  	s28 =	sand.u32 $0x7, s20;
	s10 =	sadd.s32 s29, s5;
	s1 =	smul.u32 s1, s4  }
0x2f: {  	s2 =	smov.u32 s9;
	s5 =	sshll.u32 s28, $0x12;
	s4 =	sadd.s32 s15, s10  }
0x30: {  	s29 =	sor.u32 $0x20, s5;
	s0 =	sadd.s32 s0, s4;
	s1 =	sand.u32 $0x3FFFFFFC, s1  }
0x31: {  	[hbm4b:s0+s29] =	stream.strided.scatter [tilespmem:s27], [sflag:$0x2], s1, s30, s29, $0x10;
	[tilespmem:$0x4100] =	vst v63  }
.LBB1_5:
0x32: {  	p1 =	slt.u32 s21, $0x2  }
0x33: {  	s0 =	smov.u32 s26;
	s15 =	smov.u32 s22;
	s27 =	smov.u32 s6  }
0x34: {  	p0 =	por !p0, !p0;
	p2 =	sgt.s32 @!p1 s26, $0x3F;
	s1 =	sshra.s32 @!p1 s26, $0x1F  }
0x35: {  	p3 =	sgt.s32 @!p1 s25, $0x1;
	s4 =	sshra.s32 @!p1 s25, $0x1F;
	s5 =	sshra.s32 @!p1 s24, $0x1F  }
0x36: {  	p5 =	sgt.s32 @!p1 s23, $0x60;
	s10 =	sshra.s32 @!p1 s23, $0x1F;
	p2 =	por !p2, p1  }
0x37: {  	s1 =	sand.u32 @!p1 s1, s26;
	p3 =	por !p3, p1;
	s4 =	sand.u32 @!p1 s4, s25  }
0x38: {  	s5 =	sand.u32 @!p1 s5, s24;
	p5 =	por !p5, p1;
	s0 =	simm.s32 @p2 $0x3F  }
0x39: {  	s10 =	sand.u32 @!p1 s10, s23;
	s26 =	smov.u32 s11;
	s0 =	ssub.s32 @!p1 s0, s1  }
0x3a: {  	s11 =	smov.u32 s16;
	s4 =	sxor.u32 @!p1 $0xFFFFFFFF, s4;
	s1 =	sadd.s32 @!p1 $0xFFFFFFC1, s0  }
0x3b: {  	s5 =	sxor.u32 @!p1 $0xFFFFFFFF, s5;
	s0 =	ssub.s32 @!p1 $0x40, s0;
	p2 =	sgt.s32 @!p1 s1, $0x0  }
0x3c: {  	s1 =	smov.u32 s25;
	s25 =	smov.u32 s14;
	s14 =	smov.u32 s19  }
0x3d: {  	s1 =	simm.s32 @p3 $0x1;
	p3 =	sgt.s32 @!p1 s24, $0x1;
	p2 =	por !p2, p1  }
0x3e: {  	s1 =	sadd.s32 @!p1 s4, s1;
	p4 =	por !p3, p1;
	s4 =	smov.u32 s24  }
0x3f: {  	p3 =	sgt.s32 @!p1 s1, $0x0;
	s4 =	simm.s32 @p4 $0x1;
	s1 =	ssub.s32 @!p1 $0x1, s1  }
0x40: {  	s4 =	sadd.s32 @!p1 s5, s4;
	s5 =	smov.u32 s23;
	s1 =	smul.u32 @!p1 $0x54, s1  }
0x41: {  	p3 =	por !p3, p1;
	p4 =	sgt.s32 @!p1 s4, $0x0;
	s5 =	simm.s32 @p5 $0x60  }
0x42: {  	p5 =	sgt.s32 @!p1 s22, $0xF;
	s4 =	ssub.s32 @!p1 $0x1, s4;
	s5 =	ssub.s32 @!p1 s5, s10  }
0x43: {  	p5 =	por !p5, p1;
	s10 =	sshra.s32 @!p1 s22, $0x1F;
	s23 =	sadd.s32 @!p1 $0xFFFFFFA0, s5  }
0x44: {  	s1 =	simm.s32 @!p3 $0x0;
	s15 =	simm.s32 @p5 $0xF;
	p5 =	sgt.s32 @!p1 s23, $0x1F  }
0x45: {  	s10 =	sand.u32 @!p1 s10, s22;
	s5 =	ssub.s32 @!p1 $0x80, s5;
	p5 =	por !p5, p1  }
0x46: {  	p3 =	por !p4, p1;
	s10 =	ssub.s32 @!p1 s15, s10;
	s5 =	simm.s32 @!p5 $0x0  }
0x47: {  	s4 =	simm.s32 @!p3 $0x0;
	s15 =	sadd.s32 @!p1 $0xFFFFFFF1, s10;
	s1 =	smul.u32 @!p1 s5, s1  }
0x48: {  	p3 =	sgt.s32 @!p1 s15, $0x0;
	s15 =	smov.u32 s17;
	s5 =	ssub.s32 @!p1 $0x10, s10  }
0x49: {  	p3 =	por !p3, p1;
	s1 =	smul.u32 @!p1 s4, s1;
	s4 =	sadd.s32 $0x1, s16  }
0x4a: {  	s10 =	sadd.s32 $0x8, s17;
	s5 =	simm.s32 @!p3 $0x0;
	p3 =	sgt.s32 s4, $0x3F  }
0x4b: {  	s0 =	simm.s32 @!p2 $0x0;
	s1 =	smul.u32 @!p1 s5, s1;
	s15 =	smov.u32 @p3 s10  }
0x4c: {  	s5 =	sadd.s32 $0x2, s18;
	s10 =	smov.u32 s18;
	p2 =	sgt.s32 s15, $0xF  }
0x4d: {  	s24 =	smov.u32 s13;
	s0 =	smul.u32 @!p1 s0, s1;
	s10 =	smov.u32 @p2 s5  }
0x4e: {  	s1 =	sadd.s32 $0x2, s19;
	s5 =	smov.u32 s19;
	p4 =	sgt.s32 s10, $0x1  }
0x4f: {  	s0 =	sand.u32 @!p1 $0x3FFFFFFC, s0;
	s5 =	smov.u32 @p4 s1;
	s1 =	simm.s32 @!p1 $0x2  }
0x50: {  	s22 =	sadd.s32 $0x20, s6;
	p5 =	sgt.s32 s5, $0x1;
	_ =	swait.ge @!p1 [sflag:s1], s0  }
0x51: {  	s13 =	smov.u32 s18;
	s27 =	smov.u32 @p5 s22;
	s9 =	rddreg [dreg:$0x3]  }
0x52: {  	s23 =	smov.u32 s20;
	s15 =	smov.u32 @p2 s9;
	p2 =	sgt.s32 s27, $0x1F  }
0x53: {  	s20 =	smov.u32 s6;
	s27 =	simm.s32 @p2 $0x0;
	p2 =	sne.s32 s21, s3  }
.Ltmp1:
0x54: {  	s4 =	simm.s32 @p3 $0x0;
	s10 =	smov.u32 @p4 s8;
	(pc) =	sbr.rel @!p2 .LBB1_6-.Ltmp1, $4  }
0x55: {  	s16 =	smov.u32 s4;
	s0 =	ssub.s32 @!p1 $0x0, s0;
	s18 =	smov.u32 s10  }
0x56: {  	[sflag:s1] =	ssyncset.done @!p1 $0x0;
	s5 =	smov.u32 @p5 s2;
	s22 =	smov.u32 s12  }
0x57: {  	s12 =	smov.u32 s17;
	[sflag:s1] =	ssyncadd.s32 @!p1 s0;
	s19 =	smov.u32 s5  }
0x58: {  	s21 =	sadd.s32 $0x1, s21;
	s17 =	smov.u32 s15;
	s6 =	smov.u32 s27  }
.LBB1_1:
0x59: {  	p1 =	sge.u32 s21, s7  }
0x5a: {  	s0 =	sshll.u32 @!p1 s6, $0x10;
	s27 =	sxor.u32 @!p1 $0xFFFFFFFF, s21  }
0x5b: {  	s28 =	sshll.u32 @!p1 s19, $0xF;
	s29 =	sshll.u32 @!p1 s18, $0xE;
	s0 =	sadd.s32 @!p1 s31, s0  }
0x5c: {  	s30 =	sshll.u32 @!p1 s16, $0x4;
	s27 =	sshll.u32 @!p1 s27, $0xC;
	s0 =	sadd.s32 @!p1 s28, s0  }
0x5d: {  	s28 =	sshll.u32 @!p1 s17, $0xA;
	s27 =	sand.u32 @!p1 $0x1000, s27;
	s0 =	sadd.s32 @!p1 s29, s0  }
0x5e: {  	s29 =	sand.u32 @!p1 $0x3F0, s30;
	s30 =	sadd.s32 $0xFFFFFFFF, s21;
	s0 =	sadd.s32 @!p1 s28, s0  }
0x5f: {  	s28 =	simm.s32 @!p1 $0x80;
	s0 =	sadd.s32 @!p1 s29, s0;
	s29 =	simm.s32 @!p1 $0x80000  }
0x60: {  	[tilespmem:s27], [sflag:$0x1] =	stream.strided.gather @!p1 [hbm4b:s0+s28], $0x1000, s29, s28, $0x38;
	[tilespmem:$0x4100] =	vst v63  }
0x61: {  	p1 =	sge.u32 s30, s7  }
.Ltmp2:
0x62: {  	_ = 	snop;
	(pc) =	sbr.rel @p1 .LBB1_5-.Ltmp2, $1  }
0x63: {  	_ =	sdelay $0x3  }
0x64: {  	s0 =	simm.s32 $0x1;
	s1 =	simm.s32 $0x1  }
0x65: {  	s0 =	simm.s32 @!p0 $0x0;
	_ =	swait.ge [sflag:s1], $0x1000  }
0x66: {  	s27 =	sshll.u32 s0, $0xC;
	[sflag:s1] =	ssyncset.done $0x0  }
0x67: {  	s27 =	sor.u32 $0x40, s27;
	[sflag:s1] =	ssyncadd.s32 $0xFFFFF000  }
0x68: {  	s0 =	smul.u32 $0x4200, s0;
	v0 =	vld [tilespmem:s27+$0x30]  }
0x69: {  	v1 =	vld [tilespmem:s27+$0xFFFFFFD0]  }
0x6a: {  	s0 =	sshrl.u32 s0, $0x2;
	v5 =	vld [tilespmem:s27+$0xFFFFFFE0]  }
0x6b: {  	v6 =	vld [tilespmem:s27+$0xFFFFFFF0];
	s30 =	sor.u32 $0x2000, s0  }
0x6c: {  	s15 =	sand.u32 $0x1, s21;
	v4 =	vld [tilespmem:s27+$0x0];
	s29 =	sadd.s32 $0x0, s30  }
0x6d: {  	v3 =	vld [tilespmem:s27+$0x10];
	s0 =	smul.u32 $0x4200, s15;
	[tilespmem:s29+$0xE70 ss:$0x21] =	vst.msk $0xffff, v0  }
0x6e: {  	s9 =	smov.u32 s2;
	v2 =	vld [tilespmem:s27+$0x20];
	[tilespmem:s29+$0x210 ss:$0x21] =	vst.msk $0xffff, v1  }
0x6f: {  	s2 =	smov.u32 s31;
	s28 =	sadd.s32 $0x80, s27;
	s0 =	sshrl.u32 s0, $0x2;
	v1 =	vld [tilespmem:s27+$0xFFFFFFC0];
	[tilespmem:s29+$0x420 ss:$0x21] =	vst.msk $0xffff, v5  }
0x70: {  	s31 =	simm.s32 $0x4;
	s27 =	sor.u32 $0x2000, s0;
	v0 =	vld [tilespmem:s28+$0x30];
	s0 =	simm.s32 $0x8;
	[tilespmem:s29+$0x630 ss:$0x21] =	vst.msk $0xffff, v6  }
.LBB1_3:
0x71: {  	p1 =	sne.s32 s0, $0x7C;
	v5 =	vld [tilespmem:s28+$0xFFFFFFD0];
	[tilespmem:s29+$0x840 ss:$0x21] =	vst.msk $0xffff, v4  }
0x72: {  	v6 =	vld [tilespmem:s28+$0xFFFFFFE0];
	[tilespmem:s29+$0xA50 ss:$0x21] =	vst.msk $0xffff, v3  }
0x73: {  	s1 =	sshra.s32 s31, $0x2;
	s31 =	smov.u32 s0;
	v7 =	vld [tilespmem:s28+$0xFFFFFFF0];
	[tilespmem:s29+$0xC60 ss:$0x21] =	vst.msk $0xffff, v2  }
.Ltmp3:
0x74: {  	v4 =	vld [tilespmem:s28+$0x0];
	[tilespmem:s29+$0x0 ss:$0x21] =	vst.msk $0xffff, v1;
	s29 =	sadd.s32 s1, s30;
	(pc) =	sbr.rel @p1 .LBB1_3-.Ltmp3, $4  }
0x75: {  	v3 =	vld [tilespmem:s28+$0x10];
	[tilespmem:s29+$0xE70 ss:$0x21] =	vst.msk $0xffff, v0  }
0x76: {  	[tilespmem:s29+$0x210 ss:$0x21] =	vst.msk $0xffff, v5;
	v2 =	vld [tilespmem:s28+$0x20]  }
0x77: {  	v1 =	vld [tilespmem:s28+$0xFFFFFFC0];
	[tilespmem:s29+$0x420 ss:$0x21] =	vst.msk $0xffff, v6;
	s28 =	sadd.s32 $0x80, s28  }
0x78: {  	s0 =	sadd.s32 $0x4, s0;
	v0 =	vld [tilespmem:s28+$0x30];
	[tilespmem:s29+$0x630 ss:$0x21] =	vst.msk $0xffff, v7  }
.Ltmp4:
0x79: {  	_ = 	snop;
	(pc) =	sbr.rel .LBB1_4-.Ltmp4, $1  }
0x7a: {  	_ =	sdelay $0x3  }
.LBB1_6:
0x7b: {  	_ =	sfence.sel $0x180000  }
0x7c: {  	s0 =	simm.s32 $0x1;
	[bflag:$0x0] =	sbarrier.arrive $0xFFFF  }
0x7d: {  	s30 =	simm.s32 $0x2;
	[sflag:s0] =	ssyncpa.u1 $0x1  }
0x7e: {  	[sflag:s30] =	ssyncpa.u1 $0x1  }
0x7f: {  	_ =	strace $0x90000047  }
0x80: {  	s31 =	stileid.u32;
	[bflag:$0x2] =	sbarrier.arrive $0xFFFF  }
0x81: {  	p0 =	sne.s32 s31, $0x0;
	s0 =	rddreg [dreg:$0x1]  }
0x82: {  	s0 =	sadd.s32 @!p0 $0x100000, s0  }
0x83: {  	[sflag:s0] =	ssyncadd.tile.s32 @!p0 $0x1;
	_ =	shalt  }
.Lfunc_end1:
_tile_overlayer_lowered:
.L_overlay_start_2:
0x84: {  	(tag) =	ssettag $0x2  }
0x85: {  	s0 =	rddreg [dreg:$0x0];
	s2 =	stileid.u32  }
0x86: {  	s1 =	rddreg [dreg:$0x1];
	p0 =	sne.s32 s2, $0x0  }
0x87: {  	s3 =	rddreg [dreg:$0x2];
	[bflag:$0x3] =	sbarrier.arrive $0xFFFF;
	s2 =	simm.s32 @!p0 $0x1C01  }
0x88: {  	[timem:s3], [sflag:s2] =	dma.local @!p0 [hbm:s0], s1  }
0x89: {  	s0 =	simm.s32 @!p0 $0x1  }
0x8a: {  	_ =	swait.ge @!p0 [sflag:s0], s1  }
0x8b: {  	s1 =	ssub.s32 @!p0 $0x0, s1;
	[sflag:s0] =	ssyncset.done @!p0 $0x0  }
0x8c: {  	[sflag:s0] =	ssyncadd.s32 @!p0 s1  }
0x8d: {  	[bflag:$0x3] =	sbarrier.arrive $0xFFFF  }
0x8e: {  	_ =	shalt  }

// kernel: sparse-core-data-format-call.cloned.1.call-start
scs
called_computation_lowered:
.L_overlay_start_0:
0x0: {  	s1 =	sld [smem:$0x3FD9]  }
0x1: {  	s2 =	sld [smem:$0x3FFE];
	_ =	sdelay $0x1  }
0x2: {  	s3 =	srdreg.scid  }
0x3: {  	s0 =	sand.u32 $0x1, s3  }
0x4: {  	s17 =	sshll.u32 s0, $0xA;
	s1 =	sadd.s32 s2, s1  }
0x5: {  	s1 =	sadd.s32 s1, s17  }
0x6: {  	[smem:$0x3FB8] =	sst s1  }
0x7: {  	_ = 	snop  }
0x8: {  	(tm) =	ssettm $0x1  }
0x9: {  	s18 =	sld [smem:$0x3FFB];
	_ =	sdelay $0x3  }
0xa: {  	_ =	strace s18  }
0xb: {  	s1 =	sld [smem:$0x3FFC];
	_ =	sdelay $0x3  }
0xc: {  	_ =	strace s1  }
0xd: {  	s1 =	sld [smem:$0x3FFD];
	_ =	sdelay $0x3  }
0xe: {  	_ =	strace s1  }
0xf: {  	_ =	strace $0x8FFFFFFF  }
0x10: {  	s19 =	sld [smem:$0x3FDB];
	_ =	sdelay $0x1  }
0x11: {  	s20 =	simm.s32 $_scs_section_size  }
0x12: {  	s4 =	simm.s32 $_size__tile_overlayer_lowered;
	s5 =	simm.s32 $_tile_overlayer_lowered  }
0x13: {  	s23 =	simm.s32 $0x1BFF;
	s22 =	sshll.u32 s5, $0x1;
	s1 =	sadd.s32 s20, s19  }
0x14: {  	s6 =	simm.s32 $0x0;
	s21 =	sshll.u32 s4, $0x1;
	s4 =	sadd.s32 s22, s1  }
0x15: {  	[timem:s6], [sflag:s23] =	dma.local [hbm:s4], s21  }
0x16: {  	_ =	swait.ge [sflag:s23], s21  }
0x17: {  	s2 =	ssub.s32 $0x0, s21;
	[sflag:s23] =	ssyncset.done $0x0  }
0x18: {  	[sflag:s23] =	ssyncadd.s32 s2;
	_ =	sdelay $0x1  }
0x19: {  	s24 =	simm.s32 $0x1B8B  }
0x1a: {  	_ =	swait.ge [sflag:s24], $0x1  }
0x1b: {  	[sflag:s24] =	ssyncset.done $0x0  }
0x1c: {  	s26 =	simm.s32 $0x1B8E;
	s25 =	sld [smem:$0x3FFE];
	[sflag:s24] =	ssyncadd.s32 $0xFFFFFFFF  }
0x1d: {  	s27 =	simm.s32 $execute0_lowered;
	[smem:$0x3FD2] =	sst s26  }
0x1e: {  	s4 =	sshll.u32 s27, $0x1;
	_ =	strace $0x80000049;
	[dreg:$0x1] =	wrdreg $0xFFFFFFFF  }
0x1f: {  	s28 =	simm.s32 $_size_execute0_lowered;
	s1 =	sadd.s32 s1, s4;
	[dreg:$0x0] =	wrdreg $0x0  }
0x20: {  	s4 =	sshll.u32 s28, $0x1;
	[dreg:$0x2] =	wrdreg s1  }
0x21: {  	[dreg:$0x3] =	wrdreg s4  }
0x22: {  	[dreg:$0x4] =	wrdreg $0xC0  }
0x23: {  	_ =	task [dreg:s6], $0x5FFFF  }
0x24: {  	[dreg:$0x1] =	wrdreg $0xFFFFFFFF  }
0x25: {  	[dreg:$0x0] =	wrdreg $0x60  }
0x26: {  	[dreg:$0x2] =	wrdreg s25  }
0x27: {  	[dreg:$0x3] =	wrdreg $0x9  }
0x28: {  	_ =	task.clear_ibuf [dreg:s6], $0x4FFFF;
	_ =	strace $0x90000049  }
0x29: {  	s29 =	simm.s32 $0x9;
	_ =	strace $0x8000004B  }
0x2a: {  	_ =	swait.ge [sflag:s29], $0x1  }
0x2b: {  	[sflag:s29] =	ssyncadd.s32 $0xFFFFFFFF  }
0x2c: {  	_ =	strace $0x9000004B  }
0x2d: {  	_ =	sfence  }
0x2e: {  	s30 =	sld [smem:$0x0];
	_ =	sdelay $0x2  }
0x2f: {  	s31 =	sshll.u32 s3, $0xD;
	s3 =	sshrl.u32 s3, $0x2  }
0x30: {  	s2 =	sand.u32 $0x4000, s31;
	s1 =	sadd.s32 s3, s30  }
0x31: {  	s0 =	sor.u32 s2, s0;
	s1 =	sshll.u32 s1, $0x11  }
0x32: {  	s0 =	sor.u32 s1, s0  }
0x33: {  	s0 =	sadd.s32 $0x8F2B, s0  }
0x34: {  	[sflag:s0] =	ssyncadd.remote.s32 $0x1  }
0x35: {  	_ =	sfence.sel $0xFFFF  }
0x36: {  	[dreg:$0x0] =	wrdreg $0xFFFFFFFF;
	(pc) =	sbr.abs _section_cstart, $3  }
0x37: {  	[dreg:$0x1] =	wrdreg $0xFFFFFFFF  }
0x38: {  	_ =	task.clear_ibuf [dreg:s6], $0x2FFFF;
	_ =	strace $0x9FFFFFFF  }
0x39: {  	(tm) =	ssettm $0x7FFFFFFF  }
tec
execute0_lowered:
.L_overlay_start_1:
0x0: {  	(tag) =	ssettag $0x1  }
0x1: {  	s4 =	rddreg [dreg:$0x0]  }
0x2: {  	s0 =	rddreg [dreg:$0x1];
	_ =	strace $0x8000004A;
	s3 =	srdreg.scid  }
0x3: {  	s1 =	stileid.u32;
	s6 =	simm.s32 $0x2;
	s12 =	simm.s32 $0x0  }
0x4: {  	s14 =	simm.s32 $0x0;
	s13 =	simm.s32 $0x0;
	s15 =	simm.s32 $0x0  }
.Ltmp0:
0x5: {  	s8 =	simm.s32 $0x0;
	s9 =	simm.s32 $0x0;
	(pc) =	sbr.rel .LBB1_1-.Ltmp0, $4  }
0x6: {  	s10 =	simm.s32 $0x0;
	s7 =	simm.s32 $0x0;
	s5 =	sshll.u32 s3, $0x4  }
0x7: {  	s2 =	sadd.s32 $0x383E00, s4;
	s3 =	simm.s32 $0x1;
	s5 =	sand.u32 $0x10, s5  }
0x8: {  	s4 =	sadd.s32 $0x33E00, s4;
	[sflag:s3] =	ssyncpa.u1 $0x0;
	s5 =	sor.u32 s1, s5  }
0x9: {  	[sflag:s6] =	ssyncpa.u1 $0x0;
	s6 =	simm.s32 $0x8000;
	s11 =	smov.u32 s5  }
.LBB1_7:
0xa: {  	s16 =	sadd.s32 $0x10, s8  }
0xb: {  	s12 =	sadd.s32 $0x10, s9;
	s17 =	smov.u32 s9;
	p1 =	sgt.s32 s16, $0x1F  }
0xc: {  	s17 =	smov.u32 @p1 s12  }
0xd: {  	s18 =	smov.u32 s10;
	s12 =	sadd.s32 $0x40, s10;
	p2 =	sgt.s32 s17, $0xF  }
0xe: {  	s18 =	smov.u32 @p2 s12  }
0xf: {  	s19 =	smov.u32 s11;
	s12 =	sadd.s32 $0x20, s11;
	p3 =	sgt.s32 s18, $0xA7  }
0x10: {  	p0 =	slt.u32 s7, $0x2;
	s19 =	smov.u32 @p3 s12  }
0x11: {  	s7 =	sadd.s32 $0x1, s7;
	s16 =	simm.s32 @p1 $0x0;
	p1 =	sgt.s32 s19, $0x7F  }
0x12: {  	s20 =	simm.s32 @!p0 $0x2;
	s19 =	smov.u32 @p1 s5;
	p1 =	sne.s32 s7, $0x1A  }
.Ltmp1:
0x13: {  	_ =	swait.ge @!p0 [sflag:s20], $0x4000;
	(pc) =	sbr.rel @!p1 .LBB1_8-.Ltmp1, $4  }
0x14: {  	s14 =	smov.u32 s9;
	s13 =	smov.u32 s10;
	[sflag:s20] =	ssyncset.done @!p0 $0x0  }
0x15: {  	s15 =	smov.u32 s11;
	s17 =	simm.s32 @p2 $0x0;
	[sflag:s20] =	ssyncadd.s32 @!p0 $0xFFFFC000  }
0x16: {  	s9 =	smov.u32 s17;
	s18 =	simm.s32 @p3 $0x0;
	s12 =	smov.u32 s8  }
0x17: {  	s8 =	smov.u32 s16;
	s10 =	smov.u32 s18;
	s11 =	smov.u32 s19  }
.LBB1_1:
0x18: {  	p0 =	sgt.u32 s7, $0x17;
	s17 =	smov.u32 s11  }
0x19: {  	p1 =	sgt.s32 @!p0 s11, $0x7F;
	s16 =	sshll.u32 @!p0 s9, $0x7;
	s18 =	sshra.s32 @!p0 s11, $0x1F  }
0x1a: {  	s19 =	sshra.s32 @!p0 s10, $0x1F;
	p1 =	por !p1, p0;
	s18 =	sand.u32 @!p0 s18, s11  }
0x1b: {  	s19 =	sand.u32 @!p0 s19, s10;
	s21 =	sand.u32 @!p0 $0x400, s16;
	s17 =	simm.s32 @p1 $0x7F  }
0x1c: {  	s16 =	sand.u32 @!p0 $0x380, s16;
	p1 =	sgt.s32 @!p0 s10, $0x68;
	s17 =	ssub.s32 @!p0 s17, s18  }
0x1d: {  	p1 =	por !p1, p0;
	s18 =	smov.u32 s10;
	s20 =	sadd.s32 @!p0 $0xFFFFFF81, s17  }
0x1e: {  	s18 =	simm.s32 @p1 $0x68;
	s17 =	ssub.s32 @!p0 $0x80, s17;
	p1 =	sgt.s32 @!p0 s20, $0x0  }
0x1f: {  	s18 =	ssub.s32 @!p0 s18, s19;
	s20 =	sshll.u32 @!p0 s8, $0x3;
	p1 =	por !p1, p0  }
0x20: {  	s19 =	sadd.s32 @!p0 $0xFFFFFF98, s18;
	s18 =	ssub.s32 @!p0 $0xA8, s18;
	s17 =	simm.s32 @!p1 $0x0  }
0x21: {  	p1 =	sgt.s32 @!p0 s19, $0x3F;
	s19 =	sand.u32 @!p0 $0x400, s20;
	s20 =	sshra.s32 @!p0 s8, $0x1F  }
0x22: {  	p1 =	por !p1, p0;
	s19 =	sadd.s32 @!p0 s21, s19;
	s20 =	sand.u32 @!p0 s20, s8  }
0x23: {  	s21 =	sxor.u32 @!p0 $0xFFFFFFFF, s7;
	s18 =	simm.s32 @!p1 $0x0;
	s16 =	sor.u32 @!p0 s16, s19  }
0x24: {  	p1 =	sgt.s32 @!p0 s8, $0x70;
	s17 =	smul.u32 @!p0 s17, s18;
	s18 =	ssub.s32 @!p0 $0x0, s9  }
0x25: {  	s19 =	smov.u32 s8;
	p1 =	por !p1, p0;
	s18 =	smin.u32 @!p0 s9, s18  }
0x26: {  	s21 =	sshll.u32 @!p0 s21, $0xE;
	s19 =	simm.s32 @p1 $0x70;
	p1 =	sgt.s32 @!p0 s18, $0xF  }
0x27: {  	s19 =	ssub.s32 @!p0 s19, s20;
	s18 =	ssub.s32 @!p0 $0x10, s18;
	p1 =	por !p1, p0  }
0x28: {  	s16 =	sshrl.u32 @!p0 s16, $0x3;
	s20 =	sadd.s32 @!p0 $0xFFFFFF90, s19;
	s18 =	simm.s32 @!p1 $0x0  }
0x29: {  	s16 =	sand.u32 @!p0 $0xF0, s16;
	p1 =	sgt.s32 @!p0 s20, $0xF;
	s17 =	smul.u32 @!p0 s18, s17  }
0x2a: {  	s18 =	ssub.s32 @!p0 $0x80, s19;
	p1 =	por !p1, p0;
	s19 =	smul.u32 @!p0 $0xA800, s11  }
0x2b: {  	s20 =	sand.u32 @!p0 $0x4000, s21;
	s21 =	sshrl.u32 @!p0 s8, $0x3;
	s18 =	simm.s32 @!p1 $0x0  }
0x2c: {  	s17 =	smul.u32 @!p0 s18, s17;
	s18 =	sshll.u32 @!p0 s10, $0x8;
	s19 =	sadd.s32 @!p0 s2, s19  }
0x2d: {  	s21 =	sand.u32 @!p0 $0xF, s21;
	s18 =	sadd.s32 @!p0 s18, s19;
	s19 =	sand.u32 @!p0 $0x7, s8  }
0x2e: {  	s17 =	sand.u32 @!p0 $0x3FFFFFFF, s17;
	s18 =	sadd.s32 @!p0 s21, s18;
	s19 =	sshll.u32 @!p0 s19, $0x12  }
0x2f: {  	s16 =	sadd.s32 @!p0 s16, s18;
	s18 =	sor.u32 @!p0 $0x10, s19;
	s19 =	simm.s32 @!p0 $0x80  }
0x30: {  	[tilespmem:s20], [sflag:$0x1] =	stream.strided.gather @!p0 [hbm4b:s16+s18], s17, s19, s18, $0x38;
	[tilespmem:$0x10200] =	vst v63  }
0x31: {  	p0 =	seq.s32 s7, $0x0  }
0x32: {  	p1 =	seq.s32 @!p0 s7, $0x19  }
0x33: {  	p0 =	por p0, p1  }
.Ltmp2:
0x34: {  	_ = 	snop;
	(pc) =	sbr.rel @p0 .LBB1_7-.Ltmp2, $1  }
0x35: {  	_ =	sdelay $0x3  }
0x36: {  	p0 =	sgt.s32 s15, $0x7F  }
0x37: {  	s16 =	smov.u32 s15;
	s17 =	sshra.s32 s15, $0x1F;
	s18 =	smov.u32 s13  }
0x38: {  	s19 =	sshra.s32 s13, $0x1F;
	s27 =	ssub.s32 $0x0, s14;
	s28 =	sshra.s32 s12, $0x1F  }
0x39: {  	s16 =	simm.s32 @!p0 $0x7F;
	s17 =	sand.u32 s17, s15;
	p0 =	sgt.s32 s13, $0x68  }
0x3a: {  	s25 =	sand.u32 s19, s13;
	s16 =	ssub.s32 s16, s17;
	s18 =	simm.s32 @!p0 $0x68  }
0x3b: {  	s19 =	sand.u32 s28, s12;
	s26 =	sadd.s32 $0xFFFFFF81, s16;
	s17 =	ssub.s32 s18, s25  }
0x3c: {  	s16 =	ssub.s32 $0x80, s16;
	p0 =	sgt.s32 s26, $0x0;
	s18 =	sadd.s32 $0xFFFFFF98, s17  }
0x3d: {  	s17 =	ssub.s32 $0xA8, s17;
	p1 =	sgt.s32 s18, $0x3F;
	s16 =	simm.s32 @p0 $0x0  }
0x3e: {  	p0 =	sgt.s32 s12, $0x70;
	s18 =	smov.u32 s12;
	s17 =	simm.s32 @p1 $0x0  }
0x3f: {  	s18 =	simm.s32 @!p0 $0x70;
	s16 =	smul.u32 s16, s17;
	s17 =	smin.u32 s14, s27  }
0x40: {  	s18 =	ssub.s32 s18, s19;
	p0 =	sgt.s32 s17, $0xF;
	s17 =	ssub.s32 $0x10, s17  }
0x41: {  	s19 =	sadd.s32 $0xFFFFFF90, s18;
	s17 =	simm.s32 @p0 $0x0  }
0x42: {  	p0 =	sgt.s32 s19, $0xF;
	s16 =	smul.u32 s17, s16;
	s17 =	ssub.s32 $0x80, s18  }
0x43: {  	s17 =	simm.s32 @p0 $0x0  }
0x44: {  	s29 =	sand.u32 $0x1, s7;
	s16 =	smul.u32 s17, s16  }
0x45: {  	s30 =	smul.u32 $0x10400, s29  }
0x46: {  	s16 =	sand.u32 $0x3FFFFFFF, s16  }
0x47: {  	s31 =	sshrl.u32 s30, $0x2;
	_ =	swait.ge [sflag:s3], s16  }
0x48: {  	s18 =	simm.s32 $0x0;
	s16 =	ssub.s32 $0x0, s16;
	[sflag:s3] =	ssyncset.done $0x0  }
0x49: {  	s17 =	sshll.u32 s29, $0xE;
	[sflag:s3] =	ssyncadd.s32 s16;
	s16 =	sor.u32 $0x8000, s31  }
.LBB1_3:
0x4a: {  	s19 =	sshll.u32 s18, $0x8  }
0x4b: {  	s19 =	sand.u32 $0x3FFFFF00, s19  }
0x4c: {  	s19 =	sadd.s32 s19, s17  }
0x4d: {  	v0 =	vmov s19;
	_ =	sdelay $0x1  }
0x4e: {  	p0 =	por $0x1, $0x1;
	s19 =	simm.s32 $0x0  }
.LBB1_4:
0x4f: {  	s20 =	sshll.u32 s19, $0x4  }
0x50: {  	s20 =	sand.u32 $0x3FFFFFF0, s20  }
0x51: {  	s31 =	smul.u32 $0x104, s19;
	v1 =	vld.idx.msk [tilespmem:v0+s20+$0x0 ss:$0x1], $0xffff  }
0x52: {  	v2 =	vld.idx.msk [tilespmem:v0+s20+$0x10 ss:$0x1], $0xffff  }
0x53: {  	s19 =	sshra.s32 s31, $0x2;
	v3 =	vld.idx.msk [tilespmem:v0+s20+$0x20 ss:$0x1], $0xffff  }
0x54: {  	v4 =	vld.idx.msk [tilespmem:v0+s20+$0x30 ss:$0x1], $0xffff;
	s19 =	sadd.s32 s19, s16  }
0x55: {  	v5 =	vld.idx.msk [tilespmem:v0+s20+$0x40 ss:$0x1], $0xffff;
	s19 =	sadd.s32 s18, s19  }
0x56: {  	[tilespmem:s19+$0x0 ss:$0x410] =	vst.msk $0xffff, v1;
	v1 =	vld.idx.msk [tilespmem:v0+s20+$0x50 ss:$0x1], $0xffff  }
0x57: {  	[tilespmem:s19+$0x41 ss:$0x410] =	vst.msk $0xffff, v2;
	v2 =	vld.idx.msk [tilespmem:v0+s20+$0x60 ss:$0x1], $0xffff  }
0x58: {  	p1 =	por p0, p0;
	[tilespmem:s19+$0x82 ss:$0x410] =	vst.msk $0xffff, v3;
	v3 =	vld.idx.msk [tilespmem:v0+s20+$0x70 ss:$0x1], $0xffff  }
.Ltmp3:
0x59: {  	[tilespmem:s19+$0xC3 ss:$0x410] =	vst.msk $0xffff, v4;
	(pc) =	sbr.rel @p1 .LBB1_4-.Ltmp3, $4  }
0x5a: {  	[tilespmem:s19+$0x104 ss:$0x410] =	vst.msk $0xffff, v5  }
0x5b: {  	[tilespmem:s19+$0x145 ss:$0x410] =	vst.msk $0xffff, v1  }
0x5c: {  	[tilespmem:s19+$0x186 ss:$0x410] =	vst.msk $0xffff, v2  }
0x5d: {  	p0 =	por $0x0, $0x0;
	[tilespmem:s19+$0x1C7 ss:$0x410] =	vst.msk $0xffff, v3;
	s19 =	simm.s32 $0x8  }
0x5e: {  	s18 =	sadd.s32 $0x1, s18  }
0x5f: {  	p0 =	sne.s32 s18, $0x40  }
.Ltmp4:
0x60: {  	_ = 	snop;
	(pc) =	sbr.rel @p0 .LBB1_3-.Ltmp4, $1  }
0x61: {  	_ =	sdelay $0x3  }
0x62: {  	s17 =	sand.u32 $0x78, s13  }
0x63: {  	s18 =	sshll.u32 s15, $0x8;
	s19 =	sshll.u32 s13, $0x3;
	s27 =	sshll.u32 s15, $0x7  }
0x64: {  	s14 =	sshll.u32 s14, $0xC;
	s12 =	sshll.u32 s12, $0x10;
	s30 =	sand.u32 $0x7, s13  }
0x65: {  	s18 =	sand.u32 $0x7800, s18;
	s19 =	sand.u32 $0x7C00, s19;
	s28 =	sand.u32 $0x300, s27  }
0x66: {  	s15 =	sand.u32 $0x80, s27;
	s14 =	sadd.s32 s4, s14;
	s18 =	sadd.s32 s18, s19  }
.Ltmp5:
0x67: {  	s15 =	sor.u32 s17, s15;
	s18 =	sor.u32 s28, s18;
	(pc) =	sbr.rel .LBB1_7-.Ltmp5, $4  }
0x68: {  	s12 =	sadd.s32 s12, s14;
	s15 =	sshrl.u32 s15, $0x3;
	s29 =	sshrl.u32 s18, $0x3  }
0x69: {  	s13 =	sshll.u32 s30, $0x12;
	s12 =	sadd.s32 s15, s12;
	s31 =	sand.u32 $0xFE0, s29  }
0x6a: {  	s13 =	sor.u32 $0x40, s13;
	s12 =	sadd.s32 s31, s12  }
0x6b: {  	[hbm4b:s12+s13] =	stream.strided.scatter [tilespmem:s16], [sflag:$0x2], $0x4000, s6, s13, $0x18;
	[tilespmem:$0x10200] =	vst v63  }
.LBB1_8:
0x6c: {  	_ =	sfence.sel $0x180000  }
0x6d: {  	s2 =	simm.s32 $0x1;
	[bflag:$0x0] =	sbarrier.arrive $0xFFFF  }
0x6e: {  	s31 =	simm.s32 $0x2;
	[sflag:s2] =	ssyncpa.u1 $0x1  }
0x6f: {  	[sflag:s31] =	ssyncpa.u1 $0x1  }
0x70: {  	p0 =	sne.s32 s1, $0x0;
	_ =	strace $0x9000004A  }
0x71: {  	s0 =	sadd.s32 @!p0 $0x100000, s0;
	[bflag:$0x2] =	sbarrier.arrive $0xFFFF  }
0x72: {  	[sflag:s0] =	ssyncadd.tile.s32 @!p0 $0x1;
	_ =	shalt  }
.Lfunc_end1:
_tile_overlayer_lowered:
.L_overlay_start_2:
0x73: {  	(tag) =	ssettag $0x2  }
0x74: {  	s0 =	rddreg [dreg:$0x0];
	s2 =	stileid.u32  }
0x75: {  	s1 =	rddreg [dreg:$0x1];
	p0 =	sne.s32 s2, $0x0  }
0x76: {  	s3 =	rddreg [dreg:$0x2];
	[bflag:$0x3] =	sbarrier.arrive $0xFFFF;
	s2 =	simm.s32 @!p0 $0x1C01  }
0x77: {  	[timem:s3], [sflag:s2] =	dma.local @!p0 [hbm:s0], s1  }
0x78: {  	s0 =	simm.s32 @!p0 $0x1  }
0x79: {  	_ =	swait.ge @!p0 [sflag:s0], s1  }
0x7a: {  	s1 =	ssub.s32 @!p0 $0x0, s1;
	[sflag:s0] =	ssyncset.done @!p0 $0x0  }
0x7b: {  	[sflag:s0] =	ssyncadd.s32 @!p0 s1  }
0x7c: {  	[bflag:$0x3] =	sbarrier.arrive $0xFFFF  }
0x7d: {  	_ =	shalt  }

</sc_bundles>
